<compile_context>
chip_gen: v7x
topology: tpu7x:2x2x1
jax: 0.10.2.dev20260603
libtpu: 0.0.44.dev20260713+nightly
codegen_flags: <defaults>
</compile_context>

<pallas_src>
import functools

import jax
import jax.numpy as jnp
from jax import lax
from jax.experimental import pallas as pl
from jax.experimental.pallas import tpu as pltpu
from jax.experimental.pallas import tpu_sc as plsc

N = 32768
H = 128
B = 16
DAPP = 32
NCLS = 2

NC = 2
NS = 16
NW = NC * NS
RW = N // NW
CH = 128
NCH = RW // CH
NBUF = 4
L = 16


NR = B + 1


def _seg_sum_body(h_hbm, seg_hbm, tgt_hbm, out_hbm,
                  seg_v, tgt_v, csg2_v, idx16_v, acc_v, buf_v, zero_v,
                  acc_sh, gsem):
    c = lax.axis_index("c")
    s = lax.axis_index("s")
    wid = s * NC + c
    base = wid * RW

    pltpu.sync_copy(seg_hbm.at[pl.ds(base, RW)], seg_v)
    pltpu.sync_copy(tgt_hbm.at[pl.ds(base, RW)], tgt_v)

    zv = jnp.zeros((L,), jnp.float32)
    lanes = lax.iota(jnp.int32, L)

    @pl.when(s == 0)
    def _zero():
        def zrow(i, carry):
            zero_v[i // (H // L), pl.ds((i % (H // L)) * L, L)] = zv
            return carry

        lax.fori_loop(0, NR * (H // L), zrow, 0)
        pltpu.sync_copy(zero_v, acc_sh)

    trash = jnp.zeros((L,), jnp.int32) + B

    def mkidx(i, carry):
        sv = seg_v[pl.ds(i * L, L)]
        tv = tgt_v[pl.ds(i * L, L)]
        csg2_v[i // (CH // L), pl.ds((i % (CH // L)) * L, L)] = jnp.where(
            tv == 1, sv, trash)
        return carry

    lax.fori_loop(0, RW // L, mkidx, 0)

    def zloc(i, carry):
        acc_v[i // (H // L), pl.ds((i % (H // L)) * L, L)] = zv
        return carry

    lax.fori_loop(0, B * (H // L), zloc, 0)
    idx16_v[0, pl.ds(0, L)] = lanes

    plsc.subcore_barrier()

    pltpu.async_copy(h_hbm.at[pl.ds(base, CH)], buf_v.at[0], gsem)
    pltpu.async_copy(h_hbm.at[pl.ds(base + CH, CH)], buf_v.at[1], gsem)

    def chunk_body(i, carry):
        slot = lax.rem(i, 2)
        pltpu.make_async_copy(h_hbm.at[pl.ds(base + i * CH, CH)],
                              buf_v.at[slot], gsem).wait()
        svf = seg_v[pl.ds(i * CH, L)]
        svl = seg_v[pl.ds(i * CH + CH - L, L)]
        uni = svf[0] == svl[L - 1]

        @pl.when(uni)
        def _uniform():
            def grp(g, acc):
                g0 = g * L
                tf = tgt_v[pl.ds(i * CH + g0, L)].astype(jnp.float32)
                ae, ao = acc
                for r in range(0, L, 2):
                    me = tf[r]
                    mo = tf[r + 1]
                    ae = tuple(
                        ae[j] + buf_v[slot, g0 + r, pl.ds(j * L, L)] * me
                        for j in range(H // L))
                    ao = tuple(
                        ao[j] + buf_v[slot, g0 + r + 1, pl.ds(j * L, L)] * mo
                        for j in range(H // L))
                return ae, ao

            acc0 = tuple(zv for _ in range(H // L))
            ae, ao = lax.fori_loop(0, CH // L, grp, (acc0, acc0))
            row = svf[0]
            for j in range(H // L):
                plsc.addupdate(acc_v.at[row, pl.ds(j * L, L)], ae[j] + ao[j])

        @pl.when(jnp.logical_not(uni))
        def _mixed():
            pltpu.sync_copy(buf_v.at[slot], acc_sh.at[csg2_v.at[i]],
                            add=True)

        @pl.when(i + 2 < NCH)
        def _next():
            pltpu.async_copy(h_hbm.at[pl.ds(base + (i + 2) * CH, CH)],
                             buf_v.at[slot], gsem)

        return carry

    lax.fori_loop(0, NCH, chunk_body, 0)

    pltpu.sync_copy(acc_v, acc_sh.at[idx16_v.at[0]], add=True)

    plsc.subcore_barrier()

    @pl.when(s == 0)
    def _emit():
        pltpu.sync_copy(acc_sh, out_hbm.at[c])


@functools.lru_cache(maxsize=1)
def _seg_sum():
    return pl.kernel(
        _seg_sum_body,
        out_type=jax.ShapeDtypeStruct((NC, B + 1, H), jnp.float32),
        mesh=plsc.VectorSubcoreMesh(core_axis_name="c", subcore_axis_name="s"),
        scratch_types=[
            pltpu.VMEM((RW,), jnp.int32),
            pltpu.VMEM((RW,), jnp.int32),
            pltpu.VMEM((NCH, CH), jnp.int32),
            pltpu.VMEM((1, L), jnp.int32),
            pltpu.VMEM((B, H), jnp.float32),
            pltpu.VMEM((2, CH, H), jnp.float32),
            pltpu.VMEM((NR, H), jnp.float32),
            pltpu.VMEM_SHARED((NR, H), jnp.float32),
            pltpu.SemaphoreType.DMA,
        ],
    )


def _stats_body(seg_ref, tgt_ref, dep_ref, feat_ref, w2_ref, w3_ref, b_ref,
                out_ref):
    seg = seg_ref[...]
    tgt = tgt_ref[...]
    dep = dep_ref[...]
    gid = lax.broadcasted_iota(jnp.int32, (B,) + seg.shape, 0)
    m = seg[None, :, :] == gid
    num_tot = jnp.sum(m.astype(jnp.float32), axis=(1, 2))
    num_tgt = jnp.sum(jnp.where(jnp.logical_and(m, tgt[None, :, :] == 1),
                                1.0, 0.0), axis=(1, 2))
    mx = jnp.max(jnp.where(m, dep[None, :, :], -jnp.inf), axis=(1, 2))
    out_ref[...] = (
        jnp.dot(feat_ref[...], w2_ref[...], preferred_element_type=jnp.float32)
        + mx[:, None] * w3_ref[0, :][None, :]
        + num_tgt[:, None] * w3_ref[1, :][None, :]
        + num_tot[:, None] * w3_ref[2, :][None, :]
        + b_ref[0, :][None, :]
    )


def _combine_body(parts_ref, rest_ref, w1_ref, out_ref):
    gh = parts_ref[0, :B, :] + parts_ref[1, :B, :]
    out_ref[...] = rest_ref[...] + jnp.dot(
        gh, w1_ref[...], preferred_element_type=jnp.float32)


def kernel(h, segment_ids, is_target, depth, feature, W, b):
    seg = segment_ids.astype(jnp.int32)
    tgt = is_target.astype(jnp.int32)
    parts = _seg_sum()(h, seg, tgt)
    rest = pl.pallas_call(
        _stats_body,
        out_shape=jax.ShapeDtypeStruct((B, NCLS), jnp.float32),
    )(seg.reshape(N // H, H), tgt.reshape(N // H, H),
      depth.reshape(N // H, H), feature,
      W[H:H + DAPP], W[H + DAPP:], b.reshape(1, NCLS))
    logits = pl.pallas_call(
        _combine_body,
        out_shape=jax.ShapeDtypeStruct((B, NCLS), jnp.float32),
    )(parts, rest, W[:H])
    return logits

# --- scband reference (transcript-rebuilt; emitter-appended) ---
"""Pipeline reference for scband-gnnbase-74577812128022 (READ-ONLY COPY).

The authoritative reference and input builder live on the scoring server;
editing this copy changes nothing except your own understanding.
"""

import jax, jax.numpy as jnp
import numpy as np

B = 16          # number of graphs in the batch (dgl.unbatch count)
N = 32768       # total nodes across the batched graph (ragged)
H = 128         # hidden_size from config
DAPP = 32       # app feature dim
NCLS = 2        # classifier output classes


def setup_inputs(seed: int = 0) -> dict:
    key = jax.random.key(seed)
    ks = jax.random.split(key, 8)
    # node-level hidden states (output of get_hidden_for_classifier, treated as input)
    h = jax.random.normal(ks[0], (N, H), dtype=jnp.float32)
    # graph id per node (ragged membership), sorted like dgl batched graphs
    segment_ids = jnp.sort(jax.random.randint(ks[1], (N,), 0, B))
    # ndata['is_target'] mask (0/1)
    is_target = jax.random.randint(ks[2], (N,), 0, 2)
    # ndata['depth'] per node
    depth = jax.random.randint(ks[3], (N,), 0, 64).astype(jnp.float32)
    # app-level features per graph (use_app_feats=True)
    feature = jax.random.normal(ks[4], (B, DAPP), dtype=jnp.float32)
    # classifier params: input = hidden + app feats + 3 graph feats
    W = jax.random.normal(ks[5], (H + DAPP + 3, NCLS), dtype=jnp.float32) * 0.02
    b = jnp.zeros((NCLS,), dtype=jnp.float32)
    return {"h": h, "segment_ids": segment_ids, "is_target": is_target,
            "depth": depth, "feature": feature, "W": W, "b": b}


def reference(h, segment_ids, is_target, depth, feature, W, b):
    # unbatch_hidden with gnn_aggregate_type == 'sum':
    # per-graph sum of hidden states over target nodes (ragged segment reduce)
    mask = (is_target == 1).astype(h.dtype)
    graph_h = jax.ops.segment_sum(h * mask[:, None], segment_ids, num_segments=B)
    # graph-level features: (max depth, num target nodes, num total nodes) per graph
    max_depth = jax.ops.segment_max(depth, segment_ids, num_segments=B)
    num_target = jax.ops.segment_sum(mask, segment_ids, num_segments=B)
    num_total = jax.ops.segment_sum(jnp.ones_like(mask), segment_ids, num_segments=B)
    graph_feat = jnp.stack([max_depth, num_target, num_total], axis=1)
    # use_app_feats=True: feature_final = feature; use_graph_feature=True: cat graph_feat
    feature_final = jnp.concatenate([feature, graph_feat], axis=1)
    hc = jnp.concatenate([graph_h, feature_final], axis=1)
    logits = hc @ W + b
    return logits

if __name__ == "__main__":
    import jax
    _d = setup_inputs()
    print(jax.jit(kernel)(*tuple(_d.values())))

</pallas_src>

<mosaic_0001>
#map = affine_map<(d0, d1) -> (0, 0)>
#map1 = affine_map<(d0, d1) -> (0)>
#map2 = affine_map<(d0, d1) -> (0, 0, 0)>
module attributes {stable_mosaic.version = 14 : i64} {
  func.func @_seg_sum_body(%arg0: i32, %arg1: i32, %arg2: memref<32768x128xf32, #tpu.memory_space<hbm>>, %arg3: memref<32768xi32, #tpu.memory_space<hbm>>, %arg4: memref<32768xi32, #tpu.memory_space<hbm>>, %arg5: memref<2x17x128xf32, #tpu.memory_space<hbm>>, %arg6: memref<1024xi32, #tpu.memory_space<vmem>>, %arg7: memref<1024xi32, #tpu.memory_space<vmem>>, %arg8: memref<8x128xi32, #tpu.memory_space<vmem>>, %arg9: memref<1x16xi32, #tpu.memory_space<vmem>>, %arg10: memref<16x128xf32, #tpu.memory_space<vmem>>, %arg11: memref<2x128x128xf32, #tpu.memory_space<vmem>>, %arg12: memref<17x128xf32, #tpu.memory_space<vmem>>, %arg13: memref<17x128xf32, #tpu.memory_space<vmem_shared>>, %arg14: memref<!tpu.dma_semaphore, #tpu.memory_space<semaphore_mem>>) attributes {dimension_semantics = [#tpu.dimension_semantics<core_parallel>, #tpu.dimension_semantics<subcore_parallel>], iteration_bounds = array<i64: 2, 16>, scalar_prefetch = 0 : i64, scratch_operands = 9 : i64, tpu.core_type = #tpu.core_type<sc_vector_subcore>, window_params = [{transform_indices = #map}, {transform_indices = #map1}, {transform_indices = #map1}, {transform_indices = #map2}]} {
    %mul3A = arith.constant 2 : i32
    %mul3A_0 = arith.muli %arg1, %mul3A : i32
    %add3A = arith.addi %mul3A_0, %arg0 : i32
    %mul3A_1 = arith.constant 1024 : i32
    %mul3A_2 = arith.muli %add3A, %mul3A_1 : i32
    "tpu.region"() ({
      %run_scoped3A_66 = tpu.sem_alloc : memref<!tpu.dma_semaphore, #tpu.memory_space<semaphore_mem>>
      %dma_start3A_67 = tpu.memref_slice %arg3[%mul3A_2] : memref<32768xi32, #tpu.memory_space<hbm>> -> memref<1024xi32, #tpu.memory_space<hbm>>
      %dma_start3A_68 = tpu.memref_slice %arg3[%mul3A_2] : memref<32768xi32, #tpu.memory_space<hbm>> -> memref<1024xi32, #tpu.memory_space<hbm>>
      tpu.enqueue_dma source(%dma_start3A_68 : memref<1024xi32, #tpu.memory_space<hbm>>) target(%arg6 : memref<1024xi32, #tpu.memory_space<vmem>>) target_semaphore(%run_scoped3A_66 : memref<!tpu.dma_semaphore, #tpu.memory_space<semaphore_mem>>)
      %dma_wait3A = tpu.memref_slice %arg3[%mul3A_2] : memref<32768xi32, #tpu.memory_space<hbm>> -> memref<1024xi32, #tpu.memory_space<hbm>>
      %dma_wait3A_69 = tpu.memref_slice %arg3[%mul3A_2] : memref<32768xi32, #tpu.memory_space<hbm>> -> memref<1024xi32, #tpu.memory_space<hbm>>
      tpu.wait_dma2 semaphore(%run_scoped3A_66 : memref<!tpu.dma_semaphore, #tpu.memory_space<semaphore_mem>>) src(%dma_wait3A_69 : memref<1024xi32, #tpu.memory_space<hbm>>) dst(%arg6 : memref<1024xi32, #tpu.memory_space<vmem>>)
      tpu.yield
    }) : () -> ()
    "tpu.region"() ({
      %run_scoped3A_66 = tpu.sem_alloc : memref<!tpu.dma_semaphore, #tpu.memory_space<semaphore_mem>>
      %dma_start3A_67 = tpu.memref_slice %arg4[%mul3A_2] : memref<32768xi32, #tpu.memory_space<hbm>> -> memref<1024xi32, #tpu.memory_space<hbm>>
      %dma_start3A_68 = tpu.memref_slice %arg4[%mul3A_2] : memref<32768xi32, #tpu.memory_space<hbm>> -> memref<1024xi32, #tpu.memory_space<hbm>>
      tpu.enqueue_dma source(%dma_start3A_68 : memref<1024xi32, #tpu.memory_space<hbm>>) target(%arg7 : memref<1024xi32, #tpu.memory_space<vmem>>) target_semaphore(%run_scoped3A_66 : memref<!tpu.dma_semaphore, #tpu.memory_space<semaphore_mem>>)
      %dma_wait3A = tpu.memref_slice %arg4[%mul3A_2] : memref<32768xi32, #tpu.memory_space<hbm>> -> memref<1024xi32, #tpu.memory_space<hbm>>
      %dma_wait3A_69 = tpu.memref_slice %arg4[%mul3A_2] : memref<32768xi32, #tpu.memory_space<hbm>> -> memref<1024xi32, #tpu.memory_space<hbm>>
      tpu.wait_dma2 semaphore(%run_scoped3A_66 : memref<!tpu.dma_semaphore, #tpu.memory_space<semaphore_mem>>) src(%dma_wait3A_69 : memref<1024xi32, #tpu.memory_space<hbm>>) dst(%arg7 : memref<1024xi32, #tpu.memory_space<vmem>>)
      tpu.yield
    }) : () -> ()
    %broadcast_in_dim3A = arith.constant 0.000000e+00 : f32
    %broadcast_in_dim3A_3 = vector.broadcast %broadcast_in_dim3A : f32 to vector<16xf32>
    %iota3A = tpu.iota {dimensions = array<i32: 0>} : vector<16xi32>
    %eq3A = arith.constant 0 : i32
    %eq3A_4 = arith.cmpi eq, %arg1, %eq3A : i32
    %convert_element_type3A = arith.extui %eq3A_4 : i1 to i32
    %cond3A = arith.constant 0 : i32
    %cond3A_5 = arith.cmpi ne, %convert_element_type3A, %cond3A : i32
    scf.if %cond3A_5 {
      %scan3A_66 = arith.constant 0 : i32
      %scan3A_67 = arith.constant 0 : i32
      %scan3A_68 = arith.constant 136 : i32
      %scan3A_69 = arith.addi %scan3A_67, %scan3A_68 : i32
      %scan3A_70 = arith.constant 1 : i32
      scf.for %scan3A_72 = %scan3A_67 to %scan3A_69 step %scan3A_70  : i32 {
        %jit3A = arith.constant 8 : i32
        %div3A = arith.divsi %scan3A_72, %jit3A : i32
        %sign3A = arith.constant 0 : i32
        %sign3A_73 = arith.cmpi sgt, %scan3A_72, %sign3A : i32
        %sign3A_74 = arith.extui %sign3A_73 : i1 to i32
        %sign3A_75 = arith.constant 0 : i32
        %sign3A_76 = arith.cmpi slt, %scan3A_72, %sign3A_75 : i32
        %sign3A_77 = arith.extui %sign3A_76 : i1 to i32
        %sign3A_78 = arith.subi %sign3A_74, %sign3A_77 : i32
        %sign3A_79 = arith.constant 0 : i32
        %sign3A_80 = arith.cmpi sgt, %jit3A, %sign3A_79 : i32
        %sign3A_81 = arith.extui %sign3A_80 : i1 to i32
        %sign3A_82 = arith.constant 0 : i32
        %sign3A_83 = arith.cmpi slt, %jit3A, %sign3A_82 : i32
        %sign3A_84 = arith.extui %sign3A_83 : i1 to i32
        %sign3A_85 = arith.subi %sign3A_81, %sign3A_84 : i32
        %ne3A = arith.cmpi ne, %sign3A_78, %sign3A_85 : i32
        %rem3A = arith.remsi %scan3A_72, %jit3A : i32
        %ne3A_86 = arith.constant 0 : i32
        %ne3A_87 = arith.cmpi ne, %rem3A, %ne3A_86 : i32
        %and3A = arith.andi %ne3A, %ne3A_87 : i1
        %sub3A = arith.constant 1 : i32
        %sub3A_88 = arith.subi %div3A, %sub3A : i32
        %select_n3A = arith.select %and3A, %sub3A_88, %div3A : i32
        %jit3A_89 = arith.constant 8 : i32
        %eq3A_90 = arith.constant 0 : i32
        %eq3A_91 = arith.cmpi eq, %jit3A_89, %eq3A_90 : i32
        %jit3A_92 = arith.constant 1 : i32
        %select_n3A_93 = arith.select %eq3A_91, %jit3A_92, %jit3A_89 : i32
        %rem3A_94 = arith.remsi %scan3A_72, %select_n3A_93 : i32
        %ne3A_95 = arith.constant 0 : i32
        %ne3A_96 = arith.cmpi ne, %rem3A_94, %ne3A_95 : i32
        %lt3A = arith.constant 0 : i32
        %lt3A_97 = arith.cmpi slt, %rem3A_94, %lt3A : i32
        %lt3A_98 = arith.constant 0 : i32
        %lt3A_99 = arith.cmpi slt, %select_n3A_93, %lt3A_98 : i32
        %ne3A_100 = arith.xori %lt3A_97, %lt3A_99 : i1
        %and3A_101 = arith.andi %ne3A_100, %ne3A_96 : i1
        %add3A_102 = arith.addi %rem3A_94, %select_n3A_93 : i32
        %select_n3A_103 = arith.select %and3A_101, %add3A_102, %rem3A_94 : i32
        %mul3A_104 = arith.constant 16 : i32
        %mul3A_105 = arith.muli %select_n3A_103, %mul3A_104 : i32
        %swap3A_106 = arith.index_cast %select_n3A : i32 to index
        %swap3A_107 = arith.index_cast %mul3A_105 : i32 to index
        %swap3A_108 = tpu.vector_load %arg12[%swap3A_106, %swap3A_107] {strides = array<i32>} : memref<17x128xf32, #tpu.memory_space<vmem>>, vector<1x16xf32>,
        %swap3A_109 = vector.shape_cast %swap3A_108 : vector<1x16xf32> to vector<16xf32>
        %swap3A_110 = vector.shape_cast %broadcast_in_dim3A_3 : vector<16xf32> to vector<1x16xf32>
        tpu.vector_store %arg12[%swap3A_106, %swap3A_107], %swap3A_110 {strides = array<i32>} : memref<17x128xf32, #tpu.memory_space<vmem>>, vector<1x16xf32>,
      }
      %scan3A_71 = arith.constant 136 : i32
      "tpu.region"() ({
        %run_scoped3A_72 = tpu.sem_alloc : memref<!tpu.dma_semaphore, #tpu.memory_space<semaphore_mem>>
        tpu.enqueue_dma source(%arg12 : memref<17x128xf32, #tpu.memory_space<vmem>>) target(%arg13 : memref<17x128xf32, #tpu.memory_space<vmem_shared>>) target_semaphore(%run_scoped3A_72 : memref<!tpu.dma_semaphore, #tpu.memory_space<semaphore_mem>>)
        tpu.wait_dma2 semaphore(%run_scoped3A_72 : memref<!tpu.dma_semaphore, #tpu.memory_space<semaphore_mem>>) src(%arg12 : memref<17x128xf32, #tpu.memory_space<vmem>>) dst(%arg13 : memref<17x128xf32, #tpu.memory_space<vmem_shared>>)
        tpu.yield
      }) : () -> ()
    } else {
    }
    %broadcast_in_dim3A_6 = arith.constant 0 : i32
    %broadcast_in_dim3A_7 = vector.broadcast %broadcast_in_dim3A_6 : i32 to vector<16xi32>
    %add3A_8 = arith.constant 16 : i32
    %add3A_9 = vector.broadcast %add3A_8 : i32 to vector<16xi32>
    %add3A_10 = arith.addi %broadcast_in_dim3A_7, %add3A_9 : vector<16xi32>
    %scan3A = arith.constant 0 : i32
    %scan3A_11 = arith.constant 0 : i32
    %scan3A_12 = arith.constant 64 : i32
    %scan3A_13 = arith.addi %scan3A_11, %scan3A_12 : i32
    %scan3A_14 = arith.constant 1 : i32
    scf.for %scan3A_66 = %scan3A_11 to %scan3A_13 step %scan3A_14  : i32 {
      %mul3A_67 = arith.constant 16 : i32
      %mul3A_68 = arith.muli %scan3A_66, %mul3A_67 : i32
      %get3A = arith.index_cast %mul3A_68 : i32 to index
      %get3A_69 = tpu.vector_load %arg6[%get3A] {strides = array<i32>} : memref<1024xi32, #tpu.memory_space<vmem>>, vector<16xi32>,
      %get3A_70 = vector.shape_cast %get3A_69 : vector<16xi32> to vector<16xi32>
      %mul3A_71 = arith.constant 16 : i32
      %mul3A_72 = arith.muli %scan3A_66, %mul3A_71 : i32
      %get3A_73 = arith.index_cast %mul3A_72 : i32 to index
      %get3A_74 = tpu.vector_load %arg7[%get3A_73] {strides = array<i32>} : memref<1024xi32, #tpu.memory_space<vmem>>, vector<16xi32>,
      %get3A_75 = vector.shape_cast %get3A_74 : vector<16xi32> to vector<16xi32>
      %eq3A_76 = arith.constant 1 : i32
      %eq3A_77 = vector.broadcast %eq3A_76 : i32 to vector<16xi32>
      %eq3A_78 = arith.cmpi eq, %get3A_75, %eq3A_77 : vector<16xi32>
      %select_n3A = arith.select %eq3A_78, %get3A_70, %add3A_10 : vector<16xi1>, vector<16xi32>
      %jit3A = arith.constant 8 : i32
      %div3A = arith.divsi %scan3A_66, %jit3A : i32
      %sign3A = arith.constant 0 : i32
      %sign3A_79 = arith.cmpi sgt, %scan3A_66, %sign3A : i32
      %sign3A_80 = arith.extui %sign3A_79 : i1 to i32
      %sign3A_81 = arith.constant 0 : i32
      %sign3A_82 = arith.cmpi slt, %scan3A_66, %sign3A_81 : i32
      %sign3A_83 = arith.extui %sign3A_82 : i1 to i32
      %sign3A_84 = arith.subi %sign3A_80, %sign3A_83 : i32
      %sign3A_85 = arith.constant 0 : i32
      %sign3A_86 = arith.cmpi sgt, %jit3A, %sign3A_85 : i32
      %sign3A_87 = arith.extui %sign3A_86 : i1 to i32
      %sign3A_88 = arith.constant 0 : i32
      %sign3A_89 = arith.cmpi slt, %jit3A, %sign3A_88 : i32
      %sign3A_90 = arith.extui %sign3A_89 : i1 to i32
      %sign3A_91 = arith.subi %sign3A_87, %sign3A_90 : i32
      %ne3A = arith.cmpi ne, %sign3A_84, %sign3A_91 : i32
      %rem3A = arith.remsi %scan3A_66, %jit3A : i32
      %ne3A_92 = arith.constant 0 : i32
      %ne3A_93 = arith.cmpi ne, %rem3A, %ne3A_92 : i32
      %and3A = arith.andi %ne3A, %ne3A_93 : i1
      %sub3A = arith.constant 1 : i32
      %sub3A_94 = arith.subi %div3A, %sub3A : i32
      %select_n3A_95 = arith.select %and3A, %sub3A_94, %div3A : i32
      %jit3A_96 = arith.constant 8 : i32
      %eq3A_97 = arith.constant 0 : i32
      %eq3A_98 = arith.cmpi eq, %jit3A_96, %eq3A_97 : i32
      %jit3A_99 = arith.constant 1 : i32
      %select_n3A_100 = arith.select %eq3A_98, %jit3A_99, %jit3A_96 : i32
      %rem3A_101 = arith.remsi %scan3A_66, %select_n3A_100 : i32
      %ne3A_102 = arith.constant 0 : i32
      %ne3A_103 = arith.cmpi ne, %rem3A_101, %ne3A_102 : i32
      %lt3A = arith.constant 0 : i32
      %lt3A_104 = arith.cmpi slt, %rem3A_101, %lt3A : i32
      %lt3A_105 = arith.constant 0 : i32
      %lt3A_106 = arith.cmpi slt, %select_n3A_100, %lt3A_105 : i32
      %ne3A_107 = arith.xori %lt3A_104, %lt3A_106 : i1
      %and3A_108 = arith.andi %ne3A_107, %ne3A_103 : i1
      %add3A_109 = arith.addi %rem3A_101, %select_n3A_100 : i32
      %select_n3A_110 = arith.select %and3A_108, %add3A_109, %rem3A_101 : i32
      %mul3A_111 = arith.constant 16 : i32
      %mul3A_112 = arith.muli %select_n3A_110, %mul3A_111 : i32
      %swap3A_113 = arith.index_cast %select_n3A_95 : i32 to index
      %swap3A_114 = arith.index_cast %mul3A_112 : i32 to index
      %swap3A_115 = tpu.vector_load %arg8[%swap3A_113, %swap3A_114] {strides = array<i32>} : memref<8x128xi32, #tpu.memory_space<vmem>>, vector<1x16xi32>,
      %swap3A_116 = vector.shape_cast %swap3A_115 : vector<1x16xi32> to vector<16xi32>
      %swap3A_117 = vector.shape_cast %select_n3A : vector<16xi32> to vector<1x16xi32>
      tpu.vector_store %arg8[%swap3A_113, %swap3A_114], %swap3A_117 {strides = array<i32>} : memref<8x128xi32, #tpu.memory_space<vmem>>, vector<1x16xi32>,
    }
    %scan3A_15 = arith.constant 64 : i32
    %scan3A_16 = arith.constant 0 : i32
    %scan3A_17 = arith.constant 0 : i32
    %scan3A_18 = arith.constant 128 : i32
    %scan3A_19 = arith.addi %scan3A_17, %scan3A_18 : i32
    %scan3A_20 = arith.constant 1 : i32
    scf.for %scan3A_66 = %scan3A_17 to %scan3A_19 step %scan3A_20  : i32 {
      %jit3A = arith.constant 8 : i32
      %div3A = arith.divsi %scan3A_66, %jit3A : i32
      %sign3A = arith.constant 0 : i32
      %sign3A_67 = arith.cmpi sgt, %scan3A_66, %sign3A : i32
      %sign3A_68 = arith.extui %sign3A_67 : i1 to i32
      %sign3A_69 = arith.constant 0 : i32
      %sign3A_70 = arith.cmpi slt, %scan3A_66, %sign3A_69 : i32
      %sign3A_71 = arith.extui %sign3A_70 : i1 to i32
      %sign3A_72 = arith.subi %sign3A_68, %sign3A_71 : i32
      %sign3A_73 = arith.constant 0 : i32
      %sign3A_74 = arith.cmpi sgt, %jit3A, %sign3A_73 : i32
      %sign3A_75 = arith.extui %sign3A_74 : i1 to i32
      %sign3A_76 = arith.constant 0 : i32
      %sign3A_77 = arith.cmpi slt, %jit3A, %sign3A_76 : i32
      %sign3A_78 = arith.extui %sign3A_77 : i1 to i32
      %sign3A_79 = arith.subi %sign3A_75, %sign3A_78 : i32
      %ne3A = arith.cmpi ne, %sign3A_72, %sign3A_79 : i32
      %rem3A = arith.remsi %scan3A_66, %jit3A : i32
      %ne3A_80 = arith.constant 0 : i32
      %ne3A_81 = arith.cmpi ne, %rem3A, %ne3A_80 : i32
      %and3A = arith.andi %ne3A, %ne3A_81 : i1
      %sub3A = arith.constant 1 : i32
      %sub3A_82 = arith.subi %div3A, %sub3A : i32
      %select_n3A = arith.select %and3A, %sub3A_82, %div3A : i32
      %jit3A_83 = arith.constant 8 : i32
      %eq3A_84 = arith.constant 0 : i32
      %eq3A_85 = arith.cmpi eq, %jit3A_83, %eq3A_84 : i32
      %jit3A_86 = arith.constant 1 : i32
      %select_n3A_87 = arith.select %eq3A_85, %jit3A_86, %jit3A_83 : i32
      %rem3A_88 = arith.remsi %scan3A_66, %select_n3A_87 : i32
      %ne3A_89 = arith.constant 0 : i32
      %ne3A_90 = arith.cmpi ne, %rem3A_88, %ne3A_89 : i32
      %lt3A = arith.constant 0 : i32
      %lt3A_91 = arith.cmpi slt, %rem3A_88, %lt3A : i32
      %lt3A_92 = arith.constant 0 : i32
      %lt3A_93 = arith.cmpi slt, %select_n3A_87, %lt3A_92 : i32
      %ne3A_94 = arith.xori %lt3A_91, %lt3A_93 : i1
      %and3A_95 = arith.andi %ne3A_94, %ne3A_90 : i1
      %add3A_96 = arith.addi %rem3A_88, %select_n3A_87 : i32
      %select_n3A_97 = arith.select %and3A_95, %add3A_96, %rem3A_88 : i32
      %mul3A_98 = arith.constant 16 : i32
      %mul3A_99 = arith.muli %select_n3A_97, %mul3A_98 : i32
      %swap3A_100 = arith.index_cast %select_n3A : i32 to index
      %swap3A_101 = arith.index_cast %mul3A_99 : i32 to index
      %swap3A_102 = tpu.vector_load %arg10[%swap3A_100, %swap3A_101] {strides = array<i32>} : memref<16x128xf32, #tpu.memory_space<vmem>>, vector<1x16xf32>,
      %swap3A_103 = vector.shape_cast %swap3A_102 : vector<1x16xf32> to vector<16xf32>
      %swap3A_104 = vector.shape_cast %broadcast_in_dim3A_3 : vector<16xf32> to vector<1x16xf32>
      tpu.vector_store %arg10[%swap3A_100, %swap3A_101], %swap3A_104 {strides = array<i32>} : memref<16x128xf32, #tpu.memory_space<vmem>>, vector<1x16xf32>,
    }
    %scan3A_21 = arith.constant 128 : i32
    %swap3A = arith.constant 0 : i32
    %swap3A_22 = arith.index_cast %swap3A : i32 to index
    %swap3A_23 = arith.constant 0 : index
    %swap3A_24 = tpu.vector_load %arg9[%swap3A_22, %swap3A_23] {strides = array<i32>} : memref<1x16xi32, #tpu.memory_space<vmem>>, vector<1x16xi32>,
    %swap3A_25 = vector.shape_cast %swap3A_24 : vector<1x16xi32> to vector<16xi32>
    %swap3A_26 = vector.shape_cast %iota3A : vector<16xi32> to vector<1x16xi32>
    tpu.vector_store %arg9[%swap3A_22, %swap3A_23], %swap3A_26 {strides = array<i32>} : memref<1x16xi32, #tpu.memory_space<vmem>>, vector<1x16xi32>,
    %barrier3A = arith.constant 0 : index
    tpu.barrier barrier_id(%barrier3A)
    %dma_start3A = arith.constant 0 : i32
    %dma_start3A_27 = arith.constant 0 : i32
    %dma_start3A_28 = arith.constant 0 : i32
    %dma_start3A_29 = tpu.memref_slice %arg11[%dma_start3A, %dma_start3A_27, %dma_start3A_28] : memref<2x128x128xf32, #tpu.memory_space<vmem>> -> memref<1x128x128xf32, #tpu.memory_space<vmem>>
    %dma_start3A_30 = tpu.memref_squeeze %dma_start3A_29 : memref<1x128x128xf32, #tpu.memory_space<vmem>> -> memref<128x128xf32, #tpu.memory_space<vmem>>
    %dma_start3A_31 = arith.constant 0 : i32
    %dma_start3A_32 = tpu.memref_slice %arg2[%mul3A_2, %dma_start3A_31] : memref<32768x128xf32, #tpu.memory_space<hbm>> -> memref<128x128xf32, #tpu.memory_space<hbm>>
    %dma_start3A_33 = arith.constant 0 : i32
    %dma_start3A_34 = arith.constant 0 : i32
    %dma_start3A_35 = tpu.memref_slice %arg11[%dma_start3A, %dma_start3A_33, %dma_start3A_34] : memref<2x128x128xf32, #tpu.memory_space<vmem>> -> memref<1x128x128xf32, #tpu.memory_space<vmem>>
    %dma_start3A_36 = tpu.memref_squeeze %dma_start3A_35 : memref<1x128x128xf32, #tpu.memory_space<vmem>> -> memref<128x128xf32, #tpu.memory_space<vmem>>
    %dma_start3A_37 = arith.constant 0 : i32
    %dma_start3A_38 = tpu.memref_slice %arg2[%mul3A_2, %dma_start3A_37] : memref<32768x128xf32, #tpu.memory_space<hbm>> -> memref<128x128xf32, #tpu.memory_space<hbm>>
    tpu.enqueue_dma source(%dma_start3A_38 : memref<128x128xf32, #tpu.memory_space<hbm>>) target(%dma_start3A_36 : memref<128x128xf32, #tpu.memory_space<vmem>>) target_semaphore(%arg14 : memref<!tpu.dma_semaphore, #tpu.memory_space<semaphore_mem>>)
    %add3A_39 = arith.constant 128 : i32
    %add3A_40 = arith.addi %mul3A_2, %add3A_39 : i32
    %dma_start3A_41 = arith.constant 1 : i32
    %dma_start3A_42 = arith.constant 0 : i32
    %dma_start3A_43 = arith.constant 0 : i32
    %dma_start3A_44 = tpu.memref_slice %arg11[%dma_start3A_41, %dma_start3A_42, %dma_start3A_43] : memref<2x128x128xf32, #tpu.memory_space<vmem>> -> memref<1x128x128xf32, #tpu.memory_space<vmem>>
    %dma_start3A_45 = tpu.memref_squeeze %dma_start3A_44 : memref<1x128x128xf32, #tpu.memory_space<vmem>> -> memref<128x128xf32, #tpu.memory_space<vmem>>
    %dma_start3A_46 = arith.constant 0 : i32
    %dma_start3A_47 = tpu.memref_slice %arg2[%add3A_40, %dma_start3A_46] : memref<32768x128xf32, #tpu.memory_space<hbm>> -> memref<128x128xf32, #tpu.memory_space<hbm>>
    %dma_start3A_48 = arith.constant 0 : i32
    %dma_start3A_49 = arith.constant 0 : i32
    %dma_start3A_50 = tpu.memref_slice %arg11[%dma_start3A_41, %dma_start3A_48, %dma_start3A_49] : memref<2x128x128xf32, #tpu.memory_space<vmem>> -> memref<1x128x128xf32, #tpu.memory_space<vmem>>
    %dma_start3A_51 = tpu.memref_squeeze %dma_start3A_50 : memref<1x128x128xf32, #tpu.memory_space<vmem>> -> memref<128x128xf32, #tpu.memory_space<vmem>>
    %dma_start3A_52 = arith.constant 0 : i32
    %dma_start3A_53 = tpu.memref_slice %arg2[%add3A_40, %dma_start3A_52] : memref<32768x128xf32, #tpu.memory_space<hbm>> -> memref<128x128xf32, #tpu.memory_space<hbm>>
    tpu.enqueue_dma source(%dma_start3A_53 : memref<128x128xf32, #tpu.memory_space<hbm>>) target(%dma_start3A_51 : memref<128x128xf32, #tpu.memory_space<vmem>>) target_semaphore(%arg14 : memref<!tpu.dma_semaphore, #tpu.memory_space<semaphore_mem>>)
    %scan3A_54 = arith.constant 0 : i32
    %scan3A_55 = arith.constant 0 : i32
    %scan3A_56 = arith.constant 8 : i32
    %scan3A_57 = arith.addi %scan3A_55, %scan3A_56 : i32
    %scan3A_58 = arith.constant 1 : i32
    scf.for %scan3A_66 = %scan3A_55 to %scan3A_57 step %scan3A_58  : i32 {
      %rem3A = arith.constant 2 : i32
      %rem3A_67 = arith.remsi %scan3A_66, %rem3A : i32
      %mul3A_68 = arith.constant 128 : i32
      %mul3A_69 = arith.muli %scan3A_66, %mul3A_68 : i32
      %add3A_70 = arith.addi %mul3A_2, %mul3A_69 : i32
      %dma_wait3A = arith.constant 0 : i32
      %dma_wait3A_71 = arith.constant 0 : i32
      %dma_wait3A_72 = tpu.memref_slice %arg11[%rem3A_67, %dma_wait3A, %dma_wait3A_71] : memref<2x128x128xf32, #tpu.memory_space<vmem>> -> memref<1x128x128xf32, #tpu.memory_space<vmem>>
      %dma_wait3A_73 = tpu.memref_squeeze %dma_wait3A_72 : memref<1x128x128xf32, #tpu.memory_space<vmem>> -> memref<128x128xf32, #tpu.memory_space<vmem>>
      %dma_wait3A_74 = arith.constant 0 : i32
      %dma_wait3A_75 = tpu.memref_slice %arg2[%add3A_70, %dma_wait3A_74] : memref<32768x128xf32, #tpu.memory_space<hbm>> -> memref<128x128xf32, #tpu.memory_space<hbm>>
      %dma_wait3A_76 = arith.constant 0 : i32
      %dma_wait3A_77 = arith.constant 0 : i32
      %dma_wait3A_78 = tpu.memref_slice %arg11[%rem3A_67, %dma_wait3A_76, %dma_wait3A_77] : memref<2x128x128xf32, #tpu.memory_space<vmem>> -> memref<1x128x128xf32, #tpu.memory_space<vmem>>
      %dma_wait3A_79 = tpu.memref_squeeze %dma_wait3A_78 : memref<1x128x128xf32, #tpu.memory_space<vmem>> -> memref<128x128xf32, #tpu.memory_space<vmem>>
      %dma_wait3A_80 = arith.constant 0 : i32
      %dma_wait3A_81 = tpu.memref_slice %arg2[%add3A_70, %dma_wait3A_80] : memref<32768x128xf32, #tpu.memory_space<hbm>> -> memref<128x128xf32, #tpu.memory_space<hbm>>
      tpu.wait_dma2 semaphore(%arg14 : memref<!tpu.dma_semaphore, #tpu.memory_space<semaphore_mem>>) src(%dma_wait3A_81 : memref<128x128xf32, #tpu.memory_space<hbm>>) dst(%dma_wait3A_79 : memref<128x128xf32, #tpu.memory_space<vmem>>)
      %mul3A_82 = arith.constant 128 : i32
      %mul3A_83 = arith.muli %scan3A_66, %mul3A_82 : i32
      %get3A = arith.index_cast %mul3A_83 : i32 to index
      %get3A_84 = tpu.vector_load %arg6[%get3A] {strides = array<i32>} : memref<1024xi32, #tpu.memory_space<vmem>>, vector<16xi32>,
      %get3A_85 = vector.shape_cast %get3A_84 : vector<16xi32> to vector<16xi32>
      %mul3A_86 = arith.constant 128 : i32
      %mul3A_87 = arith.muli %scan3A_66, %mul3A_86 : i32
      %add3A_88 = arith.constant 128 : i32
      %add3A_89 = arith.addi %mul3A_87, %add3A_88 : i32
      %sub3A = arith.constant 16 : i32
      %sub3A_90 = arith.subi %add3A_89, %sub3A : i32
      %get3A_91 = arith.index_cast %sub3A_90 : i32 to index
      %get3A_92 = tpu.vector_load %arg6[%get3A_91] {strides = array<i32>} : memref<1024xi32, #tpu.memory_space<vmem>>, vector<16xi32>,
      %get3A_93 = vector.shape_cast %get3A_92 : vector<16xi32> to vector<16xi32>
      %slice3A = vector.extract_strided_slice %get3A_85 {offsets = [0], sizes = [1], strides = [1]} : vector<16xi32> to vector<1xi32>
      %squeeze3A = vector.extract %slice3A[0] : i32 from vector<1xi32>
      %slice3A_94 = vector.extract_strided_slice %get3A_93 {offsets = [15], sizes = [1], strides = [1]} : vector<16xi32> to vector<1xi32>
      %squeeze3A_95 = vector.extract %slice3A_94[0] : i32 from vector<1xi32>
      %eq3A_96 = arith.cmpi eq, %squeeze3A, %squeeze3A_95 : i32
      %convert_element_type3A_97 = arith.extui %eq3A_96 : i1 to i32
      %cond3A_98 = arith.constant 0 : i32
      %cond3A_99 = arith.cmpi ne, %convert_element_type3A_97, %cond3A_98 : i32
      scf.if %cond3A_99 {
        %scan3A_110 = arith.constant 0 : i32
        %scan3A_111 = arith.constant 8 : i32
        %scan3A_112 = arith.addi %scan3A_110, %scan3A_111 : i32
        %scan3A_113 = arith.constant 1 : i32
        %scan3A_114:16 = scf.for %scan3A_166 = %scan3A_110 to %scan3A_112 step %scan3A_113 iter_args(%scan3A_167 = %broadcast_in_dim3A_3, %scan3A_168 = %broadcast_in_dim3A_3, %scan3A_169 = %broadcast_in_dim3A_3, %scan3A_170 = %broadcast_in_dim3A_3, %scan3A_171 = %broadcast_in_dim3A_3, %scan3A_172 = %broadcast_in_dim3A_3, %scan3A_173 = %broadcast_in_dim3A_3, %scan3A_174 = %broadcast_in_dim3A_3, %scan3A_175 = %broadcast_in_dim3A_3, %scan3A_176 = %broadcast_in_dim3A_3, %scan3A_177 = %broadcast_in_dim3A_3, %scan3A_178 = %broadcast_in_dim3A_3, %scan3A_179 = %broadcast_in_dim3A_3, %scan3A_180 = %broadcast_in_dim3A_3, %scan3A_181 = %broadcast_in_dim3A_3, %scan3A_182 = %broadcast_in_dim3A_3) -> (vector<16xf32>, vector<16xf32>, vector<16xf32>, vector<16xf32>, vector<16xf32>, vector<16xf32>, vector<16xf32>, vector<16xf32>, vector<16xf32>, vector<16xf32>, vector<16xf32>, vector<16xf32>, vector<16xf32>, vector<16xf32>, vector<16xf32>, vector<16xf32>)  : i32 {
          %mul3A_183 = arith.constant 16 : i32
          %mul3A_184 = arith.muli %scan3A_166, %mul3A_183 : i32
          %mul3A_185 = arith.constant 128 : i32
          %mul3A_186 = arith.muli %scan3A_66, %mul3A_185 : i32
          %add3A_187 = arith.addi %mul3A_186, %mul3A_184 : i32
          %get3A_188 = arith.index_cast %add3A_187 : i32 to index
          %get3A_189 = tpu.vector_load %arg7[%get3A_188] {strides = array<i32>} : memref<1024xi32, #tpu.memory_space<vmem>>, vector<16xi32>,
          %get3A_190 = vector.shape_cast %get3A_189 : vector<16xi32> to vector<16xi32>
          %convert_element_type3A_191 = arith.sitofp %get3A_190 : vector<16xi32> to vector<16xf32>
          %slice3A_192 = vector.extract_strided_slice %convert_element_type3A_191 {offsets = [0], sizes = [1], strides = [1]} : vector<16xf32> to vector<1xf32>
          %squeeze3A_193 = vector.extract %slice3A_192[0] : f32 from vector<1xf32>
          %slice3A_194 = vector.extract_strided_slice %convert_element_type3A_191 {offsets = [1], sizes = [1], strides = [1]} : vector<16xf32> to vector<1xf32>
          %squeeze3A_195 = vector.extract %slice3A_194[0] : f32 from vector<1xf32>
          %add3A_196 = arith.constant 0 : i32
          %add3A_197 = arith.addi %mul3A_184, %add3A_196 : i32
          %get3A_198 = arith.index_cast %rem3A_67 : i32 to index
          %get3A_199 = arith.index_cast %add3A_197 : i32 to index
          %get3A_200 = arith.constant 0 : index
          %get3A_201 = tpu.vector_load %arg11[%get3A_198, %get3A_199, %get3A_200] {strides = array<i32>} : memref<2x128x128xf32, #tpu.memory_space<vmem>>, vector<1x1x16xf32>,
          %get3A_202 = vector.shape_cast %get3A_201 : vector<1x1x16xf32> to vector<16xf32>
          %mul3A_203 = vector.broadcast %squeeze3A_193 : f32 to vector<16xf32>
          %mul3A_204 = arith.mulf %get3A_202, %mul3A_203 : vector<16xf32>
          %add3A_205 = arith.addf %scan3A_167, %mul3A_204 : vector<16xf32>
          %add3A_206 = arith.constant 0 : i32
          %add3A_207 = arith.addi %mul3A_184, %add3A_206 : i32
          %get3A_208 = arith.index_cast %rem3A_67 : i32 to index
          %get3A_209 = arith.index_cast %add3A_207 : i32 to index
          %get3A_210 = arith.constant 16 : index
          %get3A_211 = tpu.vector_load %arg11[%get3A_208, %get3A_209, %get3A_210] {strides = array<i32>} : memref<2x128x128xf32, #tpu.memory_space<vmem>>, vector<1x1x16xf32>,
          %get3A_212 = vector.shape_cast %get3A_211 : vector<1x1x16xf32> to vector<16xf32>
          %mul3A_213 = vector.broadcast %squeeze3A_193 : f32 to vector<16xf32>
          %mul3A_214 = arith.mulf %get3A_212, %mul3A_213 : vector<16xf32>
          %add3A_215 = arith.addf %scan3A_168, %mul3A_214 : vector<16xf32>
          %add3A_216 = arith.constant 0 : i32
          %add3A_217 = arith.addi %mul3A_184, %add3A_216 : i32
          %get3A_218 = arith.index_cast %rem3A_67 : i32 to index
          %get3A_219 = arith.index_cast %add3A_217 : i32 to index
          %get3A_220 = arith.constant 32 : index
          %get3A_221 = tpu.vector_load %arg11[%get3A_218, %get3A_219, %get3A_220] {strides = array<i32>} : memref<2x128x128xf32, #tpu.memory_space<vmem>>, vector<1x1x16xf32>,
          %get3A_222 = vector.shape_cast %get3A_221 : vector<1x1x16xf32> to vector<16xf32>
          %mul3A_223 = vector.broadcast %squeeze3A_193 : f32 to vector<16xf32>
          %mul3A_224 = arith.mulf %get3A_222, %mul3A_223 : vector<16xf32>
          %add3A_225 = arith.addf %scan3A_169, %mul3A_224 : vector<16xf32>
          %add3A_226 = arith.constant 0 : i32
          %add3A_227 = arith.addi %mul3A_184, %add3A_226 : i32
          %get3A_228 = arith.index_cast %rem3A_67 : i32 to index
          %get3A_229 = arith.index_cast %add3A_227 : i32 to index
          %get3A_230 = arith.constant 48 : index
          %get3A_231 = tpu.vector_load %arg11[%get3A_228, %get3A_229, %get3A_230] {strides = array<i32>} : memref<2x128x128xf32, #tpu.memory_space<vmem>>, vector<1x1x16xf32>,
          %get3A_232 = vector.shape_cast %get3A_231 : vector<1x1x16xf32> to vector<16xf32>
          %mul3A_233 = vector.broadcast %squeeze3A_193 : f32 to vector<16xf32>
          %mul3A_234 = arith.mulf %get3A_232, %mul3A_233 : vector<16xf32>
          %add3A_235 = arith.addf %scan3A_170, %mul3A_234 : vector<16xf32>
          %add3A_236 = arith.constant 0 : i32
          %add3A_237 = arith.addi %mul3A_184, %add3A_236 : i32
          %get3A_238 = arith.index_cast %rem3A_67 : i32 to index
          %get3A_239 = arith.index_cast %add3A_237 : i32 to index
          %get3A_240 = arith.constant 64 : index
          %get3A_241 = tpu.vector_load %arg11[%get3A_238, %get3A_239, %get3A_240] {strides = array<i32>} : memref<2x128x128xf32, #tpu.memory_space<vmem>>, vector<1x1x16xf32>,
          %get3A_242 = vector.shape_cast %get3A_241 : vector<1x1x16xf32> to vector<16xf32>
          %mul3A_243 = vector.broadcast %squeeze3A_193 : f32 to vector<16xf32>
          %mul3A_244 = arith.mulf %get3A_242, %mul3A_243 : vector<16xf32>
          %add3A_245 = arith.addf %scan3A_171, %mul3A_244 : vector<16xf32>
          %add3A_246 = arith.constant 0 : i32
          %add3A_247 = arith.addi %mul3A_184, %add3A_246 : i32
          %get3A_248 = arith.index_cast %rem3A_67 : i32 to index
          %get3A_249 = arith.index_cast %add3A_247 : i32 to index
          %get3A_250 = arith.constant 80 : index
          %get3A_251 = tpu.vector_load %arg11[%get3A_248, %get3A_249, %get3A_250] {strides = array<i32>} : memref<2x128x128xf32, #tpu.memory_space<vmem>>, vector<1x1x16xf32>,
          %get3A_252 = vector.shape_cast %get3A_251 : vector<1x1x16xf32> to vector<16xf32>
          %mul3A_253 = vector.broadcast %squeeze3A_193 : f32 to vector<16xf32>
          %mul3A_254 = arith.mulf %get3A_252, %mul3A_253 : vector<16xf32>
          %add3A_255 = arith.addf %scan3A_172, %mul3A_254 : vector<16xf32>
          %add3A_256 = arith.constant 0 : i32
          %add3A_257 = arith.addi %mul3A_184, %add3A_256 : i32
          %get3A_258 = arith.index_cast %rem3A_67 : i32 to index
          %get3A_259 = arith.index_cast %add3A_257 : i32 to index
          %get3A_260 = arith.constant 96 : index
          %get3A_261 = tpu.vector_load %arg11[%get3A_258, %get3A_259, %get3A_260] {strides = array<i32>} : memref<2x128x128xf32, #tpu.memory_space<vmem>>, vector<1x1x16xf32>,
          %get3A_262 = vector.shape_cast %get3A_261 : vector<1x1x16xf32> to vector<16xf32>
          %mul3A_263 = vector.broadcast %squeeze3A_193 : f32 to vector<16xf32>
          %mul3A_264 = arith.mulf %get3A_262, %mul3A_263 : vector<16xf32>
          %add3A_265 = arith.addf %scan3A_173, %mul3A_264 : vector<16xf32>
          %add3A_266 = arith.constant 0 : i32
          %add3A_267 = arith.addi %mul3A_184, %add3A_266 : i32
          %get3A_268 = arith.index_cast %rem3A_67 : i32 to index
          %get3A_269 = arith.index_cast %add3A_267 : i32 to index
          %get3A_270 = arith.constant 112 : index
          %get3A_271 = tpu.vector_load %arg11[%get3A_268, %get3A_269, %get3A_270] {strides = array<i32>} : memref<2x128x128xf32, #tpu.memory_space<vmem>>, vector<1x1x16xf32>,
          %get3A_272 = vector.shape_cast %get3A_271 : vector<1x1x16xf32> to vector<16xf32>
          %mul3A_273 = vector.broadcast %squeeze3A_193 : f32 to vector<16xf32>
          %mul3A_274 = arith.mulf %get3A_272, %mul3A_273 : vector<16xf32>
          %add3A_275 = arith.addf %scan3A_174, %mul3A_274 : vector<16xf32>
          %add3A_276 = arith.constant 0 : i32
          %add3A_277 = arith.addi %mul3A_184, %add3A_276 : i32
          %add3A_278 = arith.constant 1 : i32
          %add3A_279 = arith.addi %add3A_277, %add3A_278 : i32
          %get3A_280 = arith.index_cast %rem3A_67 : i32 to index
          %get3A_281 = arith.index_cast %add3A_279 : i32 to index
          %get3A_282 = arith.constant 0 : index
          %get3A_283 = tpu.vector_load %arg11[%get3A_280, %get3A_281, %get3A_282] {strides = array<i32>} : memref<2x128x128xf32, #tpu.memory_space<vmem>>, vector<1x1x16xf32>,
          %get3A_284 = vector.shape_cast %get3A_283 : vector<1x1x16xf32> to vector<16xf32>
          %mul3A_285 = vector.broadcast %squeeze3A_195 : f32 to vector<16xf32>
          %mul3A_286 = arith.mulf %get3A_284, %mul3A_285 : vector<16xf32>
          %add3A_287 = arith.addf %scan3A_175, %mul3A_286 : vector<16xf32>
          %add3A_288 = arith.constant 0 : i32
          %add3A_289 = arith.addi %mul3A_184, %add3A_288 : i32
          %add3A_290 = arith.constant 1 : i32
          %add3A_291 = arith.addi %add3A_289, %add3A_290 : i32
          %get3A_292 = arith.index_cast %rem3A_67 : i32 to index
          %get3A_293 = arith.index_cast %add3A_291 : i32 to index
          %get3A_294 = arith.constant 16 : index
          %get3A_295 = tpu.vector_load %arg11[%get3A_292, %get3A_293, %get3A_294] {strides = array<i32>} : memref<2x128x128xf32, #tpu.memory_space<vmem>>, vector<1x1x16xf32>,
          %get3A_296 = vector.shape_cast %get3A_295 : vector<1x1x16xf32> to vector<16xf32>
          %mul3A_297 = vector.broadcast %squeeze3A_195 : f32 to vector<16xf32>
          %mul3A_298 = arith.mulf %get3A_296, %mul3A_297 : vector<16xf32>
          %add3A_299 = arith.addf %scan3A_176, %mul3A_298 : vector<16xf32>
          %add3A_300 = arith.constant 0 : i32
          %add3A_301 = arith.addi %mul3A_184, %add3A_300 : i32
          %add3A_302 = arith.constant 1 : i32
          %add3A_303 = arith.addi %add3A_301, %add3A_302 : i32
          %get3A_304 = arith.index_cast %rem3A_67 : i32 to index
          %get3A_305 = arith.index_cast %add3A_303 : i32 to index
          %get3A_306 = arith.constant 32 : index
          %get3A_307 = tpu.vector_load %arg11[%get3A_304, %get3A_305, %get3A_306] {strides = array<i32>} : memref<2x128x128xf32, #tpu.memory_space<vmem>>, vector<1x1x16xf32>,
          %get3A_308 = vector.shape_cast %get3A_307 : vector<1x1x16xf32> to vector<16xf32>
          %mul3A_309 = vector.broadcast %squeeze3A_195 : f32 to vector<16xf32>
          %mul3A_310 = arith.mulf %get3A_308, %mul3A_309 : vector<16xf32>
          %add3A_311 = arith.addf %scan3A_177, %mul3A_310 : vector<16xf32>
          %add3A_312 = arith.constant 0 : i32
          %add3A_313 = arith.addi %mul3A_184, %add3A_312 : i32
          %add3A_314 = arith.constant 1 : i32
          %add3A_315 = arith.addi %add3A_313, %add3A_314 : i32
          %get3A_316 = arith.index_cast %rem3A_67 : i32 to index
          %get3A_317 = arith.index_cast %add3A_315 : i32 to index
          %get3A_318 = arith.constant 48 : index
          %get3A_319 = tpu.vector_load %arg11[%get3A_316, %get3A_317, %get3A_318] {strides = array<i32>} : memref<2x128x128xf32, #tpu.memory_space<vmem>>, vector<1x1x16xf32>,
          %get3A_320 = vector.shape_cast %get3A_319 : vector<1x1x16xf32> to vector<16xf32>
          %mul3A_321 = vector.broadcast %squeeze3A_195 : f32 to vector<16xf32>
          %mul3A_322 = arith.mulf %get3A_320, %mul3A_321 : vector<16xf32>
          %add3A_323 = arith.addf %scan3A_178, %mul3A_322 : vector<16xf32>
          %add3A_324 = arith.constant 0 : i32
          %add3A_325 = arith.addi %mul3A_184, %add3A_324 : i32
          %add3A_326 = arith.constant 1 : i32
          %add3A_327 = arith.addi %add3A_325, %add3A_326 : i32
          %get3A_328 = arith.index_cast %rem3A_67 : i32 to index
          %get3A_329 = arith.index_cast %add3A_327 : i32 to index
          %get3A_330 = arith.constant 64 : index
          %get3A_331 = tpu.vector_load %arg11[%get3A_328, %get3A_329, %get3A_330] {strides = array<i32>} : memref<2x128x128xf32, #tpu.memory_space<vmem>>, vector<1x1x16xf32>,
          %get3A_332 = vector.shape_cast %get3A_331 : vector<1x1x16xf32> to vector<16xf32>
          %mul3A_333 = vector.broadcast %squeeze3A_195 : f32 to vector<16xf32>
          %mul3A_334 = arith.mulf %get3A_332, %mul3A_333 : vector<16xf32>
          %add3A_335 = arith.addf %scan3A_179, %mul3A_334 : vector<16xf32>
          %add3A_336 = arith.constant 0 : i32
          %add3A_337 = arith.addi %mul3A_184, %add3A_336 : i32
          %add3A_338 = arith.constant 1 : i32
          %add3A_339 = arith.addi %add3A_337, %add3A_338 : i32
          %get3A_340 = arith.index_cast %rem3A_67 : i32 to index
          %get3A_341 = arith.index_cast %add3A_339 : i32 to index
          %get3A_342 = arith.constant 80 : index
          %get3A_343 = tpu.vector_load %arg11[%get3A_340, %get3A_341, %get3A_342] {strides = array<i32>} : memref<2x128x128xf32, #tpu.memory_space<vmem>>, vector<1x1x16xf32>,
          %get3A_344 = vector.shape_cast %get3A_343 : vector<1x1x16xf32> to vector<16xf32>
          %mul3A_345 = vector.broadcast %squeeze3A_195 : f32 to vector<16xf32>
          %mul3A_346 = arith.mulf %get3A_344, %mul3A_345 : vector<16xf32>
          %add3A_347 = arith.addf %scan3A_180, %mul3A_346 : vector<16xf32>
          %add3A_348 = arith.constant 0 : i32
          %add3A_349 = arith.addi %mul3A_184, %add3A_348 : i32
          %add3A_350 = arith.constant 1 : i32
          %add3A_351 = arith.addi %add3A_349, %add3A_350 : i32
          %get3A_352 = arith.index_cast %rem3A_67 : i32 to index
          %get3A_353 = arith.index_cast %add3A_351 : i32 to index
          %get3A_354 = arith.constant 96 : index
          %get3A_355 = tpu.vector_load %arg11[%get3A_352, %get3A_353, %get3A_354] {strides = array<i32>} : memref<2x128x128xf32, #tpu.memory_space<vmem>>, vector<1x1x16xf32>,
          %get3A_356 = vector.shape_cast %get3A_355 : vector<1x1x16xf32> to vector<16xf32>
          %mul3A_357 = vector.broadcast %squeeze3A_195 : f32 to vector<16xf32>
          %mul3A_358 = arith.mulf %get3A_356, %mul3A_357 : vector<16xf32>
          %add3A_359 = arith.addf %scan3A_181, %mul3A_358 : vector<16xf32>
          %add3A_360 = arith.constant 0 : i32
          %add3A_361 = arith.addi %mul3A_184, %add3A_360 : i32
          %add3A_362 = arith.constant 1 : i32
          %add3A_363 = arith.addi %add3A_361, %add3A_362 : i32
          %get3A_364 = arith.index_cast %rem3A_67 : i32 to index
          %get3A_365 = arith.index_cast %add3A_363 : i32 to index
          %get3A_366 = arith.constant 112 : index
          %get3A_367 = tpu.vector_load %arg11[%get3A_364, %get3A_365, %get3A_366] {strides = array<i32>} : memref<2x128x128xf32, #tpu.memory_space<vmem>>, vector<1x1x16xf32>,
          %get3A_368 = vector.shape_cast %get3A_367 : vector<1x1x16xf32> to vector<16xf32>
          %mul3A_369 = vector.broadcast %squeeze3A_195 : f32 to vector<16xf32>
          %mul3A_370 = arith.mulf %get3A_368, %mul3A_369 : vector<16xf32>
          %add3A_371 = arith.addf %scan3A_182, %mul3A_370 : vector<16xf32>
          %slice3A_372 = vector.extract_strided_slice %convert_element_type3A_191 {offsets = [2], sizes = [1], strides = [1]} : vector<16xf32> to vector<1xf32>
          %squeeze3A_373 = vector.extract %slice3A_372[0] : f32 from vector<1xf32>
          %slice3A_374 = vector.extract_strided_slice %convert_element_type3A_191 {offsets = [3], sizes = [1], strides = [1]} : vector<16xf32> to vector<1xf32>
          %squeeze3A_375 = vector.extract %slice3A_374[0] : f32 from vector<1xf32>
          %add3A_376 = arith.constant 2 : i32
          %add3A_377 = arith.addi %mul3A_184, %add3A_376 : i32
          %get3A_378 = arith.index_cast %rem3A_67 : i32 to index
          %get3A_379 = arith.index_cast %add3A_377 : i32 to index
          %get3A_380 = arith.constant 0 : index
          %get3A_381 = tpu.vector_load %arg11[%get3A_378, %get3A_379, %get3A_380] {strides = array<i32>} : memref<2x128x128xf32, #tpu.memory_space<vmem>>, vector<1x1x16xf32>,
          %get3A_382 = vector.shape_cast %get3A_381 : vector<1x1x16xf32> to vector<16xf32>
          %mul3A_383 = vector.broadcast %squeeze3A_373 : f32 to vector<16xf32>
          %mul3A_384 = arith.mulf %get3A_382, %mul3A_383 : vector<16xf32>
          %add3A_385 = arith.addf %add3A_205, %mul3A_384 : vector<16xf32>
          %add3A_386 = arith.constant 2 : i32
          %add3A_387 = arith.addi %mul3A_184, %add3A_386 : i32
          %get3A_388 = arith.index_cast %rem3A_67 : i32 to index
          %get3A_389 = arith.index_cast %add3A_387 : i32 to index
          %get3A_390 = arith.constant 16 : index
          %get3A_391 = tpu.vector_load %arg11[%get3A_388, %get3A_389, %get3A_390] {strides = array<i32>} : memref<2x128x128xf32, #tpu.memory_space<vmem>>, vector<1x1x16xf32>,
          %get3A_392 = vector.shape_cast %get3A_391 : vector<1x1x16xf32> to vector<16xf32>
          %mul3A_393 = vector.broadcast %squeeze3A_373 : f32 to vector<16xf32>
          %mul3A_394 = arith.mulf %get3A_392, %mul3A_393 : vector<16xf32>
          %add3A_395 = arith.addf %add3A_215, %mul3A_394 : vector<16xf32>
          %add3A_396 = arith.constant 2 : i32
          %add3A_397 = arith.addi %mul3A_184, %add3A_396 : i32
          %get3A_398 = arith.index_cast %rem3A_67 : i32 to index
          %get3A_399 = arith.index_cast %add3A_397 : i32 to index
          %get3A_400 = arith.constant 32 : index
          %get3A_401 = tpu.vector_load %arg11[%get3A_398, %get3A_399, %get3A_400] {strides = array<i32>} : memref<2x128x128xf32, #tpu.memory_space<vmem>>, vector<1x1x16xf32>,
          %get3A_402 = vector.shape_cast %get3A_401 : vector<1x1x16xf32> to vector<16xf32>
          %mul3A_403 = vector.broadcast %squeeze3A_373 : f32 to vector<16xf32>
          %mul3A_404 = arith.mulf %get3A_402, %mul3A_403 : vector<16xf32>
          %add3A_405 = arith.addf %add3A_225, %mul3A_404 : vector<16xf32>
          %add3A_406 = arith.constant 2 : i32
          %add3A_407 = arith.addi %mul3A_184, %add3A_406 : i32
          %get3A_408 = arith.index_cast %rem3A_67 : i32 to index
          %get3A_409 = arith.index_cast %add3A_407 : i32 to index
          %get3A_410 = arith.constant 48 : index
          %get3A_411 = tpu.vector_load %arg11[%get3A_408, %get3A_409, %get3A_410] {strides = array<i32>} : memref<2x128x128xf32, #tpu.memory_space<vmem>>, vector<1x1x16xf32>,
          %get3A_412 = vector.shape_cast %get3A_411 : vector<1x1x16xf32> to vector<16xf32>
          %mul3A_413 = vector.broadcast %squeeze3A_373 : f32 to vector<16xf32>
          %mul3A_414 = arith.mulf %get3A_412, %mul3A_413 : vector<16xf32>
          %add3A_415 = arith.addf %add3A_235, %mul3A_414 : vector<16xf32>
          %add3A_416 = arith.constant 2 : i32
          %add3A_417 = arith.addi %mul3A_184, %add3A_416 : i32
          %get3A_418 = arith.index_cast %rem3A_67 : i32 to index
          %get3A_419 = arith.index_cast %add3A_417 : i32 to index
          %get3A_420 = arith.constant 64 : index
          %get3A_421 = tpu.vector_load %arg11[%get3A_418, %get3A_419, %get3A_420] {strides = array<i32>} : memref<2x128x128xf32, #tpu.memory_space<vmem>>, vector<1x1x16xf32>,
          %get3A_422 = vector.shape_cast %get3A_421 : vector<1x1x16xf32> to vector<16xf32>
          %mul3A_423 = vector.broadcast %squeeze3A_373 : f32 to vector<16xf32>
          %mul3A_424 = arith.mulf %get3A_422, %mul3A_423 : vector<16xf32>
          %add3A_425 = arith.addf %add3A_245, %mul3A_424 : vector<16xf32>
          %add3A_426 = arith.constant 2 : i32
          %add3A_427 = arith.addi %mul3A_184, %add3A_426 : i32
          %get3A_428 = arith.index_cast %rem3A_67 : i32 to index
          %get3A_429 = arith.index_cast %add3A_427 : i32 to index
          %get3A_430 = arith.constant 80 : index
          %get3A_431 = tpu.vector_load %arg11[%get3A_428, %get3A_429, %get3A_430] {strides = array<i32>} : memref<2x128x128xf32, #tpu.memory_space<vmem>>, vector<1x1x16xf32>,
          %get3A_432 = vector.shape_cast %get3A_431 : vector<1x1x16xf32> to vector<16xf32>
          %mul3A_433 = vector.broadcast %squeeze3A_373 : f32 to vector<16xf32>
          %mul3A_434 = arith.mulf %get3A_432, %mul3A_433 : vector<16xf32>
          %add3A_435 = arith.addf %add3A_255, %mul3A_434 : vector<16xf32>
          %add3A_436 = arith.constant 2 : i32
          %add3A_437 = arith.addi %mul3A_184, %add3A_436 : i32
          %get3A_438 = arith.index_cast %rem3A_67 : i32 to index
          %get3A_439 = arith.index_cast %add3A_437 : i32 to index
          %get3A_440 = arith.constant 96 : index
          %get3A_441 = tpu.vector_load %arg11[%get3A_438, %get3A_439, %get3A_440] {strides = array<i32>} : memref<2x128x128xf32, #tpu.memory_space<vmem>>, vector<1x1x16xf32>,
          %get3A_442 = vector.shape_cast %get3A_441 : vector<1x1x16xf32> to vector<16xf32>
          %mul3A_443 = vector.broadcast %squeeze3A_373 : f32 to vector<16xf32>
          %mul3A_444 = arith.mulf %get3A_442, %mul3A_443 : vector<16xf32>
          %add3A_445 = arith.addf %add3A_265, %mul3A_444 : vector<16xf32>
          %add3A_446 = arith.constant 2 : i32
          %add3A_447 = arith.addi %mul3A_184, %add3A_446 : i32
          %get3A_448 = arith.index_cast %rem3A_67 : i32 to index
          %get3A_449 = arith.index_cast %add3A_447 : i32 to index
          %get3A_450 = arith.constant 112 : index
          %get3A_451 = tpu.vector_load %arg11[%get3A_448, %get3A_449, %get3A_450] {strides = array<i32>} : memref<2x128x128xf32, #tpu.memory_space<vmem>>, vector<1x1x16xf32>,
          %get3A_452 = vector.shape_cast %get3A_451 : vector<1x1x16xf32> to vector<16xf32>
          %mul3A_453 = vector.broadcast %squeeze3A_373 : f32 to vector<16xf32>
          %mul3A_454 = arith.mulf %get3A_452, %mul3A_453 : vector<16xf32>
          %add3A_455 = arith.addf %add3A_275, %mul3A_454 : vector<16xf32>
          %add3A_456 = arith.constant 2 : i32
          %add3A_457 = arith.addi %mul3A_184, %add3A_456 : i32
          %add3A_458 = arith.constant 1 : i32
          %add3A_459 = arith.addi %add3A_457, %add3A_458 : i32
          %get3A_460 = arith.index_cast %rem3A_67 : i32 to index
          %get3A_461 = arith.index_cast %add3A_459 : i32 to index
          %get3A_462 = arith.constant 0 : index
          %get3A_463 = tpu.vector_load %arg11[%get3A_460, %get3A_461, %get3A_462] {strides = array<i32>} : memref<2x128x128xf32, #tpu.memory_space<vmem>>, vector<1x1x16xf32>,
          %get3A_464 = vector.shape_cast %get3A_463 : vector<1x1x16xf32> to vector<16xf32>
          %mul3A_465 = vector.broadcast %squeeze3A_375 : f32 to vector<16xf32>
          %mul3A_466 = arith.mulf %get3A_464, %mul3A_465 : vector<16xf32>
          %add3A_467 = arith.addf %add3A_287, %mul3A_466 : vector<16xf32>
          %add3A_468 = arith.constant 2 : i32
          %add3A_469 = arith.addi %mul3A_184, %add3A_468 : i32
          %add3A_470 = arith.constant 1 : i32
          %add3A_471 = arith.addi %add3A_469, %add3A_470 : i32
          %get3A_472 = arith.index_cast %rem3A_67 : i32 to index
          %get3A_473 = arith.index_cast %add3A_471 : i32 to index
          %get3A_474 = arith.constant 16 : index
          %get3A_475 = tpu.vector_load %arg11[%get3A_472, %get3A_473, %get3A_474] {strides = array<i32>} : memref<2x128x128xf32, #tpu.memory_space<vmem>>, vector<1x1x16xf32>,
          %get3A_476 = vector.shape_cast %get3A_475 : vector<1x1x16xf32> to vector<16xf32>
          %mul3A_477 = vector.broadcast %squeeze3A_375 : f32 to vector<16xf32>
          %mul3A_478 = arith.mulf %get3A_476, %mul3A_477 : vector<16xf32>
          %add3A_479 = arith.addf %add3A_299, %mul3A_478 : vector<16xf32>
          %add3A_480 = arith.constant 2 : i32
          %add3A_481 = arith.addi %mul3A_184, %add3A_480 : i32
          %add3A_482 = arith.constant 1 : i32
          %add3A_483 = arith.addi %add3A_481, %add3A_482 : i32
          %get3A_484 = arith.index_cast %rem3A_67 : i32 to index
          %get3A_485 = arith.index_cast %add3A_483 : i32 to index
          %get3A_486 = arith.constant 32 : index
          %get3A_487 = tpu.vector_load %arg11[%get3A_484, %get3A_485, %get3A_486] {strides = array<i32>} : memref<2x128x128xf32, #tpu.memory_space<vmem>>, vector<1x1x16xf32>,
          %get3A_488 = vector.shape_cast %get3A_487 : vector<1x1x16xf32> to vector<16xf32>
          %mul3A_489 = vector.broadcast %squeeze3A_375 : f32 to vector<16xf32>
          %mul3A_490 = arith.mulf %get3A_488, %mul3A_489 : vector<16xf32>
          %add3A_491 = arith.addf %add3A_311, %mul3A_490 : vector<16xf32>
          %add3A_492 = arith.constant 2 : i32
          %add3A_493 = arith.addi %mul3A_184, %add3A_492 : i32
          %add3A_494 = arith.constant 1 : i32
          %add3A_495 = arith.addi %add3A_493, %add3A_494 : i32
          %get3A_496 = arith.index_cast %rem3A_67 : i32 to index
          %get3A_497 = arith.index_cast %add3A_495 : i32 to index
          %get3A_498 = arith.constant 48 : index
          %get3A_499 = tpu.vector_load %arg11[%get3A_496, %get3A_497, %get3A_498] {strides = array<i32>} : memref<2x128x128xf32, #tpu.memory_space<vmem>>, vector<1x1x16xf32>,
          %get3A_500 = vector.shape_cast %get3A_499 : vector<1x1x16xf32> to vector<16xf32>
          %mul3A_501 = vector.broadcast %squeeze3A_375 : f32 to vector<16xf32>
          %mul3A_502 = arith.mulf %get3A_500, %mul3A_501 : vector<16xf32>
          %add3A_503 = arith.addf %add3A_323, %mul3A_502 : vector<16xf32>
          %add3A_504 = arith.constant 2 : i32
          %add3A_505 = arith.addi %mul3A_184, %add3A_504 : i32
          %add3A_506 = arith.constant 1 : i32
          %add3A_507 = arith.addi %add3A_505, %add3A_506 : i32
          %get3A_508 = arith.index_cast %rem3A_67 : i32 to index
          %get3A_509 = arith.index_cast %add3A_507 : i32 to index
          %get3A_510 = arith.constant 64 : index
          %get3A_511 = tpu.vector_load %arg11[%get3A_508, %get3A_509, %get3A_510] {strides = array<i32>} : memref<2x128x128xf32, #tpu.memory_space<vmem>>, vector<1x1x16xf32>,
          %get3A_512 = vector.shape_cast %get3A_511 : vector<1x1x16xf32> to vector<16xf32>
          %mul3A_513 = vector.broadcast %squeeze3A_375 : f32 to vector<16xf32>
          %mul3A_514 = arith.mulf %get3A_512, %mul3A_513 : vector<16xf32>
          %add3A_515 = arith.addf %add3A_335, %mul3A_514 : vector<16xf32>
          %add3A_516 = arith.constant 2 : i32
          %add3A_517 = arith.addi %mul3A_184, %add3A_516 : i32
          %add3A_518 = arith.constant 1 : i32
          %add3A_519 = arith.addi %add3A_517, %add3A_518 : i32
          %get3A_520 = arith.index_cast %rem3A_67 : i32 to index
          %get3A_521 = arith.index_cast %add3A_519 : i32 to index
          %get3A_522 = arith.constant 80 : index
          %get3A_523 = tpu.vector_load %arg11[%get3A_520, %get3A_521, %get3A_522] {strides = array<i32>} : memref<2x128x128xf32, #tpu.memory_space<vmem>>, vector<1x1x16xf32>,
          %get3A_524 = vector.shape_cast %get3A_523 : vector<1x1x16xf32> to vector<16xf32>
          %mul3A_525 = vector.broadcast %squeeze3A_375 : f32 to vector<16xf32>
          %mul3A_526 = arith.mulf %get3A_524, %mul3A_525 : vector<16xf32>
          %add3A_527 = arith.addf %add3A_347, %mul3A_526 : vector<16xf32>
          %add3A_528 = arith.constant 2 : i32
          %add3A_529 = arith.addi %mul3A_184, %add3A_528 : i32
          %add3A_530 = arith.constant 1 : i32
          %add3A_531 = arith.addi %add3A_529, %add3A_530 : i32
          %get3A_532 = arith.index_cast %rem3A_67 : i32 to index
          %get3A_533 = arith.index_cast %add3A_531 : i32 to index
          %get3A_534 = arith.constant 96 : index
          %get3A_535 = tpu.vector_load %arg11[%get3A_532, %get3A_533, %get3A_534] {strides = array<i32>} : memref<2x128x128xf32, #tpu.memory_space<vmem>>, vector<1x1x16xf32>,
          %get3A_536 = vector.shape_cast %get3A_535 : vector<1x1x16xf32> to vector<16xf32>
          %mul3A_537 = vector.broadcast %squeeze3A_375 : f32 to vector<16xf32>
          %mul3A_538 = arith.mulf %get3A_536, %mul3A_537 : vector<16xf32>
          %add3A_539 = arith.addf %add3A_359, %mul3A_538 : vector<16xf32>
          %add3A_540 = arith.constant 2 : i32
          %add3A_541 = arith.addi %mul3A_184, %add3A_540 : i32
          %add3A_542 = arith.constant 1 : i32
          %add3A_543 = arith.addi %add3A_541, %add3A_542 : i32
          %get3A_544 = arith.index_cast %rem3A_67 : i32 to index
          %get3A_545 = arith.index_cast %add3A_543 : i32 to index
          %get3A_546 = arith.constant 112 : index
          %get3A_547 = tpu.vector_load %arg11[%get3A_544, %get3A_545, %get3A_546] {strides = array<i32>} : memref<2x128x128xf32, #tpu.memory_space<vmem>>, vector<1x1x16xf32>,
          %get3A_548 = vector.shape_cast %get3A_547 : vector<1x1x16xf32> to vector<16xf32>
          %mul3A_549 = vector.broadcast %squeeze3A_375 : f32 to vector<16xf32>
          %mul3A_550 = arith.mulf %get3A_548, %mul3A_549 : vector<16xf32>
          %add3A_551 = arith.addf %add3A_371, %mul3A_550 : vector<16xf32>
          %slice3A_552 = vector.extract_strided_slice %convert_element_type3A_191 {offsets = [4], sizes = [1], strides = [1]} : vector<16xf32> to vector<1xf32>
          %squeeze3A_553 = vector.extract %slice3A_552[0] : f32 from vector<1xf32>
          %slice3A_554 = vector.extract_strided_slice %convert_element_type3A_191 {offsets = [5], sizes = [1], strides = [1]} : vector<16xf32> to vector<1xf32>
          %squeeze3A_555 = vector.extract %slice3A_554[0] : f32 from vector<1xf32>
          %add3A_556 = arith.constant 4 : i32
          %add3A_557 = arith.addi %mul3A_184, %add3A_556 : i32
          %get3A_558 = arith.index_cast %rem3A_67 : i32 to index
          %get3A_559 = arith.index_cast %add3A_557 : i32 to index
          %get3A_560 = arith.constant 0 : index
          %get3A_561 = tpu.vector_load %arg11[%get3A_558, %get3A_559, %get3A_560] {strides = array<i32>} : memref<2x128x128xf32, #tpu.memory_space<vmem>>, vector<1x1x16xf32>,
          %get3A_562 = vector.shape_cast %get3A_561 : vector<1x1x16xf32> to vector<16xf32>
          %mul3A_563 = vector.broadcast %squeeze3A_553 : f32 to vector<16xf32>
          %mul3A_564 = arith.mulf %get3A_562, %mul3A_563 : vector<16xf32>
          %add3A_565 = arith.addf %add3A_385, %mul3A_564 : vector<16xf32>
          %add3A_566 = arith.constant 4 : i32
          %add3A_567 = arith.addi %mul3A_184, %add3A_566 : i32
          %get3A_568 = arith.index_cast %rem3A_67 : i32 to index
          %get3A_569 = arith.index_cast %add3A_567 : i32 to index
          %get3A_570 = arith.constant 16 : index
          %get3A_571 = tpu.vector_load %arg11[%get3A_568, %get3A_569, %get3A_570] {strides = array<i32>} : memref<2x128x128xf32, #tpu.memory_space<vmem>>, vector<1x1x16xf32>,
          %get3A_572 = vector.shape_cast %get3A_571 : vector<1x1x16xf32> to vector<16xf32>
          %mul3A_573 = vector.broadcast %squeeze3A_553 : f32 to vector<16xf32>
          %mul3A_574 = arith.mulf %get3A_572, %mul3A_573 : vector<16xf32>
          %add3A_575 = arith.addf %add3A_395, %mul3A_574 : vector<16xf32>
          %add3A_576 = arith.constant 4 : i32
          %add3A_577 = arith.addi %mul3A_184, %add3A_576 : i32
          %get3A_578 = arith.index_cast %rem3A_67 : i32 to index
          %get3A_579 = arith.index_cast %add3A_577 : i32 to index
          %get3A_580 = arith.constant 32 : index
          %get3A_581 = tpu.vector_load %arg11[%get3A_578, %get3A_579, %get3A_580] {strides = array<i32>} : memref<2x128x128xf32, #tpu.memory_space<vmem>>, vector<1x1x16xf32>,
          %get3A_582 = vector.shape_cast %get3A_581 : vector<1x1x16xf32> to vector<16xf32>
          %mul3A_583 = vector.broadcast %squeeze3A_553 : f32 to vector<16xf32>
          %mul3A_584 = arith.mulf %get3A_582, %mul3A_583 : vector<16xf32>
          %add3A_585 = arith.addf %add3A_405, %mul3A_584 : vector<16xf32>
          %add3A_586 = arith.constant 4 : i32
          %add3A_587 = arith.addi %mul3A_184, %add3A_586 : i32
          %get3A_588 = arith.index_cast %rem3A_67 : i32 to index
          %get3A_589 = arith.index_cast %add3A_587 : i32 to index
          %get3A_590 = arith.constant 48 : index
          %get3A_591 = tpu.vector_load %arg11[%get3A_588, %get3A_589, %get3A_590] {strides = array<i32>} : memref<2x128x128xf32, #tpu.memory_space<vmem>>, vector<1x1x16xf32>,
          %get3A_592 = vector.shape_cast %get3A_591 : vector<1x1x16xf32> to vector<16xf32>
          %mul3A_593 = vector.broadcast %squeeze3A_553 : f32 to vector<16xf32>
          %mul3A_594 = arith.mulf %get3A_592, %mul3A_593 : vector<16xf32>
          %add3A_595 = arith.addf %add3A_415, %mul3A_594 : vector<16xf32>
          %add3A_596 = arith.constant 4 : i32
          %add3A_597 = arith.addi %mul3A_184, %add3A_596 : i32
          %get3A_598 = arith.index_cast %rem3A_67 : i32 to index
          %get3A_599 = arith.index_cast %add3A_597 : i32 to index
          %get3A_600 = arith.constant 64 : index
          %get3A_601 = tpu.vector_load %arg11[%get3A_598, %get3A_599, %get3A_600] {strides = array<i32>} : memref<2x128x128xf32, #tpu.memory_space<vmem>>, vector<1x1x16xf32>,
          %get3A_602 = vector.shape_cast %get3A_601 : vector<1x1x16xf32> to vector<16xf32>
          %mul3A_603 = vector.broadcast %squeeze3A_553 : f32 to vector<16xf32>
          %mul3A_604 = arith.mulf %get3A_602, %mul3A_603 : vector<16xf32>
          %add3A_605 = arith.addf %add3A_425, %mul3A_604 : vector<16xf32>
          %add3A_606 = arith.constant 4 : i32
          %add3A_607 = arith.addi %mul3A_184, %add3A_606 : i32
          %get3A_608 = arith.index_cast %rem3A_67 : i32 to index
          %get3A_609 = arith.index_cast %add3A_607 : i32 to index
          %get3A_610 = arith.constant 80 : index
          %get3A_611 = tpu.vector_load %arg11[%get3A_608, %get3A_609, %get3A_610] {strides = array<i32>} : memref<2x128x128xf32, #tpu.memory_space<vmem>>, vector<1x1x16xf32>,
          %get3A_612 = vector.shape_cast %get3A_611 : vector<1x1x16xf32> to vector<16xf32>
          %mul3A_613 = vector.broadcast %squeeze3A_553 : f32 to vector<16xf32>
          %mul3A_614 = arith.mulf %get3A_612, %mul3A_613 : vector<16xf32>
          %add3A_615 = arith.addf %add3A_435, %mul3A_614 : vector<16xf32>
          %add3A_616 = arith.constant 4 : i32
          %add3A_617 = arith.addi %mul3A_184, %add3A_616 : i32
          %get3A_618 = arith.index_cast %rem3A_67 : i32 to index
          %get3A_619 = arith.index_cast %add3A_617 : i32 to index
          %get3A_620 = arith.constant 96 : index
          %get3A_621 = tpu.vector_load %arg11[%get3A_618, %get3A_619, %get3A_620] {strides = array<i32>} : memref<2x128x128xf32, #tpu.memory_space<vmem>>, vector<1x1x16xf32>,
          %get3A_622 = vector.shape_cast %get3A_621 : vector<1x1x16xf32> to vector<16xf32>
          %mul3A_623 = vector.broadcast %squeeze3A_553 : f32 to vector<16xf32>
          %mul3A_624 = arith.mulf %get3A_622, %mul3A_623 : vector<16xf32>
          %add3A_625 = arith.addf %add3A_445, %mul3A_624 : vector<16xf32>
          %add3A_626 = arith.constant 4 : i32
          %add3A_627 = arith.addi %mul3A_184, %add3A_626 : i32
          %get3A_628 = arith.index_cast %rem3A_67 : i32 to index
          %get3A_629 = arith.index_cast %add3A_627 : i32 to index
          %get3A_630 = arith.constant 112 : index
          %get3A_631 = tpu.vector_load %arg11[%get3A_628, %get3A_629, %get3A_630] {strides = array<i32>} : memref<2x128x128xf32, #tpu.memory_space<vmem>>, vector<1x1x16xf32>,
          %get3A_632 = vector.shape_cast %get3A_631 : vector<1x1x16xf32> to vector<16xf32>
          %mul3A_633 = vector.broadcast %squeeze3A_553 : f32 to vector<16xf32>
          %mul3A_634 = arith.mulf %get3A_632, %mul3A_633 : vector<16xf32>
          %add3A_635 = arith.addf %add3A_455, %mul3A_634 : vector<16xf32>
          %add3A_636 = arith.constant 4 : i32
          %add3A_637 = arith.addi %mul3A_184, %add3A_636 : i32
          %add3A_638 = arith.constant 1 : i32
          %add3A_639 = arith.addi %add3A_637, %add3A_638 : i32
          %get3A_640 = arith.index_cast %rem3A_67 : i32 to index
          %get3A_641 = arith.index_cast %add3A_639 : i32 to index
          %get3A_642 = arith.constant 0 : index
          %get3A_643 = tpu.vector_load %arg11[%get3A_640, %get3A_641, %get3A_642] {strides = array<i32>} : memref<2x128x128xf32, #tpu.memory_space<vmem>>, vector<1x1x16xf32>,
          %get3A_644 = vector.shape_cast %get3A_643 : vector<1x1x16xf32> to vector<16xf32>
          %mul3A_645 = vector.broadcast %squeeze3A_555 : f32 to vector<16xf32>
          %mul3A_646 = arith.mulf %get3A_644, %mul3A_645 : vector<16xf32>
          %add3A_647 = arith.addf %add3A_467, %mul3A_646 : vector<16xf32>
          %add3A_648 = arith.constant 4 : i32
          %add3A_649 = arith.addi %mul3A_184, %add3A_648 : i32
          %add3A_650 = arith.constant 1 : i32
          %add3A_651 = arith.addi %add3A_649, %add3A_650 : i32
          %get3A_652 = arith.index_cast %rem3A_67 : i32 to index
          %get3A_653 = arith.index_cast %add3A_651 : i32 to index
          %get3A_654 = arith.constant 16 : index
          %get3A_655 = tpu.vector_load %arg11[%get3A_652, %get3A_653, %get3A_654] {strides = array<i32>} : memref<2x128x128xf32, #tpu.memory_space<vmem>>, vector<1x1x16xf32>,
          %get3A_656 = vector.shape_cast %get3A_655 : vector<1x1x16xf32> to vector<16xf32>
          %mul3A_657 = vector.broadcast %squeeze3A_555 : f32 to vector<16xf32>
          %mul3A_658 = arith.mulf %get3A_656, %mul3A_657 : vector<16xf32>
          %add3A_659 = arith.addf %add3A_479, %mul3A_658 : vector<16xf32>
          %add3A_660 = arith.constant 4 : i32
          %add3A_661 = arith.addi %mul3A_184, %add3A_660 : i32
          %add3A_662 = arith.constant 1 : i32
          %add3A_663 = arith.addi %add3A_661, %add3A_662 : i32
          %get3A_664 = arith.index_cast %rem3A_67 : i32 to index
          %get3A_665 = arith.index_cast %add3A_663 : i32 to index
          %get3A_666 = arith.constant 32 : index
          %get3A_667 = tpu.vector_load %arg11[%get3A_664, %get3A_665, %get3A_666] {strides = array<i32>} : memref<2x128x128xf32, #tpu.memory_space<vmem>>, vector<1x1x16xf32>,
          %get3A_668 = vector.shape_cast %get3A_667 : vector<1x1x16xf32> to vector<16xf32>
          %mul3A_669 = vector.broadcast %squeeze3A_555 : f32 to vector<16xf32>
          %mul3A_670 = arith.mulf %get3A_668, %mul3A_669 : vector<16xf32>
          %add3A_671 = arith.addf %add3A_491, %mul3A_670 : vector<16xf32>
          %add3A_672 = arith.constant 4 : i32
          %add3A_673 = arith.addi %mul3A_184, %add3A_672 : i32
          %add3A_674 = arith.constant 1 : i32
          %add3A_675 = arith.addi %add3A_673, %add3A_674 : i32
          %get3A_676 = arith.index_cast %rem3A_67 : i32 to index
          %get3A_677 = arith.index_cast %add3A_675 : i32 to index
          %get3A_678 = arith.constant 48 : index
          %get3A_679 = tpu.vector_load %arg11[%get3A_676, %get3A_677, %get3A_678] {strides = array<i32>} : memref<2x128x128xf32, #tpu.memory_space<vmem>>, vector<1x1x16xf32>,
          %get3A_680 = vector.shape_cast %get3A_679 : vector<1x1x16xf32> to vector<16xf32>
          %mul3A_681 = vector.broadcast %squeeze3A_555 : f32 to vector<16xf32>
          %mul3A_682 = arith.mulf %get3A_680, %mul3A_681 : vector<16xf32>
          %add3A_683 = arith.addf %add3A_503, %mul3A_682 : vector<16xf32>
          %add3A_684 = arith.constant 4 : i32
          %add3A_685 = arith.addi %mul3A_184, %add3A_684 : i32
          %add3A_686 = arith.constant 1 : i32
          %add3A_687 = arith.addi %add3A_685, %add3A_686 : i32
          %get3A_688 = arith.index_cast %rem3A_67 : i32 to index
          %get3A_689 = arith.index_cast %add3A_687 : i32 to index
          %get3A_690 = arith.constant 64 : index
          %get3A_691 = tpu.vector_load %arg11[%get3A_688, %get3A_689, %get3A_690] {strides = array<i32>} : memref<2x128x128xf32, #tpu.memory_space<vmem>>, vector<1x1x16xf32>,
          %get3A_692 = vector.shape_cast %get3A_691 : vector<1x1x16xf32> to vector<16xf32>
          %mul3A_693 = vector.broadcast %squeeze3A_555 : f32 to vector<16xf32>
          %mul3A_694 = arith.mulf %get3A_692, %mul3A_693 : vector<16xf32>
          %add3A_695 = arith.addf %add3A_515, %mul3A_694 : vector<16xf32>
          %add3A_696 = arith.constant 4 : i32
          %add3A_697 = arith.addi %mul3A_184, %add3A_696 : i32
          %add3A_698 = arith.constant 1 : i32
          %add3A_699 = arith.addi %add3A_697, %add3A_698 : i32
          %get3A_700 = arith.index_cast %rem3A_67 : i32 to index
          %get3A_701 = arith.index_cast %add3A_699 : i32 to index
          %get3A_702 = arith.constant 80 : index
          %get3A_703 = tpu.vector_load %arg11[%get3A_700, %get3A_701, %get3A_702] {strides = array<i32>} : memref<2x128x128xf32, #tpu.memory_space<vmem>>, vector<1x1x16xf32>,
          %get3A_704 = vector.shape_cast %get3A_703 : vector<1x1x16xf32> to vector<16xf32>
          %mul3A_705 = vector.broadcast %squeeze3A_555 : f32 to vector<16xf32>
          %mul3A_706 = arith.mulf %get3A_704, %mul3A_705 : vector<16xf32>
          %add3A_707 = arith.addf %add3A_527, %mul3A_706 : vector<16xf32>
          %add3A_708 = arith.constant 4 : i32
          %add3A_709 = arith.addi %mul3A_184, %add3A_708 : i32
          %add3A_710 = arith.constant 1 : i32
          %add3A_711 = arith.addi %add3A_709, %add3A_710 : i32
          %get3A_712 = arith.index_cast %rem3A_67 : i32 to index
          %get3A_713 = arith.index_cast %add3A_711 : i32 to index
          %get3A_714 = arith.constant 96 : index
          %get3A_715 = tpu.vector_load %arg11[%get3A_712, %get3A_713, %get3A_714] {strides = array<i32>} : memref<2x128x128xf32, #tpu.memory_space<vmem>>, vector<1x1x16xf32>,
          %get3A_716 = vector.shape_cast %get3A_715 : vector<1x1x16xf32> to vector<16xf32>
          %mul3A_717 = vector.broadcast %squeeze3A_555 : f32 to vector<16xf32>
          %mul3A_718 = arith.mulf %get3A_716, %mul3A_717 : vector<16xf32>
          %add3A_719 = arith.addf %add3A_539, %mul3A_718 : vector<16xf32>
          %add3A_720 = arith.constant 4 : i32
          %add3A_721 = arith.addi %mul3A_184, %add3A_720 : i32
          %add3A_722 = arith.constant 1 : i32
          %add3A_723 = arith.addi %add3A_721, %add3A_722 : i32
          %get3A_724 = arith.index_cast %rem3A_67 : i32 to index
          %get3A_725 = arith.index_cast %add3A_723 : i32 to index
          %get3A_726 = arith.constant 112 : index
          %get3A_727 = tpu.vector_load %arg11[%get3A_724, %get3A_725, %get3A_726] {strides = array<i32>} : memref<2x128x128xf32, #tpu.memory_space<vmem>>, vector<1x1x16xf32>,
          %get3A_728 = vector.shape_cast %get3A_727 : vector<1x1x16xf32> to vector<16xf32>
          %mul3A_729 = vector.broadcast %squeeze3A_555 : f32 to vector<16xf32>
          %mul3A_730 = arith.mulf %get3A_728, %mul3A_729 : vector<16xf32>
          %add3A_731 = arith.addf %add3A_551, %mul3A_730 : vector<16xf32>
          %slice3A_732 = vector.extract_strided_slice %convert_element_type3A_191 {offsets = [6], sizes = [1], strides = [1]} : vector<16xf32> to vector<1xf32>
          %squeeze3A_733 = vector.extract %slice3A_732[0] : f32 from vector<1xf32>
          %slice3A_734 = vector.extract_strided_slice %convert_element_type3A_191 {offsets = [7], sizes = [1], strides = [1]} : vector<16xf32> to vector<1xf32>
          %squeeze3A_735 = vector.extract %slice3A_734[0] : f32 from vector<1xf32>
          %add3A_736 = arith.constant 6 : i32
          %add3A_737 = arith.addi %mul3A_184, %add3A_736 : i32
          %get3A_738 = arith.index_cast %rem3A_67 : i32 to index
          %get3A_739 = arith.index_cast %add3A_737 : i32 to index
          %get3A_740 = arith.constant 0 : index
          %get3A_741 = tpu.vector_load %arg11[%get3A_738, %get3A_739, %get3A_740] {strides = array<i32>} : memref<2x128x128xf32, #tpu.memory_space<vmem>>, vector<1x1x16xf32>,
          %get3A_742 = vector.shape_cast %get3A_741 : vector<1x1x16xf32> to vector<16xf32>
          %mul3A_743 = vector.broadcast %squeeze3A_733 : f32 to vector<16xf32>
          %mul3A_744 = arith.mulf %get3A_742, %mul3A_743 : vector<16xf32>
          %add3A_745 = arith.addf %add3A_565, %mul3A_744 : vector<16xf32>
          %add3A_746 = arith.constant 6 : i32
          %add3A_747 = arith.addi %mul3A_184, %add3A_746 : i32
          %get3A_748 = arith.index_cast %rem3A_67 : i32 to index
          %get3A_749 = arith.index_cast %add3A_747 : i32 to index
          %get3A_750 = arith.constant 16 : index
          %get3A_751 = tpu.vector_load %arg11[%get3A_748, %get3A_749, %get3A_750] {strides = array<i32>} : memref<2x128x128xf32, #tpu.memory_space<vmem>>, vector<1x1x16xf32>,
          %get3A_752 = vector.shape_cast %get3A_751 : vector<1x1x16xf32> to vector<16xf32>
          %mul3A_753 = vector.broadcast %squeeze3A_733 : f32 to vector<16xf32>
          %mul3A_754 = arith.mulf %get3A_752, %mul3A_753 : vector<16xf32>
          %add3A_755 = arith.addf %add3A_575, %mul3A_754 : vector<16xf32>
          %add3A_756 = arith.constant 6 : i32
          %add3A_757 = arith.addi %mul3A_184, %add3A_756 : i32
          %get3A_758 = arith.index_cast %rem3A_67 : i32 to index
          %get3A_759 = arith.index_cast %add3A_757 : i32 to index
          %get3A_760 = arith.constant 32 : index
          %get3A_761 = tpu.vector_load %arg11[%get3A_758, %get3A_759, %get3A_760] {strides = array<i32>} : memref<2x128x128xf32, #tpu.memory_space<vmem>>, vector<1x1x16xf32>,
          %get3A_762 = vector.shape_cast %get3A_761 : vector<1x1x16xf32> to vector<16xf32>
          %mul3A_763 = vector.broadcast %squeeze3A_733 : f32 to vector<16xf32>
          %mul3A_764 = arith.mulf %get3A_762, %mul3A_763 : vector<16xf32>
          %add3A_765 = arith.addf %add3A_585, %mul3A_764 : vector<16xf32>
          %add3A_766 = arith.constant 6 : i32
          %add3A_767 = arith.addi %mul3A_184, %add3A_766 : i32
          %get3A_768 = arith.index_cast %rem3A_67 : i32 to index
          %get3A_769 = arith.index_cast %add3A_767 : i32 to index
          %get3A_770 = arith.constant 48 : index
          %get3A_771 = tpu.vector_load %arg11[%get3A_768, %get3A_769, %get3A_770] {strides = array<i32>} : memref<2x128x128xf32, #tpu.memory_space<vmem>>, vector<1x1x16xf32>,
          %get3A_772 = vector.shape_cast %get3A_771 : vector<1x1x16xf32> to vector<16xf32>
          %mul3A_773 = vector.broadcast %squeeze3A_733 : f32 to vector<16xf32>
          %mul3A_774 = arith.mulf %get3A_772, %mul3A_773 : vector<16xf32>
          %add3A_775 = arith.addf %add3A_595, %mul3A_774 : vector<16xf32>
          %add3A_776 = arith.constant 6 : i32
          %add3A_777 = arith.addi %mul3A_184, %add3A_776 : i32
          %get3A_778 = arith.index_cast %rem3A_67 : i32 to index
          %get3A_779 = arith.index_cast %add3A_777 : i32 to index
          %get3A_780 = arith.constant 64 : index
          %get3A_781 = tpu.vector_load %arg11[%get3A_778, %get3A_779, %get3A_780] {strides = array<i32>} : memref<2x128x128xf32, #tpu.memory_space<vmem>>, vector<1x1x16xf32>,
          %get3A_782 = vector.shape_cast %get3A_781 : vector<1x1x16xf32> to vector<16xf32>
          %mul3A_783 = vector.broadcast %squeeze3A_733 : f32 to vector<16xf32>
          %mul3A_784 = arith.mulf %get3A_782, %mul3A_783 : vector<16xf32>
          %add3A_785 = arith.addf %add3A_605, %mul3A_784 : vector<16xf32>
          %add3A_786 = arith.constant 6 : i32
          %add3A_787 = arith.addi %mul3A_184, %add3A_786 : i32
          %get3A_788 = arith.index_cast %rem3A_67 : i32 to index
          %get3A_789 = arith.index_cast %add3A_787 : i32 to index
          %get3A_790 = arith.constant 80 : index
          %get3A_791 = tpu.vector_load %arg11[%get3A_788, %get3A_789, %get3A_790] {strides = array<i32>} : memref<2x128x128xf32, #tpu.memory_space<vmem>>, vector<1x1x16xf32>,
          %get3A_792 = vector.shape_cast %get3A_791 : vector<1x1x16xf32> to vector<16xf32>
          %mul3A_793 = vector.broadcast %squeeze3A_733 : f32 to vector<16xf32>
          %mul3A_794 = arith.mulf %get3A_792, %mul3A_793 : vector<16xf32>
          %add3A_795 = arith.addf %add3A_615, %mul3A_794 : vector<16xf32>
          %add3A_796 = arith.constant 6 : i32
          %add3A_797 = arith.addi %mul3A_184, %add3A_796 : i32
          %get3A_798 = arith.index_cast %rem3A_67 : i32 to index
          %get3A_799 = arith.index_cast %add3A_797 : i32 to index
          %get3A_800 = arith.constant 96 : index
          %get3A_801 = tpu.vector_load %arg11[%get3A_798, %get3A_799, %get3A_800] {strides = array<i32>} : memref<2x128x128xf32, #tpu.memory_space<vmem>>, vector<1x1x16xf32>,
          %get3A_802 = vector.shape_cast %get3A_801 : vector<1x1x16xf32> to vector<16xf32>
          %mul3A_803 = vector.broadcast %squeeze3A_733 : f32 to vector<16xf32>
          %mul3A_804 = arith.mulf %get3A_802, %mul3A_803 : vector<16xf32>
          %add3A_805 = arith.addf %add3A_625, %mul3A_804 : vector<16xf32>
          %add3A_806 = arith.constant 6 : i32
          %add3A_807 = arith.addi %mul3A_184, %add3A_806 : i32
          %get3A_808 = arith.index_cast %rem3A_67 : i32 to index
          %get3A_809 = arith.index_cast %add3A_807 : i32 to index
          %get3A_810 = arith.constant 112 : index
          %get3A_811 = tpu.vector_load %arg11[%get3A_808, %get3A_809, %get3A_810] {strides = array<i32>} : memref<2x128x128xf32, #tpu.memory_space<vmem>>, vector<1x1x16xf32>,
          %get3A_812 = vector.shape_cast %get3A_811 : vector<1x1x16xf32> to vector<16xf32>
          %mul3A_813 = vector.broadcast %squeeze3A_733 : f32 to vector<16xf32>
          %mul3A_814 = arith.mulf %get3A_812, %mul3A_813 : vector<16xf32>
          %add3A_815 = arith.addf %add3A_635, %mul3A_814 : vector<16xf32>
          %add3A_816 = arith.constant 6 : i32
          %add3A_817 = arith.addi %mul3A_184, %add3A_816 : i32
          %add3A_818 = arith.constant 1 : i32
          %add3A_819 = arith.addi %add3A_817, %add3A_818 : i32
          %get3A_820 = arith.index_cast %rem3A_67 : i32 to index
          %get3A_821 = arith.index_cast %add3A_819 : i32 to index
          %get3A_822 = arith.constant 0 : index
          %get3A_823 = tpu.vector_load %arg11[%get3A_820, %get3A_821, %get3A_822] {strides = array<i32>} : memref<2x128x128xf32, #tpu.memory_space<vmem>>, vector<1x1x16xf32>,
          %get3A_824 = vector.shape_cast %get3A_823 : vector<1x1x16xf32> to vector<16xf32>
          %mul3A_825 = vector.broadcast %squeeze3A_735 : f32 to vector<16xf32>
          %mul3A_826 = arith.mulf %get3A_824, %mul3A_825 : vector<16xf32>
          %add3A_827 = arith.addf %add3A_647, %mul3A_826 : vector<16xf32>
          %add3A_828 = arith.constant 6 : i32
          %add3A_829 = arith.addi %mul3A_184, %add3A_828 : i32
          %add3A_830 = arith.constant 1 : i32
          %add3A_831 = arith.addi %add3A_829, %add3A_830 : i32
          %get3A_832 = arith.index_cast %rem3A_67 : i32 to index
          %get3A_833 = arith.index_cast %add3A_831 : i32 to index
          %get3A_834 = arith.constant 16 : index
          %get3A_835 = tpu.vector_load %arg11[%get3A_832, %get3A_833, %get3A_834] {strides = array<i32>} : memref<2x128x128xf32, #tpu.memory_space<vmem>>, vector<1x1x16xf32>,
          %get3A_836 = vector.shape_cast %get3A_835 : vector<1x1x16xf32> to vector<16xf32>
          %mul3A_837 = vector.broadcast %squeeze3A_735 : f32 to vector<16xf32>
          %mul3A_838 = arith.mulf %get3A_836, %mul3A_837 : vector<16xf32>
          %add3A_839 = arith.addf %add3A_659, %mul3A_838 : vector<16xf32>
          %add3A_840 = arith.constant 6 : i32
          %add3A_841 = arith.addi %mul3A_184, %add3A_840 : i32
          %add3A_842 = arith.constant 1 : i32
          %add3A_843 = arith.addi %add3A_841, %add3A_842 : i32
          %get3A_844 = arith.index_cast %rem3A_67 : i32 to index
          %get3A_845 = arith.index_cast %add3A_843 : i32 to index
          %get3A_846 = arith.constant 32 : index
          %get3A_847 = tpu.vector_load %arg11[%get3A_844, %get3A_845, %get3A_846] {strides = array<i32>} : memref<2x128x128xf32, #tpu.memory_space<vmem>>, vector<1x1x16xf32>,
          %get3A_848 = vector.shape_cast %get3A_847 : vector<1x1x16xf32> to vector<16xf32>
          %mul3A_849 = vector.broadcast %squeeze3A_735 : f32 to vector<16xf32>
          %mul3A_850 = arith.mulf %get3A_848, %mul3A_849 : vector<16xf32>
          %add3A_851 = arith.addf %add3A_671, %mul3A_850 : vector<16xf32>
          %add3A_852 = arith.constant 6 : i32
          %add3A_853 = arith.addi %mul3A_184, %add3A_852 : i32
          %add3A_854 = arith.constant 1 : i32
          %add3A_855 = arith.addi %add3A_853, %add3A_854 : i32
          %get3A_856 = arith.index_cast %rem3A_67 : i32 to index
          %get3A_857 = arith.index_cast %add3A_855 : i32 to index
          %get3A_858 = arith.constant 48 : index
          %get3A_859 = tpu.vector_load %arg11[%get3A_856, %get3A_857, %get3A_858] {strides = array<i32>} : memref<2x128x128xf32, #tpu.memory_space<vmem>>, vector<1x1x16xf32>,
          %get3A_860 = vector.shape_cast %get3A_859 : vector<1x1x16xf32> to vector<16xf32>
          %mul3A_861 = vector.broadcast %squeeze3A_735 : f32 to vector<16xf32>
          %mul3A_862 = arith.mulf %get3A_860, %mul3A_861 : vector<16xf32>
          %add3A_863 = arith.addf %add3A_683, %mul3A_862 : vector<16xf32>
          %add3A_864 = arith.constant 6 : i32
          %add3A_865 = arith.addi %mul3A_184, %add3A_864 : i32
          %add3A_866 = arith.constant 1 : i32
          %add3A_867 = arith.addi %add3A_865, %add3A_866 : i32
          %get3A_868 = arith.index_cast %rem3A_67 : i32 to index
          %get3A_869 = arith.index_cast %add3A_867 : i32 to index
          %get3A_870 = arith.constant 64 : index
          %get3A_871 = tpu.vector_load %arg11[%get3A_868, %get3A_869, %get3A_870] {strides = array<i32>} : memref<2x128x128xf32, #tpu.memory_space<vmem>>, vector<1x1x16xf32>,
          %get3A_872 = vector.shape_cast %get3A_871 : vector<1x1x16xf32> to vector<16xf32>
          %mul3A_873 = vector.broadcast %squeeze3A_735 : f32 to vector<16xf32>
          %mul3A_874 = arith.mulf %get3A_872, %mul3A_873 : vector<16xf32>
          %add3A_875 = arith.addf %add3A_695, %mul3A_874 : vector<16xf32>
          %add3A_876 = arith.constant 6 : i32
          %add3A_877 = arith.addi %mul3A_184, %add3A_876 : i32
          %add3A_878 = arith.constant 1 : i32
          %add3A_879 = arith.addi %add3A_877, %add3A_878 : i32
          %get3A_880 = arith.index_cast %rem3A_67 : i32 to index
          %get3A_881 = arith.index_cast %add3A_879 : i32 to index
          %get3A_882 = arith.constant 80 : index
          %get3A_883 = tpu.vector_load %arg11[%get3A_880, %get3A_881, %get3A_882] {strides = array<i32>} : memref<2x128x128xf32, #tpu.memory_space<vmem>>, vector<1x1x16xf32>,
          %get3A_884 = vector.shape_cast %get3A_883 : vector<1x1x16xf32> to vector<16xf32>
          %mul3A_885 = vector.broadcast %squeeze3A_735 : f32 to vector<16xf32>
          %mul3A_886 = arith.mulf %get3A_884, %mul3A_885 : vector<16xf32>
          %add3A_887 = arith.addf %add3A_707, %mul3A_886 : vector<16xf32>
          %add3A_888 = arith.constant 6 : i32
          %add3A_889 = arith.addi %mul3A_184, %add3A_888 : i32
          %add3A_890 = arith.constant 1 : i32
          %add3A_891 = arith.addi %add3A_889, %add3A_890 : i32
          %get3A_892 = arith.index_cast %rem3A_67 : i32 to index
          %get3A_893 = arith.index_cast %add3A_891 : i32 to index
          %get3A_894 = arith.constant 96 : index
          %get3A_895 = tpu.vector_load %arg11[%get3A_892, %get3A_893, %get3A_894] {strides = array<i32>} : memref<2x128x128xf32, #tpu.memory_space<vmem>>, vector<1x1x16xf32>,
          %get3A_896 = vector.shape_cast %get3A_895 : vector<1x1x16xf32> to vector<16xf32>
          %mul3A_897 = vector.broadcast %squeeze3A_735 : f32 to vector<16xf32>
          %mul3A_898 = arith.mulf %get3A_896, %mul3A_897 : vector<16xf32>
          %add3A_899 = arith.addf %add3A_719, %mul3A_898 : vector<16xf32>
          %add3A_900 = arith.constant 6 : i32
          %add3A_901 = arith.addi %mul3A_184, %add3A_900 : i32
          %add3A_902 = arith.constant 1 : i32
          %add3A_903 = arith.addi %add3A_901, %add3A_902 : i32
          %get3A_904 = arith.index_cast %rem3A_67 : i32 to index
          %get3A_905 = arith.index_cast %add3A_903 : i32 to index
          %get3A_906 = arith.constant 112 : index
          %get3A_907 = tpu.vector_load %arg11[%get3A_904, %get3A_905, %get3A_906] {strides = array<i32>} : memref<2x128x128xf32, #tpu.memory_space<vmem>>, vector<1x1x16xf32>,
          %get3A_908 = vector.shape_cast %get3A_907 : vector<1x1x16xf32> to vector<16xf32>
          %mul3A_909 = vector.broadcast %squeeze3A_735 : f32 to vector<16xf32>
          %mul3A_910 = arith.mulf %get3A_908, %mul3A_909 : vector<16xf32>
          %add3A_911 = arith.addf %add3A_731, %mul3A_910 : vector<16xf32>
          %slice3A_912 = vector.extract_strided_slice %convert_element_type3A_191 {offsets = [8], sizes = [1], strides = [1]} : vector<16xf32> to vector<1xf32>
          %squeeze3A_913 = vector.extract %slice3A_912[0] : f32 from vector<1xf32>
          %slice3A_914 = vector.extract_strided_slice %convert_element_type3A_191 {offsets = [9], sizes = [1], strides = [1]} : vector<16xf32> to vector<1xf32>
          %squeeze3A_915 = vector.extract %slice3A_914[0] : f32 from vector<1xf32>
          %add3A_916 = arith.constant 8 : i32
          %add3A_917 = arith.addi %mul3A_184, %add3A_916 : i32
          %get3A_918 = arith.index_cast %rem3A_67 : i32 to index
          %get3A_919 = arith.index_cast %add3A_917 : i32 to index
          %get3A_920 = arith.constant 0 : index
          %get3A_921 = tpu.vector_load %arg11[%get3A_918, %get3A_919, %get3A_920] {strides = array<i32>} : memref<2x128x128xf32, #tpu.memory_space<vmem>>, vector<1x1x16xf32>,
          %get3A_922 = vector.shape_cast %get3A_921 : vector<1x1x16xf32> to vector<16xf32>
          %mul3A_923 = vector.broadcast %squeeze3A_913 : f32 to vector<16xf32>
          %mul3A_924 = arith.mulf %get3A_922, %mul3A_923 : vector<16xf32>
          %add3A_925 = arith.addf %add3A_745, %mul3A_924 : vector<16xf32>
          %add3A_926 = arith.constant 8 : i32
          %add3A_927 = arith.addi %mul3A_184, %add3A_926 : i32
          %get3A_928 = arith.index_cast %rem3A_67 : i32 to index
          %get3A_929 = arith.index_cast %add3A_927 : i32 to index
          %get3A_930 = arith.constant 16 : index
          %get3A_931 = tpu.vector_load %arg11[%get3A_928, %get3A_929, %get3A_930] {strides = array<i32>} : memref<2x128x128xf32, #tpu.memory_space<vmem>>, vector<1x1x16xf32>,
          %get3A_932 = vector.shape_cast %get3A_931 : vector<1x1x16xf32> to vector<16xf32>
          %mul3A_933 = vector.broadcast %squeeze3A_913 : f32 to vector<16xf32>
          %mul3A_934 = arith.mulf %get3A_932, %mul3A_933 : vector<16xf32>
          %add3A_935 = arith.addf %add3A_755, %mul3A_934 : vector<16xf32>
          %add3A_936 = arith.constant 8 : i32
          %add3A_937 = arith.addi %mul3A_184, %add3A_936 : i32
          %get3A_938 = arith.index_cast %rem3A_67 : i32 to index
          %get3A_939 = arith.index_cast %add3A_937 : i32 to index
          %get3A_940 = arith.constant 32 : index
          %get3A_941 = tpu.vector_load %arg11[%get3A_938, %get3A_939, %get3A_940] {strides = array<i32>} : memref<2x128x128xf32, #tpu.memory_space<vmem>>, vector<1x1x16xf32>,
          %get3A_942 = vector.shape_cast %get3A_941 : vector<1x1x16xf32> to vector<16xf32>
          %mul3A_943 = vector.broadcast %squeeze3A_913 : f32 to vector<16xf32>
          %mul3A_944 = arith.mulf %get3A_942, %mul3A_943 : vector<16xf32>
          %add3A_945 = arith.addf %add3A_765, %mul3A_944 : vector<16xf32>
          %add3A_946 = arith.constant 8 : i32
          %add3A_947 = arith.addi %mul3A_184, %add3A_946 : i32
          %get3A_948 = arith.index_cast %rem3A_67 : i32 to index
          %get3A_949 = arith.index_cast %add3A_947 : i32 to index
          %get3A_950 = arith.constant 48 : index
          %get3A_951 = tpu.vector_load %arg11[%get3A_948, %get3A_949, %get3A_950] {strides = array<i32>} : memref<2x128x128xf32, #tpu.memory_space<vmem>>, vector<1x1x16xf32>,
          %get3A_952 = vector.shape_cast %get3A_951 : vector<1x1x16xf32> to vector<16xf32>
          %mul3A_953 = vector.broadcast %squeeze3A_913 : f32 to vector<16xf32>
          %mul3A_954 = arith.mulf %get3A_952, %mul3A_953 : vector<16xf32>
          %add3A_955 = arith.addf %add3A_775, %mul3A_954 : vector<16xf32>
          %add3A_956 = arith.constant 8 : i32
          %add3A_957 = arith.addi %mul3A_184, %add3A_956 : i32
          %get3A_958 = arith.index_cast %rem3A_67 : i32 to index
          %get3A_959 = arith.index_cast %add3A_957 : i32 to index
          %get3A_960 = arith.constant 64 : index
          %get3A_961 = tpu.vector_load %arg11[%get3A_958, %get3A_959, %get3A_960] {strides = array<i32>} : memref<2x128x128xf32, #tpu.memory_space<vmem>>, vector<1x1x16xf32>,
          %get3A_962 = vector.shape_cast %get3A_961 : vector<1x1x16xf32> to vector<16xf32>
          %mul3A_963 = vector.broadcast %squeeze3A_913 : f32 to vector<16xf32>
          %mul3A_964 = arith.mulf %get3A_962, %mul3A_963 : vector<16xf32>
          %add3A_965 = arith.addf %add3A_785, %mul3A_964 : vector<16xf32>
          %add3A_966 = arith.constant 8 : i32
          %add3A_967 = arith.addi %mul3A_184, %add3A_966 : i32
          %get3A_968 = arith.index_cast %rem3A_67 : i32 to index
          %get3A_969 = arith.index_cast %add3A_967 : i32 to index
          %get3A_970 = arith.constant 80 : index
          %get3A_971 = tpu.vector_load %arg11[%get3A_968, %get3A_969, %get3A_970] {strides = array<i32>} : memref<2x128x128xf32, #tpu.memory_space<vmem>>, vector<1x1x16xf32>,
          %get3A_972 = vector.shape_cast %get3A_971 : vector<1x1x16xf32> to vector<16xf32>
          %mul3A_973 = vector.broadcast %squeeze3A_913 : f32 to vector<16xf32>
          %mul3A_974 = arith.mulf %get3A_972, %mul3A_973 : vector<16xf32>
          %add3A_975 = arith.addf %add3A_795, %mul3A_974 : vector<16xf32>
          %add3A_976 = arith.constant 8 : i32
          %add3A_977 = arith.addi %mul3A_184, %add3A_976 : i32
          %get3A_978 = arith.index_cast %rem3A_67 : i32 to index
          %get3A_979 = arith.index_cast %add3A_977 : i32 to index
          %get3A_980 = arith.constant 96 : index
          %get3A_981 = tpu.vector_load %arg11[%get3A_978, %get3A_979, %get3A_980] {strides = array<i32>} : memref<2x128x128xf32, #tpu.memory_space<vmem>>, vector<1x1x16xf32>,
          %get3A_982 = vector.shape_cast %get3A_981 : vector<1x1x16xf32> to vector<16xf32>
          %mul3A_983 = vector.broadcast %squeeze3A_913 : f32 to vector<16xf32>
          %mul3A_984 = arith.mulf %get3A_982, %mul3A_983 : vector<16xf32>
          %add3A_985 = arith.addf %add3A_805, %mul3A_984 : vector<16xf32>
          %add3A_986 = arith.constant 8 : i32
          %add3A_987 = arith.addi %mul3A_184, %add3A_986 : i32
          %get3A_988 = arith.index_cast %rem3A_67 : i32 to index
          %get3A_989 = arith.index_cast %add3A_987 : i32 to index
          %get3A_990 = arith.constant 112 : index
          %get3A_991 = tpu.vector_load %arg11[%get3A_988, %get3A_989, %get3A_990] {strides = array<i32>} : memref<2x128x128xf32, #tpu.memory_space<vmem>>, vector<1x1x16xf32>,
          %get3A_992 = vector.shape_cast %get3A_991 : vector<1x1x16xf32> to vector<16xf32>
          %mul3A_993 = vector.broadcast %squeeze3A_913 : f32 to vector<16xf32>
          %mul3A_994 = arith.mulf %get3A_992, %mul3A_993 : vector<16xf32>
          %add3A_995 = arith.addf %add3A_815, %mul3A_994 : vector<16xf32>
          %add3A_996 = arith.constant 8 : i32
          %add3A_997 = arith.addi %mul3A_184, %add3A_996 : i32
          %add3A_998 = arith.constant 1 : i32
          %add3A_999 = arith.addi %add3A_997, %add3A_998 : i32
          %get3A_1000 = arith.index_cast %rem3A_67 : i32 to index
          %get3A_1001 = arith.index_cast %add3A_999 : i32 to index
          %get3A_1002 = arith.constant 0 : index
          %get3A_1003 = tpu.vector_load %arg11[%get3A_1000, %get3A_1001, %get3A_1002] {strides = array<i32>} : memref<2x128x128xf32, #tpu.memory_space<vmem>>, vector<1x1x16xf32>,
          %get3A_1004 = vector.shape_cast %get3A_1003 : vector<1x1x16xf32> to vector<16xf32>
          %mul3A_1005 = vector.broadcast %squeeze3A_915 : f32 to vector<16xf32>
          %mul3A_1006 = arith.mulf %get3A_1004, %mul3A_1005 : vector<16xf32>
          %add3A_1007 = arith.addf %add3A_827, %mul3A_1006 : vector<16xf32>
          %add3A_1008 = arith.constant 8 : i32
          %add3A_1009 = arith.addi %mul3A_184, %add3A_1008 : i32
          %add3A_1010 = arith.constant 1 : i32
          %add3A_1011 = arith.addi %add3A_1009, %add3A_1010 : i32
          %get3A_1012 = arith.index_cast %rem3A_67 : i32 to index
          %get3A_1013 = arith.index_cast %add3A_1011 : i32 to index
          %get3A_1014 = arith.constant 16 : index
          %get3A_1015 = tpu.vector_load %arg11[%get3A_1012, %get3A_1013, %get3A_1014] {strides = array<i32>} : memref<2x128x128xf32, #tpu.memory_space<vmem>>, vector<1x1x16xf32>,
          %get3A_1016 = vector.shape_cast %get3A_1015 : vector<1x1x16xf32> to vector<16xf32>
          %mul3A_1017 = vector.broadcast %squeeze3A_915 : f32 to vector<16xf32>
          %mul3A_1018 = arith.mulf %get3A_1016, %mul3A_1017 : vector<16xf32>
          %add3A_1019 = arith.addf %add3A_839, %mul3A_1018 : vector<16xf32>
          %add3A_1020 = arith.constant 8 : i32
          %add3A_1021 = arith.addi %mul3A_184, %add3A_1020 : i32
          %add3A_1022 = arith.constant 1 : i32
          %add3A_1023 = arith.addi %add3A_1021, %add3A_1022 : i32
          %get3A_1024 = arith.index_cast %rem3A_67 : i32 to index
          %get3A_1025 = arith.index_cast %add3A_1023 : i32 to index
          %get3A_1026 = arith.constant 32 : index
          %get3A_1027 = tpu.vector_load %arg11[%get3A_1024, %get3A_1025, %get3A_1026] {strides = array<i32>} : memref<2x128x128xf32, #tpu.memory_space<vmem>>, vector<1x1x16xf32>,
          %get3A_1028 = vector.shape_cast %get3A_1027 : vector<1x1x16xf32> to vector<16xf32>
          %mul3A_1029 = vector.broadcast %squeeze3A_915 : f32 to vector<16xf32>
          %mul3A_1030 = arith.mulf %get3A_1028, %mul3A_1029 : vector<16xf32>
          %add3A_1031 = arith.addf %add3A_851, %mul3A_1030 : vector<16xf32>
          %add3A_1032 = arith.constant 8 : i32
          %add3A_1033 = arith.addi %mul3A_184, %add3A_1032 : i32
          %add3A_1034 = arith.constant 1 : i32
          %add3A_1035 = arith.addi %add3A_1033, %add3A_1034 : i32
          %get3A_1036 = arith.index_cast %rem3A_67 : i32 to index
          %get3A_1037 = arith.index_cast %add3A_1035 : i32 to index
          %get3A_1038 = arith.constant 48 : index
          %get3A_1039 = tpu.vector_load %arg11[%get3A_1036, %get3A_1037, %get3A_1038] {strides = array<i32>} : memref<2x128x128xf32, #tpu.memory_space<vmem>>, vector<1x1x16xf32>,
          %get3A_1040 = vector.shape_cast %get3A_1039 : vector<1x1x16xf32> to vector<16xf32>
          %mul3A_1041 = vector.broadcast %squeeze3A_915 : f32 to vector<16xf32>
          %mul3A_1042 = arith.mulf %get3A_1040, %mul3A_1041 : vector<16xf32>
          %add3A_1043 = arith.addf %add3A_863, %mul3A_1042 : vector<16xf32>
          %add3A_1044 = arith.constant 8 : i32
          %add3A_1045 = arith.addi %mul3A_184, %add3A_1044 : i32
          %add3A_1046 = arith.constant 1 : i32
          %add3A_1047 = arith.addi %add3A_1045, %add3A_1046 : i32
          %get3A_1048 = arith.index_cast %rem3A_67 : i32 to index
          %get3A_1049 = arith.index_cast %add3A_1047 : i32 to index
          %get3A_1050 = arith.constant 64 : index
          %get3A_1051 = tpu.vector_load %arg11[%get3A_1048, %get3A_1049, %get3A_1050] {strides = array<i32>} : memref<2x128x128xf32, #tpu.memory_space<vmem>>, vector<1x1x16xf32>,
          %get3A_1052 = vector.shape_cast %get3A_1051 : vector<1x1x16xf32> to vector<16xf32>
          %mul3A_1053 = vector.broadcast %squeeze3A_915 : f32 to vector<16xf32>
          %mul3A_1054 = arith.mulf %get3A_1052, %mul3A_1053 : vector<16xf32>
          %add3A_1055 = arith.addf %add3A_875, %mul3A_1054 : vector<16xf32>
          %add3A_1056 = arith.constant 8 : i32
          %add3A_1057 = arith.addi %mul3A_184, %add3A_1056 : i32
          %add3A_1058 = arith.constant 1 : i32
          %add3A_1059 = arith.addi %add3A_1057, %add3A_1058 : i32
          %get3A_1060 = arith.index_cast %rem3A_67 : i32 to index
          %get3A_1061 = arith.index_cast %add3A_1059 : i32 to index
          %get3A_1062 = arith.constant 80 : index
          %get3A_1063 = tpu.vector_load %arg11[%get3A_1060, %get3A_1061, %get3A_1062] {strides = array<i32>} : memref<2x128x128xf32, #tpu.memory_space<vmem>>, vector<1x1x16xf32>,
          %get3A_1064 = vector.shape_cast %get3A_1063 : vector<1x1x16xf32> to vector<16xf32>
          %mul3A_1065 = vector.broadcast %squeeze3A_915 : f32 to vector<16xf32>
          %mul3A_1066 = arith.mulf %get3A_1064, %mul3A_1065 : vector<16xf32>
          %add3A_1067 = arith.addf %add3A_887, %mul3A_1066 : vector<16xf32>
          %add3A_1068 = arith.constant 8 : i32
          %add3A_1069 = arith.addi %mul3A_184, %add3A_1068 : i32
          %add3A_1070 = arith.constant 1 : i32
          %add3A_1071 = arith.addi %add3A_1069, %add3A_1070 : i32
          %get3A_1072 = arith.index_cast %rem3A_67 : i32 to index
          %get3A_1073 = arith.index_cast %add3A_1071 : i32 to index
          %get3A_1074 = arith.constant 96 : index
          %get3A_1075 = tpu.vector_load %arg11[%get3A_1072, %get3A_1073, %get3A_1074] {strides = array<i32>} : memref<2x128x128xf32, #tpu.memory_space<vmem>>, vector<1x1x16xf32>,
          %get3A_1076 = vector.shape_cast %get3A_1075 : vector<1x1x16xf32> to vector<16xf32>
          %mul3A_1077 = vector.broadcast %squeeze3A_915 : f32 to vector<16xf32>
          %mul3A_1078 = arith.mulf %get3A_1076, %mul3A_1077 : vector<16xf32>
          %add3A_1079 = arith.addf %add3A_899, %mul3A_1078 : vector<16xf32>
          %add3A_1080 = arith.constant 8 : i32
          %add3A_1081 = arith.addi %mul3A_184, %add3A_1080 : i32
          %add3A_1082 = arith.constant 1 : i32
          %add3A_1083 = arith.addi %add3A_1081, %add3A_1082 : i32
          %get3A_1084 = arith.index_cast %rem3A_67 : i32 to index
          %get3A_1085 = arith.index_cast %add3A_1083 : i32 to index
          %get3A_1086 = arith.constant 112 : index
          %get3A_1087 = tpu.vector_load %arg11[%get3A_1084, %get3A_1085, %get3A_1086] {strides = array<i32>} : memref<2x128x128xf32, #tpu.memory_space<vmem>>, vector<1x1x16xf32>,
          %get3A_1088 = vector.shape_cast %get3A_1087 : vector<1x1x16xf32> to vector<16xf32>
          %mul3A_1089 = vector.broadcast %squeeze3A_915 : f32 to vector<16xf32>
          %mul3A_1090 = arith.mulf %get3A_1088, %mul3A_1089 : vector<16xf32>
          %add3A_1091 = arith.addf %add3A_911, %mul3A_1090 : vector<16xf32>
          %slice3A_1092 = vector.extract_strided_slice %convert_element_type3A_191 {offsets = [10], sizes = [1], strides = [1]} : vector<16xf32> to vector<1xf32>
          %squeeze3A_1093 = vector.extract %slice3A_1092[0] : f32 from vector<1xf32>
          %slice3A_1094 = vector.extract_strided_slice %convert_element_type3A_191 {offsets = [11], sizes = [1], strides = [1]} : vector<16xf32> to vector<1xf32>
          %squeeze3A_1095 = vector.extract %slice3A_1094[0] : f32 from vector<1xf32>
          %add3A_1096 = arith.constant 10 : i32
          %add3A_1097 = arith.addi %mul3A_184, %add3A_1096 : i32
          %get3A_1098 = arith.index_cast %rem3A_67 : i32 to index
          %get3A_1099 = arith.index_cast %add3A_1097 : i32 to index
          %get3A_1100 = arith.constant 0 : index
          %get3A_1101 = tpu.vector_load %arg11[%get3A_1098, %get3A_1099, %get3A_1100] {strides = array<i32>} : memref<2x128x128xf32, #tpu.memory_space<vmem>>, vector<1x1x16xf32>,
          %get3A_1102 = vector.shape_cast %get3A_1101 : vector<1x1x16xf32> to vector<16xf32>
          %mul3A_1103 = vector.broadcast %squeeze3A_1093 : f32 to vector<16xf32>
          %mul3A_1104 = arith.mulf %get3A_1102, %mul3A_1103 : vector<16xf32>
          %add3A_1105 = arith.addf %add3A_925, %mul3A_1104 : vector<16xf32>
          %add3A_1106 = arith.constant 10 : i32
          %add3A_1107 = arith.addi %mul3A_184, %add3A_1106 : i32
          %get3A_1108 = arith.index_cast %rem3A_67 : i32 to index
          %get3A_1109 = arith.index_cast %add3A_1107 : i32 to index
          %get3A_1110 = arith.constant 16 : index
          %get3A_1111 = tpu.vector_load %arg11[%get3A_1108, %get3A_1109, %get3A_1110] {strides = array<i32>} : memref<2x128x128xf32, #tpu.memory_space<vmem>>, vector<1x1x16xf32>,
          %get3A_1112 = vector.shape_cast %get3A_1111 : vector<1x1x16xf32> to vector<16xf32>
          %mul3A_1113 = vector.broadcast %squeeze3A_1093 : f32 to vector<16xf32>
          %mul3A_1114 = arith.mulf %get3A_1112, %mul3A_1113 : vector<16xf32>
          %add3A_1115 = arith.addf %add3A_935, %mul3A_1114 : vector<16xf32>
          %add3A_1116 = arith.constant 10 : i32
          %add3A_1117 = arith.addi %mul3A_184, %add3A_1116 : i32
          %get3A_1118 = arith.index_cast %rem3A_67 : i32 to index
          %get3A_1119 = arith.index_cast %add3A_1117 : i32 to index
          %get3A_1120 = arith.constant 32 : index
          %get3A_1121 = tpu.vector_load %arg11[%get3A_1118, %get3A_1119, %get3A_1120] {strides = array<i32>} : memref<2x128x128xf32, #tpu.memory_space<vmem>>, vector<1x1x16xf32>,
          %get3A_1122 = vector.shape_cast %get3A_1121 : vector<1x1x16xf32> to vector<16xf32>
          %mul3A_1123 = vector.broadcast %squeeze3A_1093 : f32 to vector<16xf32>
          %mul3A_1124 = arith.mulf %get3A_1122, %mul3A_1123 : vector<16xf32>
          %add3A_1125 = arith.addf %add3A_945, %mul3A_1124 : vector<16xf32>
          %add3A_1126 = arith.constant 10 : i32
          %add3A_1127 = arith.addi %mul3A_184, %add3A_1126 : i32
          %get3A_1128 = arith.index_cast %rem3A_67 : i32 to index
          %get3A_1129 = arith.index_cast %add3A_1127 : i32 to index
          %get3A_1130 = arith.constant 48 : index
          %get3A_1131 = tpu.vector_load %arg11[%get3A_1128, %get3A_1129, %get3A_1130] {strides = array<i32>} : memref<2x128x128xf32, #tpu.memory_space<vmem>>, vector<1x1x16xf32>,
          %get3A_1132 = vector.shape_cast %get3A_1131 : vector<1x1x16xf32> to vector<16xf32>
          %mul3A_1133 = vector.broadcast %squeeze3A_1093 : f32 to vector<16xf32>
          %mul3A_1134 = arith.mulf %get3A_1132, %mul3A_1133 : vector<16xf32>
          %add3A_1135 = arith.addf %add3A_955, %mul3A_1134 : vector<16xf32>
          %add3A_1136 = arith.constant 10 : i32
          %add3A_1137 = arith.addi %mul3A_184, %add3A_1136 : i32
          %get3A_1138 = arith.index_cast %rem3A_67 : i32 to index
          %get3A_1139 = arith.index_cast %add3A_1137 : i32 to index
          %get3A_1140 = arith.constant 64 : index
          %get3A_1141 = tpu.vector_load %arg11[%get3A_1138, %get3A_1139, %get3A_1140] {strides = array<i32>} : memref<2x128x128xf32, #tpu.memory_space<vmem>>, vector<1x1x16xf32>,
          %get3A_1142 = vector.shape_cast %get3A_1141 : vector<1x1x16xf32> to vector<16xf32>
          %mul3A_1143 = vector.broadcast %squeeze3A_1093 : f32 to vector<16xf32>
          %mul3A_1144 = arith.mulf %get3A_1142, %mul3A_1143 : vector<16xf32>
          %add3A_1145 = arith.addf %add3A_965, %mul3A_1144 : vector<16xf32>
          %add3A_1146 = arith.constant 10 : i32
          %add3A_1147 = arith.addi %mul3A_184, %add3A_1146 : i32
          %get3A_1148 = arith.index_cast %rem3A_67 : i32 to index
          %get3A_1149 = arith.index_cast %add3A_1147 : i32 to index
          %get3A_1150 = arith.constant 80 : index
          %get3A_1151 = tpu.vector_load %arg11[%get3A_1148, %get3A_1149, %get3A_1150] {strides = array<i32>} : memref<2x128x128xf32, #tpu.memory_space<vmem>>, vector<1x1x16xf32>,
          %get3A_1152 = vector.shape_cast %get3A_1151 : vector<1x1x16xf32> to vector<16xf32>
          %mul3A_1153 = vector.broadcast %squeeze3A_1093 : f32 to vector<16xf32>
          %mul3A_1154 = arith.mulf %get3A_1152, %mul3A_1153 : vector<16xf32>
          %add3A_1155 = arith.addf %add3A_975, %mul3A_1154 : vector<16xf32>
          %add3A_1156 = arith.constant 10 : i32
          %add3A_1157 = arith.addi %mul3A_184, %add3A_1156 : i32
          %get3A_1158 = arith.index_cast %rem3A_67 : i32 to index
          %get3A_1159 = arith.index_cast %add3A_1157 : i32 to index
          %get3A_1160 = arith.constant 96 : index
          %get3A_1161 = tpu.vector_load %arg11[%get3A_1158, %get3A_1159, %get3A_1160] {strides = array<i32>} : memref<2x128x128xf32, #tpu.memory_space<vmem>>, vector<1x1x16xf32>,
          %get3A_1162 = vector.shape_cast %get3A_1161 : vector<1x1x16xf32> to vector<16xf32>
          %mul3A_1163 = vector.broadcast %squeeze3A_1093 : f32 to vector<16xf32>
          %mul3A_1164 = arith.mulf %get3A_1162, %mul3A_1163 : vector<16xf32>
          %add3A_1165 = arith.addf %add3A_985, %mul3A_1164 : vector<16xf32>
          %add3A_1166 = arith.constant 10 : i32
          %add3A_1167 = arith.addi %mul3A_184, %add3A_1166 : i32
          %get3A_1168 = arith.index_cast %rem3A_67 : i32 to index
          %get3A_1169 = arith.index_cast %add3A_1167 : i32 to index
          %get3A_1170 = arith.constant 112 : index
          %get3A_1171 = tpu.vector_load %arg11[%get3A_1168, %get3A_1169, %get3A_1170] {strides = array<i32>} : memref<2x128x128xf32, #tpu.memory_space<vmem>>, vector<1x1x16xf32>,
          %get3A_1172 = vector.shape_cast %get3A_1171 : vector<1x1x16xf32> to vector<16xf32>
          %mul3A_1173 = vector.broadcast %squeeze3A_1093 : f32 to vector<16xf32>
          %mul3A_1174 = arith.mulf %get3A_1172, %mul3A_1173 : vector<16xf32>
          %add3A_1175 = arith.addf %add3A_995, %mul3A_1174 : vector<16xf32>
          %add3A_1176 = arith.constant 10 : i32
          %add3A_1177 = arith.addi %mul3A_184, %add3A_1176 : i32
          %add3A_1178 = arith.constant 1 : i32
          %add3A_1179 = arith.addi %add3A_1177, %add3A_1178 : i32
          %get3A_1180 = arith.index_cast %rem3A_67 : i32 to index
          %get3A_1181 = arith.index_cast %add3A_1179 : i32 to index
          %get3A_1182 = arith.constant 0 : index
          %get3A_1183 = tpu.vector_load %arg11[%get3A_1180, %get3A_1181, %get3A_1182] {strides = array<i32>} : memref<2x128x128xf32, #tpu.memory_space<vmem>>, vector<1x1x16xf32>,
          %get3A_1184 = vector.shape_cast %get3A_1183 : vector<1x1x16xf32> to vector<16xf32>
          %mul3A_1185 = vector.broadcast %squeeze3A_1095 : f32 to vector<16xf32>
          %mul3A_1186 = arith.mulf %get3A_1184, %mul3A_1185 : vector<16xf32>
          %add3A_1187 = arith.addf %add3A_1007, %mul3A_1186 : vector<16xf32>
          %add3A_1188 = arith.constant 10 : i32
          %add3A_1189 = arith.addi %mul3A_184, %add3A_1188 : i32
          %add3A_1190 = arith.constant 1 : i32
          %add3A_1191 = arith.addi %add3A_1189, %add3A_1190 : i32
          %get3A_1192 = arith.index_cast %rem3A_67 : i32 to index
          %get3A_1193 = arith.index_cast %add3A_1191 : i32 to index
          %get3A_1194 = arith.constant 16 : index
          %get3A_1195 = tpu.vector_load %arg11[%get3A_1192, %get3A_1193, %get3A_1194] {strides = array<i32>} : memref<2x128x128xf32, #tpu.memory_space<vmem>>, vector<1x1x16xf32>,
          %get3A_1196 = vector.shape_cast %get3A_1195 : vector<1x1x16xf32> to vector<16xf32>
          %mul3A_1197 = vector.broadcast %squeeze3A_1095 : f32 to vector<16xf32>
          %mul3A_1198 = arith.mulf %get3A_1196, %mul3A_1197 : vector<16xf32>
          %add3A_1199 = arith.addf %add3A_1019, %mul3A_1198 : vector<16xf32>
          %add3A_1200 = arith.constant 10 : i32
          %add3A_1201 = arith.addi %mul3A_184, %add3A_1200 : i32
          %add3A_1202 = arith.constant 1 : i32
          %add3A_1203 = arith.addi %add3A_1201, %add3A_1202 : i32
          %get3A_1204 = arith.index_cast %rem3A_67 : i32 to index
          %get3A_1205 = arith.index_cast %add3A_1203 : i32 to index
          %get3A_1206 = arith.constant 32 : index
          %get3A_1207 = tpu.vector_load %arg11[%get3A_1204, %get3A_1205, %get3A_1206] {strides = array<i32>} : memref<2x128x128xf32, #tpu.memory_space<vmem>>, vector<1x1x16xf32>,
          %get3A_1208 = vector.shape_cast %get3A_1207 : vector<1x1x16xf32> to vector<16xf32>
          %mul3A_1209 = vector.broadcast %squeeze3A_1095 : f32 to vector<16xf32>
          %mul3A_1210 = arith.mulf %get3A_1208, %mul3A_1209 : vector<16xf32>
          %add3A_1211 = arith.addf %add3A_1031, %mul3A_1210 : vector<16xf32>
          %add3A_1212 = arith.constant 10 : i32
          %add3A_1213 = arith.addi %mul3A_184, %add3A_1212 : i32
          %add3A_1214 = arith.constant 1 : i32
          %add3A_1215 = arith.addi %add3A_1213, %add3A_1214 : i32
          %get3A_1216 = arith.index_cast %rem3A_67 : i32 to index
          %get3A_1217 = arith.index_cast %add3A_1215 : i32 to index
          %get3A_1218 = arith.constant 48 : index
          %get3A_1219 = tpu.vector_load %arg11[%get3A_1216, %get3A_1217, %get3A_1218] {strides = array<i32>} : memref<2x128x128xf32, #tpu.memory_space<vmem>>, vector<1x1x16xf32>,
          %get3A_1220 = vector.shape_cast %get3A_1219 : vector<1x1x16xf32> to vector<16xf32>
          %mul3A_1221 = vector.broadcast %squeeze3A_1095 : f32 to vector<16xf32>
          %mul3A_1222 = arith.mulf %get3A_1220, %mul3A_1221 : vector<16xf32>
          %add3A_1223 = arith.addf %add3A_1043, %mul3A_1222 : vector<16xf32>
          %add3A_1224 = arith.constant 10 : i32
          %add3A_1225 = arith.addi %mul3A_184, %add3A_1224 : i32
          %add3A_1226 = arith.constant 1 : i32
          %add3A_1227 = arith.addi %add3A_1225, %add3A_1226 : i32
          %get3A_1228 = arith.index_cast %rem3A_67 : i32 to index
          %get3A_1229 = arith.index_cast %add3A_1227 : i32 to index
          %get3A_1230 = arith.constant 64 : index
          %get3A_1231 = tpu.vector_load %arg11[%get3A_1228, %get3A_1229, %get3A_1230] {strides = array<i32>} : memref<2x128x128xf32, #tpu.memory_space<vmem>>, vector<1x1x16xf32>,
          %get3A_1232 = vector.shape_cast %get3A_1231 : vector<1x1x16xf32> to vector<16xf32>
          %mul3A_1233 = vector.broadcast %squeeze3A_1095 : f32 to vector<16xf32>
          %mul3A_1234 = arith.mulf %get3A_1232, %mul3A_1233 : vector<16xf32>
          %add3A_1235 = arith.addf %add3A_1055, %mul3A_1234 : vector<16xf32>
          %add3A_1236 = arith.constant 10 : i32
          %add3A_1237 = arith.addi %mul3A_184, %add3A_1236 : i32
          %add3A_1238 = arith.constant 1 : i32
          %add3A_1239 = arith.addi %add3A_1237, %add3A_1238 : i32
          %get3A_1240 = arith.index_cast %rem3A_67 : i32 to index
          %get3A_1241 = arith.index_cast %add3A_1239 : i32 to index
          %get3A_1242 = arith.constant 80 : index
          %get3A_1243 = tpu.vector_load %arg11[%get3A_1240, %get3A_1241, %get3A_1242] {strides = array<i32>} : memref<2x128x128xf32, #tpu.memory_space<vmem>>, vector<1x1x16xf32>,
          %get3A_1244 = vector.shape_cast %get3A_1243 : vector<1x1x16xf32> to vector<16xf32>
          %mul3A_1245 = vector.broadcast %squeeze3A_1095 : f32 to vector<16xf32>
          %mul3A_1246 = arith.mulf %get3A_1244, %mul3A_1245 : vector<16xf32>
          %add3A_1247 = arith.addf %add3A_1067, %mul3A_1246 : vector<16xf32>
          %add3A_1248 = arith.constant 10 : i32
          %add3A_1249 = arith.addi %mul3A_184, %add3A_1248 : i32
          %add3A_1250 = arith.constant 1 : i32
          %add3A_1251 = arith.addi %add3A_1249, %add3A_1250 : i32
          %get3A_1252 = arith.index_cast %rem3A_67 : i32 to index
          %get3A_1253 = arith.index_cast %add3A_1251 : i32 to index
          %get3A_1254 = arith.constant 96 : index
          %get3A_1255 = tpu.vector_load %arg11[%get3A_1252, %get3A_1253, %get3A_1254] {strides = array<i32>} : memref<2x128x128xf32, #tpu.memory_space<vmem>>, vector<1x1x16xf32>,
          %get3A_1256 = vector.shape_cast %get3A_1255 : vector<1x1x16xf32> to vector<16xf32>
          %mul3A_1257 = vector.broadcast %squeeze3A_1095 : f32 to vector<16xf32>
          %mul3A_1258 = arith.mulf %get3A_1256, %mul3A_1257 : vector<16xf32>
          %add3A_1259 = arith.addf %add3A_1079, %mul3A_1258 : vector<16xf32>
          %add3A_1260 = arith.constant 10 : i32
          %add3A_1261 = arith.addi %mul3A_184, %add3A_1260 : i32
          %add3A_1262 = arith.constant 1 : i32
          %add3A_1263 = arith.addi %add3A_1261, %add3A_1262 : i32
          %get3A_1264 = arith.index_cast %rem3A_67 : i32 to index
          %get3A_1265 = arith.index_cast %add3A_1263 : i32 to index
          %get3A_1266 = arith.constant 112 : index
          %get3A_1267 = tpu.vector_load %arg11[%get3A_1264, %get3A_1265, %get3A_1266] {strides = array<i32>} : memref<2x128x128xf32, #tpu.memory_space<vmem>>, vector<1x1x16xf32>,
          %get3A_1268 = vector.shape_cast %get3A_1267 : vector<1x1x16xf32> to vector<16xf32>
          %mul3A_1269 = vector.broadcast %squeeze3A_1095 : f32 to vector<16xf32>
          %mul3A_1270 = arith.mulf %get3A_1268, %mul3A_1269 : vector<16xf32>
          %add3A_1271 = arith.addf %add3A_1091, %mul3A_1270 : vector<16xf32>
          %slice3A_1272 = vector.extract_strided_slice %convert_element_type3A_191 {offsets = [12], sizes = [1], strides = [1]} : vector<16xf32> to vector<1xf32>
          %squeeze3A_1273 = vector.extract %slice3A_1272[0] : f32 from vector<1xf32>
          %slice3A_1274 = vector.extract_strided_slice %convert_element_type3A_191 {offsets = [13], sizes = [1], strides = [1]} : vector<16xf32> to vector<1xf32>
          %squeeze3A_1275 = vector.extract %slice3A_1274[0] : f32 from vector<1xf32>
          %add3A_1276 = arith.constant 12 : i32
          %add3A_1277 = arith.addi %mul3A_184, %add3A_1276 : i32
          %get3A_1278 = arith.index_cast %rem3A_67 : i32 to index
          %get3A_1279 = arith.index_cast %add3A_1277 : i32 to index
          %get3A_1280 = arith.constant 0 : index
          %get3A_1281 = tpu.vector_load %arg11[%get3A_1278, %get3A_1279, %get3A_1280] {strides = array<i32>} : memref<2x128x128xf32, #tpu.memory_space<vmem>>, vector<1x1x16xf32>,
          %get3A_1282 = vector.shape_cast %get3A_1281 : vector<1x1x16xf32> to vector<16xf32>
          %mul3A_1283 = vector.broadcast %squeeze3A_1273 : f32 to vector<16xf32>
          %mul3A_1284 = arith.mulf %get3A_1282, %mul3A_1283 : vector<16xf32>
          %add3A_1285 = arith.addf %add3A_1105, %mul3A_1284 : vector<16xf32>
          %add3A_1286 = arith.constant 12 : i32
          %add3A_1287 = arith.addi %mul3A_184, %add3A_1286 : i32
          %get3A_1288 = arith.index_cast %rem3A_67 : i32 to index
          %get3A_1289 = arith.index_cast %add3A_1287 : i32 to index
          %get3A_1290 = arith.constant 16 : index
          %get3A_1291 = tpu.vector_load %arg11[%get3A_1288, %get3A_1289, %get3A_1290] {strides = array<i32>} : memref<2x128x128xf32, #tpu.memory_space<vmem>>, vector<1x1x16xf32>,
          %get3A_1292 = vector.shape_cast %get3A_1291 : vector<1x1x16xf32> to vector<16xf32>
          %mul3A_1293 = vector.broadcast %squeeze3A_1273 : f32 to vector<16xf32>
          %mul3A_1294 = arith.mulf %get3A_1292, %mul3A_1293 : vector<16xf32>
          %add3A_1295 = arith.addf %add3A_1115, %mul3A_1294 : vector<16xf32>
          %add3A_1296 = arith.constant 12 : i32
          %add3A_1297 = arith.addi %mul3A_184, %add3A_1296 : i32
          %get3A_1298 = arith.index_cast %rem3A_67 : i32 to index
          %get3A_1299 = arith.index_cast %add3A_1297 : i32 to index
          %get3A_1300 = arith.constant 32 : index
          %get3A_1301 = tpu.vector_load %arg11[%get3A_1298, %get3A_1299, %get3A_1300] {strides = array<i32>} : memref<2x128x128xf32, #tpu.memory_space<vmem>>, vector<1x1x16xf32>,
          %get3A_1302 = vector.shape_cast %get3A_1301 : vector<1x1x16xf32> to vector<16xf32>
          %mul3A_1303 = vector.broadcast %squeeze3A_1273 : f32 to vector<16xf32>
          %mul3A_1304 = arith.mulf %get3A_1302, %mul3A_1303 : vector<16xf32>
          %add3A_1305 = arith.addf %add3A_1125, %mul3A_1304 : vector<16xf32>
          %add3A_1306 = arith.constant 12 : i32
          %add3A_1307 = arith.addi %mul3A_184, %add3A_1306 : i32
          %get3A_1308 = arith.index_cast %rem3A_67 : i32 to index
          %get3A_1309 = arith.index_cast %add3A_1307 : i32 to index
          %get3A_1310 = arith.constant 48 : index
          %get3A_1311 = tpu.vector_load %arg11[%get3A_1308, %get3A_1309, %get3A_1310] {strides = array<i32>} : memref<2x128x128xf32, #tpu.memory_space<vmem>>, vector<1x1x16xf32>,
          %get3A_1312 = vector.shape_cast %get3A_1311 : vector<1x1x16xf32> to vector<16xf32>
          %mul3A_1313 = vector.broadcast %squeeze3A_1273 : f32 to vector<16xf32>
          %mul3A_1314 = arith.mulf %get3A_1312, %mul3A_1313 : vector<16xf32>
          %add3A_1315 = arith.addf %add3A_1135, %mul3A_1314 : vector<16xf32>
          %add3A_1316 = arith.constant 12 : i32
          %add3A_1317 = arith.addi %mul3A_184, %add3A_1316 : i32
          %get3A_1318 = arith.index_cast %rem3A_67 : i32 to index
          %get3A_1319 = arith.index_cast %add3A_1317 : i32 to index
          %get3A_1320 = arith.constant 64 : index
          %get3A_1321 = tpu.vector_load %arg11[%get3A_1318, %get3A_1319, %get3A_1320] {strides = array<i32>} : memref<2x128x128xf32, #tpu.memory_space<vmem>>, vector<1x1x16xf32>,
          %get3A_1322 = vector.shape_cast %get3A_1321 : vector<1x1x16xf32> to vector<16xf32>
          %mul3A_1323 = vector.broadcast %squeeze3A_1273 : f32 to vector<16xf32>
          %mul3A_1324 = arith.mulf %get3A_1322, %mul3A_1323 : vector<16xf32>
          %add3A_1325 = arith.addf %add3A_1145, %mul3A_1324 : vector<16xf32>
          %add3A_1326 = arith.constant 12 : i32
          %add3A_1327 = arith.addi %mul3A_184, %add3A_1326 : i32
          %get3A_1328 = arith.index_cast %rem3A_67 : i32 to index
          %get3A_1329 = arith.index_cast %add3A_1327 : i32 to index
          %get3A_1330 = arith.constant 80 : index
          %get3A_1331 = tpu.vector_load %arg11[%get3A_1328, %get3A_1329, %get3A_1330] {strides = array<i32>} : memref<2x128x128xf32, #tpu.memory_space<vmem>>, vector<1x1x16xf32>,
          %get3A_1332 = vector.shape_cast %get3A_1331 : vector<1x1x16xf32> to vector<16xf32>
          %mul3A_1333 = vector.broadcast %squeeze3A_1273 : f32 to vector<16xf32>
          %mul3A_1334 = arith.mulf %get3A_1332, %mul3A_1333 : vector<16xf32>
          %add3A_1335 = arith.addf %add3A_1155, %mul3A_1334 : vector<16xf32>
          %add3A_1336 = arith.constant 12 : i32
          %add3A_1337 = arith.addi %mul3A_184, %add3A_1336 : i32
          %get3A_1338 = arith.index_cast %rem3A_67 : i32 to index
          %get3A_1339 = arith.index_cast %add3A_1337 : i32 to index
          %get3A_1340 = arith.constant 96 : index
          %get3A_1341 = tpu.vector_load %arg11[%get3A_1338, %get3A_1339, %get3A_1340] {strides = array<i32>} : memref<2x128x128xf32, #tpu.memory_space<vmem>>, vector<1x1x16xf32>,
          %get3A_1342 = vector.shape_cast %get3A_1341 : vector<1x1x16xf32> to vector<16xf32>
          %mul3A_1343 = vector.broadcast %squeeze3A_1273 : f32 to vector<16xf32>
          %mul3A_1344 = arith.mulf %get3A_1342, %mul3A_1343 : vector<16xf32>
          %add3A_1345 = arith.addf %add3A_1165, %mul3A_1344 : vector<16xf32>
          %add3A_1346 = arith.constant 12 : i32
          %add3A_1347 = arith.addi %mul3A_184, %add3A_1346 : i32
          %get3A_1348 = arith.index_cast %rem3A_67 : i32 to index
          %get3A_1349 = arith.index_cast %add3A_1347 : i32 to index
          %get3A_1350 = arith.constant 112 : index
          %get3A_1351 = tpu.vector_load %arg11[%get3A_1348, %get3A_1349, %get3A_1350] {strides = array<i32>} : memref<2x128x128xf32, #tpu.memory_space<vmem>>, vector<1x1x16xf32>,
          %get3A_1352 = vector.shape_cast %get3A_1351 : vector<1x1x16xf32> to vector<16xf32>
          %mul3A_1353 = vector.broadcast %squeeze3A_1273 : f32 to vector<16xf32>
          %mul3A_1354 = arith.mulf %get3A_1352, %mul3A_1353 : vector<16xf32>
          %add3A_1355 = arith.addf %add3A_1175, %mul3A_1354 : vector<16xf32>
          %add3A_1356 = arith.constant 12 : i32
          %add3A_1357 = arith.addi %mul3A_184, %add3A_1356 : i32
          %add3A_1358 = arith.constant 1 : i32
          %add3A_1359 = arith.addi %add3A_1357, %add3A_1358 : i32
          %get3A_1360 = arith.index_cast %rem3A_67 : i32 to index
          %get3A_1361 = arith.index_cast %add3A_1359 : i32 to index
          %get3A_1362 = arith.constant 0 : index
          %get3A_1363 = tpu.vector_load %arg11[%get3A_1360, %get3A_1361, %get3A_1362] {strides = array<i32>} : memref<2x128x128xf32, #tpu.memory_space<vmem>>, vector<1x1x16xf32>,
          %get3A_1364 = vector.shape_cast %get3A_1363 : vector<1x1x16xf32> to vector<16xf32>
          %mul3A_1365 = vector.broadcast %squeeze3A_1275 : f32 to vector<16xf32>
          %mul3A_1366 = arith.mulf %get3A_1364, %mul3A_1365 : vector<16xf32>
          %add3A_1367 = arith.addf %add3A_1187, %mul3A_1366 : vector<16xf32>
          %add3A_1368 = arith.constant 12 : i32
          %add3A_1369 = arith.addi %mul3A_184, %add3A_1368 : i32
          %add3A_1370 = arith.constant 1 : i32
          %add3A_1371 = arith.addi %add3A_1369, %add3A_1370 : i32
          %get3A_1372 = arith.index_cast %rem3A_67 : i32 to index
          %get3A_1373 = arith.index_cast %add3A_1371 : i32 to index
          %get3A_1374 = arith.constant 16 : index
          %get3A_1375 = tpu.vector_load %arg11[%get3A_1372, %get3A_1373, %get3A_1374] {strides = array<i32>} : memref<2x128x128xf32, #tpu.memory_space<vmem>>, vector<1x1x16xf32>,
          %get3A_1376 = vector.shape_cast %get3A_1375 : vector<1x1x16xf32> to vector<16xf32>
          %mul3A_1377 = vector.broadcast %squeeze3A_1275 : f32 to vector<16xf32>
          %mul3A_1378 = arith.mulf %get3A_1376, %mul3A_1377 : vector<16xf32>
          %add3A_1379 = arith.addf %add3A_1199, %mul3A_1378 : vector<16xf32>
          %add3A_1380 = arith.constant 12 : i32
          %add3A_1381 = arith.addi %mul3A_184, %add3A_1380 : i32
          %add3A_1382 = arith.constant 1 : i32
          %add3A_1383 = arith.addi %add3A_1381, %add3A_1382 : i32
          %get3A_1384 = arith.index_cast %rem3A_67 : i32 to index
          %get3A_1385 = arith.index_cast %add3A_1383 : i32 to index
          %get3A_1386 = arith.constant 32 : index
          %get3A_1387 = tpu.vector_load %arg11[%get3A_1384, %get3A_1385, %get3A_1386] {strides = array<i32>} : memref<2x128x128xf32, #tpu.memory_space<vmem>>, vector<1x1x16xf32>,
          %get3A_1388 = vector.shape_cast %get3A_1387 : vector<1x1x16xf32> to vector<16xf32>
          %mul3A_1389 = vector.broadcast %squeeze3A_1275 : f32 to vector<16xf32>
          %mul3A_1390 = arith.mulf %get3A_1388, %mul3A_1389 : vector<16xf32>
          %add3A_1391 = arith.addf %add3A_1211, %mul3A_1390 : vector<16xf32>
          %add3A_1392 = arith.constant 12 : i32
          %add3A_1393 = arith.addi %mul3A_184, %add3A_1392 : i32
          %add3A_1394 = arith.constant 1 : i32
          %add3A_1395 = arith.addi %add3A_1393, %add3A_1394 : i32
          %get3A_1396 = arith.index_cast %rem3A_67 : i32 to index
          %get3A_1397 = arith.index_cast %add3A_1395 : i32 to index
          %get3A_1398 = arith.constant 48 : index
          %get3A_1399 = tpu.vector_load %arg11[%get3A_1396, %get3A_1397, %get3A_1398] {strides = array<i32>} : memref<2x128x128xf32, #tpu.memory_space<vmem>>, vector<1x1x16xf32>,
          %get3A_1400 = vector.shape_cast %get3A_1399 : vector<1x1x16xf32> to vector<16xf32>
          %mul3A_1401 = vector.broadcast %squeeze3A_1275 : f32 to vector<16xf32>
          %mul3A_1402 = arith.mulf %get3A_1400, %mul3A_1401 : vector<16xf32>
          %add3A_1403 = arith.addf %add3A_1223, %mul3A_1402 : vector<16xf32>
          %add3A_1404 = arith.constant 12 : i32
          %add3A_1405 = arith.addi %mul3A_184, %add3A_1404 : i32
          %add3A_1406 = arith.constant 1 : i32
          %add3A_1407 = arith.addi %add3A_1405, %add3A_1406 : i32
          %get3A_1408 = arith.index_cast %rem3A_67 : i32 to index
          %get3A_1409 = arith.index_cast %add3A_1407 : i32 to index
          %get3A_1410 = arith.constant 64 : index
          %get3A_1411 = tpu.vector_load %arg11[%get3A_1408, %get3A_1409, %get3A_1410] {strides = array<i32>} : memref<2x128x128xf32, #tpu.memory_space<vmem>>, vector<1x1x16xf32>,
          %get3A_1412 = vector.shape_cast %get3A_1411 : vector<1x1x16xf32> to vector<16xf32>
          %mul3A_1413 = vector.broadcast %squeeze3A_1275 : f32 to vector<16xf32>
          %mul3A_1414 = arith.mulf %get3A_1412, %mul3A_1413 : vector<16xf32>
          %add3A_1415 = arith.addf %add3A_1235, %mul3A_1414 : vector<16xf32>
          %add3A_1416 = arith.constant 12 : i32
          %add3A_1417 = arith.addi %mul3A_184, %add3A_1416 : i32
          %add3A_1418 = arith.constant 1 : i32
          %add3A_1419 = arith.addi %add3A_1417, %add3A_1418 : i32
          %get3A_1420 = arith.index_cast %rem3A_67 : i32 to index
          %get3A_1421 = arith.index_cast %add3A_1419 : i32 to index
          %get3A_1422 = arith.constant 80 : index
          %get3A_1423 = tpu.vector_load %arg11[%get3A_1420, %get3A_1421, %get3A_1422] {strides = array<i32>} : memref<2x128x128xf32, #tpu.memory_space<vmem>>, vector<1x1x16xf32>,
          %get3A_1424 = vector.shape_cast %get3A_1423 : vector<1x1x16xf32> to vector<16xf32>
          %mul3A_1425 = vector.broadcast %squeeze3A_1275 : f32 to vector<16xf32>
          %mul3A_1426 = arith.mulf %get3A_1424, %mul3A_1425 : vector<16xf32>
          %add3A_1427 = arith.addf %add3A_1247, %mul3A_1426 : vector<16xf32>
          %add3A_1428 = arith.constant 12 : i32
          %add3A_1429 = arith.addi %mul3A_184, %add3A_1428 : i32
          %add3A_1430 = arith.constant 1 : i32
          %add3A_1431 = arith.addi %add3A_1429, %add3A_1430 : i32
          %get3A_1432 = arith.index_cast %rem3A_67 : i32 to index
          %get3A_1433 = arith.index_cast %add3A_1431 : i32 to index
          %get3A_1434 = arith.constant 96 : index
          %get3A_1435 = tpu.vector_load %arg11[%get3A_1432, %get3A_1433, %get3A_1434] {strides = array<i32>} : memref<2x128x128xf32, #tpu.memory_space<vmem>>, vector<1x1x16xf32>,
          %get3A_1436 = vector.shape_cast %get3A_1435 : vector<1x1x16xf32> to vector<16xf32>
          %mul3A_1437 = vector.broadcast %squeeze3A_1275 : f32 to vector<16xf32>
          %mul3A_1438 = arith.mulf %get3A_1436, %mul3A_1437 : vector<16xf32>
          %add3A_1439 = arith.addf %add3A_1259, %mul3A_1438 : vector<16xf32>
          %add3A_1440 = arith.constant 12 : i32
          %add3A_1441 = arith.addi %mul3A_184, %add3A_1440 : i32
          %add3A_1442 = arith.constant 1 : i32
          %add3A_1443 = arith.addi %add3A_1441, %add3A_1442 : i32
          %get3A_1444 = arith.index_cast %rem3A_67 : i32 to index
          %get3A_1445 = arith.index_cast %add3A_1443 : i32 to index
          %get3A_1446 = arith.constant 112 : index
          %get3A_1447 = tpu.vector_load %arg11[%get3A_1444, %get3A_1445, %get3A_1446] {strides = array<i32>} : memref<2x128x128xf32, #tpu.memory_space<vmem>>, vector<1x1x16xf32>,
          %get3A_1448 = vector.shape_cast %get3A_1447 : vector<1x1x16xf32> to vector<16xf32>
          %mul3A_1449 = vector.broadcast %squeeze3A_1275 : f32 to vector<16xf32>
          %mul3A_1450 = arith.mulf %get3A_1448, %mul3A_1449 : vector<16xf32>
          %add3A_1451 = arith.addf %add3A_1271, %mul3A_1450 : vector<16xf32>
          %slice3A_1452 = vector.extract_strided_slice %convert_element_type3A_191 {offsets = [14], sizes = [1], strides = [1]} : vector<16xf32> to vector<1xf32>
          %squeeze3A_1453 = vector.extract %slice3A_1452[0] : f32 from vector<1xf32>
          %slice3A_1454 = vector.extract_strided_slice %convert_element_type3A_191 {offsets = [15], sizes = [1], strides = [1]} : vector<16xf32> to vector<1xf32>
          %squeeze3A_1455 = vector.extract %slice3A_1454[0] : f32 from vector<1xf32>
          %add3A_1456 = arith.constant 14 : i32
          %add3A_1457 = arith.addi %mul3A_184, %add3A_1456 : i32
          %get3A_1458 = arith.index_cast %rem3A_67 : i32 to index
          %get3A_1459 = arith.index_cast %add3A_1457 : i32 to index
          %get3A_1460 = arith.constant 0 : index
          %get3A_1461 = tpu.vector_load %arg11[%get3A_1458, %get3A_1459, %get3A_1460] {strides = array<i32>} : memref<2x128x128xf32, #tpu.memory_space<vmem>>, vector<1x1x16xf32>,
          %get3A_1462 = vector.shape_cast %get3A_1461 : vector<1x1x16xf32> to vector<16xf32>
          %mul3A_1463 = vector.broadcast %squeeze3A_1453 : f32 to vector<16xf32>
          %mul3A_1464 = arith.mulf %get3A_1462, %mul3A_1463 : vector<16xf32>
          %add3A_1465 = arith.addf %add3A_1285, %mul3A_1464 : vector<16xf32>
          %add3A_1466 = arith.constant 14 : i32
          %add3A_1467 = arith.addi %mul3A_184, %add3A_1466 : i32
          %get3A_1468 = arith.index_cast %rem3A_67 : i32 to index
          %get3A_1469 = arith.index_cast %add3A_1467 : i32 to index
          %get3A_1470 = arith.constant 16 : index
          %get3A_1471 = tpu.vector_load %arg11[%get3A_1468, %get3A_1469, %get3A_1470] {strides = array<i32>} : memref<2x128x128xf32, #tpu.memory_space<vmem>>, vector<1x1x16xf32>,
          %get3A_1472 = vector.shape_cast %get3A_1471 : vector<1x1x16xf32> to vector<16xf32>
          %mul3A_1473 = vector.broadcast %squeeze3A_1453 : f32 to vector<16xf32>
          %mul3A_1474 = arith.mulf %get3A_1472, %mul3A_1473 : vector<16xf32>
          %add3A_1475 = arith.addf %add3A_1295, %mul3A_1474 : vector<16xf32>
          %add3A_1476 = arith.constant 14 : i32
          %add3A_1477 = arith.addi %mul3A_184, %add3A_1476 : i32
          %get3A_1478 = arith.index_cast %rem3A_67 : i32 to index
          %get3A_1479 = arith.index_cast %add3A_1477 : i32 to index
          %get3A_1480 = arith.constant 32 : index
          %get3A_1481 = tpu.vector_load %arg11[%get3A_1478, %get3A_1479, %get3A_1480] {strides = array<i32>} : memref<2x128x128xf32, #tpu.memory_space<vmem>>, vector<1x1x16xf32>,
          %get3A_1482 = vector.shape_cast %get3A_1481 : vector<1x1x16xf32> to vector<16xf32>
          %mul3A_1483 = vector.broadcast %squeeze3A_1453 : f32 to vector<16xf32>
          %mul3A_1484 = arith.mulf %get3A_1482, %mul3A_1483 : vector<16xf32>
          %add3A_1485 = arith.addf %add3A_1305, %mul3A_1484 : vector<16xf32>
          %add3A_1486 = arith.constant 14 : i32
          %add3A_1487 = arith.addi %mul3A_184, %add3A_1486 : i32
          %get3A_1488 = arith.index_cast %rem3A_67 : i32 to index
          %get3A_1489 = arith.index_cast %add3A_1487 : i32 to index
          %get3A_1490 = arith.constant 48 : index
          %get3A_1491 = tpu.vector_load %arg11[%get3A_1488, %get3A_1489, %get3A_1490] {strides = array<i32>} : memref<2x128x128xf32, #tpu.memory_space<vmem>>, vector<1x1x16xf32>,
          %get3A_1492 = vector.shape_cast %get3A_1491 : vector<1x1x16xf32> to vector<16xf32>
          %mul3A_1493 = vector.broadcast %squeeze3A_1453 : f32 to vector<16xf32>
          %mul3A_1494 = arith.mulf %get3A_1492, %mul3A_1493 : vector<16xf32>
          %add3A_1495 = arith.addf %add3A_1315, %mul3A_1494 : vector<16xf32>
          %add3A_1496 = arith.constant 14 : i32
          %add3A_1497 = arith.addi %mul3A_184, %add3A_1496 : i32
          %get3A_1498 = arith.index_cast %rem3A_67 : i32 to index
          %get3A_1499 = arith.index_cast %add3A_1497 : i32 to index
          %get3A_1500 = arith.constant 64 : index
          %get3A_1501 = tpu.vector_load %arg11[%get3A_1498, %get3A_1499, %get3A_1500] {strides = array<i32>} : memref<2x128x128xf32, #tpu.memory_space<vmem>>, vector<1x1x16xf32>,
          %get3A_1502 = vector.shape_cast %get3A_1501 : vector<1x1x16xf32> to vector<16xf32>
          %mul3A_1503 = vector.broadcast %squeeze3A_1453 : f32 to vector<16xf32>
          %mul3A_1504 = arith.mulf %get3A_1502, %mul3A_1503 : vector<16xf32>
          %add3A_1505 = arith.addf %add3A_1325, %mul3A_1504 : vector<16xf32>
          %add3A_1506 = arith.constant 14 : i32
          %add3A_1507 = arith.addi %mul3A_184, %add3A_1506 : i32
          %get3A_1508 = arith.index_cast %rem3A_67 : i32 to index
          %get3A_1509 = arith.index_cast %add3A_1507 : i32 to index
          %get3A_1510 = arith.constant 80 : index
          %get3A_1511 = tpu.vector_load %arg11[%get3A_1508, %get3A_1509, %get3A_1510] {strides = array<i32>} : memref<2x128x128xf32, #tpu.memory_space<vmem>>, vector<1x1x16xf32>,
          %get3A_1512 = vector.shape_cast %get3A_1511 : vector<1x1x16xf32> to vector<16xf32>
          %mul3A_1513 = vector.broadcast %squeeze3A_1453 : f32 to vector<16xf32>
          %mul3A_1514 = arith.mulf %get3A_1512, %mul3A_1513 : vector<16xf32>
          %add3A_1515 = arith.addf %add3A_1335, %mul3A_1514 : vector<16xf32>
          %add3A_1516 = arith.constant 14 : i32
          %add3A_1517 = arith.addi %mul3A_184, %add3A_1516 : i32
          %get3A_1518 = arith.index_cast %rem3A_67 : i32 to index
          %get3A_1519 = arith.index_cast %add3A_1517 : i32 to index
          %get3A_1520 = arith.constant 96 : index
          %get3A_1521 = tpu.vector_load %arg11[%get3A_1518, %get3A_1519, %get3A_1520] {strides = array<i32>} : memref<2x128x128xf32, #tpu.memory_space<vmem>>, vector<1x1x16xf32>,
          %get3A_1522 = vector.shape_cast %get3A_1521 : vector<1x1x16xf32> to vector<16xf32>
          %mul3A_1523 = vector.broadcast %squeeze3A_1453 : f32 to vector<16xf32>
          %mul3A_1524 = arith.mulf %get3A_1522, %mul3A_1523 : vector<16xf32>
          %add3A_1525 = arith.addf %add3A_1345, %mul3A_1524 : vector<16xf32>
          %add3A_1526 = arith.constant 14 : i32
          %add3A_1527 = arith.addi %mul3A_184, %add3A_1526 : i32
          %get3A_1528 = arith.index_cast %rem3A_67 : i32 to index
          %get3A_1529 = arith.index_cast %add3A_1527 : i32 to index
          %get3A_1530 = arith.constant 112 : index
          %get3A_1531 = tpu.vector_load %arg11[%get3A_1528, %get3A_1529, %get3A_1530] {strides = array<i32>} : memref<2x128x128xf32, #tpu.memory_space<vmem>>, vector<1x1x16xf32>,
          %get3A_1532 = vector.shape_cast %get3A_1531 : vector<1x1x16xf32> to vector<16xf32>
          %mul3A_1533 = vector.broadcast %squeeze3A_1453 : f32 to vector<16xf32>
          %mul3A_1534 = arith.mulf %get3A_1532, %mul3A_1533 : vector<16xf32>
          %add3A_1535 = arith.addf %add3A_1355, %mul3A_1534 : vector<16xf32>
          %add3A_1536 = arith.constant 14 : i32
          %add3A_1537 = arith.addi %mul3A_184, %add3A_1536 : i32
          %add3A_1538 = arith.constant 1 : i32
          %add3A_1539 = arith.addi %add3A_1537, %add3A_1538 : i32
          %get3A_1540 = arith.index_cast %rem3A_67 : i32 to index
          %get3A_1541 = arith.index_cast %add3A_1539 : i32 to index
          %get3A_1542 = arith.constant 0 : index
          %get3A_1543 = tpu.vector_load %arg11[%get3A_1540, %get3A_1541, %get3A_1542] {strides = array<i32>} : memref<2x128x128xf32, #tpu.memory_space<vmem>>, vector<1x1x16xf32>,
          %get3A_1544 = vector.shape_cast %get3A_1543 : vector<1x1x16xf32> to vector<16xf32>
          %mul3A_1545 = vector.broadcast %squeeze3A_1455 : f32 to vector<16xf32>
          %mul3A_1546 = arith.mulf %get3A_1544, %mul3A_1545 : vector<16xf32>
          %add3A_1547 = arith.addf %add3A_1367, %mul3A_1546 : vector<16xf32>
          %add3A_1548 = arith.constant 14 : i32
          %add3A_1549 = arith.addi %mul3A_184, %add3A_1548 : i32
          %add3A_1550 = arith.constant 1 : i32
          %add3A_1551 = arith.addi %add3A_1549, %add3A_1550 : i32
          %get3A_1552 = arith.index_cast %rem3A_67 : i32 to index
          %get3A_1553 = arith.index_cast %add3A_1551 : i32 to index
          %get3A_1554 = arith.constant 16 : index
          %get3A_1555 = tpu.vector_load %arg11[%get3A_1552, %get3A_1553, %get3A_1554] {strides = array<i32>} : memref<2x128x128xf32, #tpu.memory_space<vmem>>, vector<1x1x16xf32>,
          %get3A_1556 = vector.shape_cast %get3A_1555 : vector<1x1x16xf32> to vector<16xf32>
          %mul3A_1557 = vector.broadcast %squeeze3A_1455 : f32 to vector<16xf32>
          %mul3A_1558 = arith.mulf %get3A_1556, %mul3A_1557 : vector<16xf32>
          %add3A_1559 = arith.addf %add3A_1379, %mul3A_1558 : vector<16xf32>
          %add3A_1560 = arith.constant 14 : i32
          %add3A_1561 = arith.addi %mul3A_184, %add3A_1560 : i32
          %add3A_1562 = arith.constant 1 : i32
          %add3A_1563 = arith.addi %add3A_1561, %add3A_1562 : i32
          %get3A_1564 = arith.index_cast %rem3A_67 : i32 to index
          %get3A_1565 = arith.index_cast %add3A_1563 : i32 to index
          %get3A_1566 = arith.constant 32 : index
          %get3A_1567 = tpu.vector_load %arg11[%get3A_1564, %get3A_1565, %get3A_1566] {strides = array<i32>} : memref<2x128x128xf32, #tpu.memory_space<vmem>>, vector<1x1x16xf32>,
          %get3A_1568 = vector.shape_cast %get3A_1567 : vector<1x1x16xf32> to vector<16xf32>
          %mul3A_1569 = vector.broadcast %squeeze3A_1455 : f32 to vector<16xf32>
          %mul3A_1570 = arith.mulf %get3A_1568, %mul3A_1569 : vector<16xf32>
          %add3A_1571 = arith.addf %add3A_1391, %mul3A_1570 : vector<16xf32>
          %add3A_1572 = arith.constant 14 : i32
          %add3A_1573 = arith.addi %mul3A_184, %add3A_1572 : i32
          %add3A_1574 = arith.constant 1 : i32
          %add3A_1575 = arith.addi %add3A_1573, %add3A_1574 : i32
          %get3A_1576 = arith.index_cast %rem3A_67 : i32 to index
          %get3A_1577 = arith.index_cast %add3A_1575 : i32 to index
          %get3A_1578 = arith.constant 48 : index
          %get3A_1579 = tpu.vector_load %arg11[%get3A_1576, %get3A_1577, %get3A_1578] {strides = array<i32>} : memref<2x128x128xf32, #tpu.memory_space<vmem>>, vector<1x1x16xf32>,
          %get3A_1580 = vector.shape_cast %get3A_1579 : vector<1x1x16xf32> to vector<16xf32>
          %mul3A_1581 = vector.broadcast %squeeze3A_1455 : f32 to vector<16xf32>
          %mul3A_1582 = arith.mulf %get3A_1580, %mul3A_1581 : vector<16xf32>
          %add3A_1583 = arith.addf %add3A_1403, %mul3A_1582 : vector<16xf32>
          %add3A_1584 = arith.constant 14 : i32
          %add3A_1585 = arith.addi %mul3A_184, %add3A_1584 : i32
          %add3A_1586 = arith.constant 1 : i32
          %add3A_1587 = arith.addi %add3A_1585, %add3A_1586 : i32
          %get3A_1588 = arith.index_cast %rem3A_67 : i32 to index
          %get3A_1589 = arith.index_cast %add3A_1587 : i32 to index
          %get3A_1590 = arith.constant 64 : index
          %get3A_1591 = tpu.vector_load %arg11[%get3A_1588, %get3A_1589, %get3A_1590] {strides = array<i32>} : memref<2x128x128xf32, #tpu.memory_space<vmem>>, vector<1x1x16xf32>,
          %get3A_1592 = vector.shape_cast %get3A_1591 : vector<1x1x16xf32> to vector<16xf32>
          %mul3A_1593 = vector.broadcast %squeeze3A_1455 : f32 to vector<16xf32>
          %mul3A_1594 = arith.mulf %get3A_1592, %mul3A_1593 : vector<16xf32>
          %add3A_1595 = arith.addf %add3A_1415, %mul3A_1594 : vector<16xf32>
          %add3A_1596 = arith.constant 14 : i32
          %add3A_1597 = arith.addi %mul3A_184, %add3A_1596 : i32
          %add3A_1598 = arith.constant 1 : i32
          %add3A_1599 = arith.addi %add3A_1597, %add3A_1598 : i32
          %get3A_1600 = arith.index_cast %rem3A_67 : i32 to index
          %get3A_1601 = arith.index_cast %add3A_1599 : i32 to index
          %get3A_1602 = arith.constant 80 : index
          %get3A_1603 = tpu.vector_load %arg11[%get3A_1600, %get3A_1601, %get3A_1602] {strides = array<i32>} : memref<2x128x128xf32, #tpu.memory_space<vmem>>, vector<1x1x16xf32>,
          %get3A_1604 = vector.shape_cast %get3A_1603 : vector<1x1x16xf32> to vector<16xf32>
          %mul3A_1605 = vector.broadcast %squeeze3A_1455 : f32 to vector<16xf32>
          %mul3A_1606 = arith.mulf %get3A_1604, %mul3A_1605 : vector<16xf32>
          %add3A_1607 = arith.addf %add3A_1427, %mul3A_1606 : vector<16xf32>
          %add3A_1608 = arith.constant 14 : i32
          %add3A_1609 = arith.addi %mul3A_184, %add3A_1608 : i32
          %add3A_1610 = arith.constant 1 : i32
          %add3A_1611 = arith.addi %add3A_1609, %add3A_1610 : i32
          %get3A_1612 = arith.index_cast %rem3A_67 : i32 to index
          %get3A_1613 = arith.index_cast %add3A_1611 : i32 to index
          %get3A_1614 = arith.constant 96 : index
          %get3A_1615 = tpu.vector_load %arg11[%get3A_1612, %get3A_1613, %get3A_1614] {strides = array<i32>} : memref<2x128x128xf32, #tpu.memory_space<vmem>>, vector<1x1x16xf32>,
          %get3A_1616 = vector.shape_cast %get3A_1615 : vector<1x1x16xf32> to vector<16xf32>
          %mul3A_1617 = vector.broadcast %squeeze3A_1455 : f32 to vector<16xf32>
          %mul3A_1618 = arith.mulf %get3A_1616, %mul3A_1617 : vector<16xf32>
          %add3A_1619 = arith.addf %add3A_1439, %mul3A_1618 : vector<16xf32>
          %add3A_1620 = arith.constant 14 : i32
          %add3A_1621 = arith.addi %mul3A_184, %add3A_1620 : i32
          %add3A_1622 = arith.constant 1 : i32
          %add3A_1623 = arith.addi %add3A_1621, %add3A_1622 : i32
          %get3A_1624 = arith.index_cast %rem3A_67 : i32 to index
          %get3A_1625 = arith.index_cast %add3A_1623 : i32 to index
          %get3A_1626 = arith.constant 112 : index
          %get3A_1627 = tpu.vector_load %arg11[%get3A_1624, %get3A_1625, %get3A_1626] {strides = array<i32>} : memref<2x128x128xf32, #tpu.memory_space<vmem>>, vector<1x1x16xf32>,
          %get3A_1628 = vector.shape_cast %get3A_1627 : vector<1x1x16xf32> to vector<16xf32>
          %mul3A_1629 = vector.broadcast %squeeze3A_1455 : f32 to vector<16xf32>
          %mul3A_1630 = arith.mulf %get3A_1628, %mul3A_1629 : vector<16xf32>
          %add3A_1631 = arith.addf %add3A_1451, %mul3A_1630 : vector<16xf32>
          scf.yield %add3A_1465, %add3A_1475, %add3A_1485, %add3A_1495, %add3A_1505, %add3A_1515, %add3A_1525, %add3A_1535, %add3A_1547, %add3A_1559, %add3A_1571, %add3A_1583, %add3A_1595, %add3A_1607, %add3A_1619, %add3A_1631 : vector<16xf32>, vector<16xf32>, vector<16xf32>, vector<16xf32>, vector<16xf32>, vector<16xf32>, vector<16xf32>, vector<16xf32>, vector<16xf32>, vector<16xf32>, vector<16xf32>, vector<16xf32>, vector<16xf32>, vector<16xf32>, vector<16xf32>, vector<16xf32>
        }
        %scan3A_115 = arith.constant 8 : i32
        %slice3A_116 = vector.extract_strided_slice %get3A_85 {offsets = [0], sizes = [1], strides = [1]} : vector<16xi32> to vector<1xi32>
        %squeeze3A_117 = vector.extract %slice3A_116[0] : i32 from vector<1xi32>
        %add3A_118 = arith.addf %scan3A_114#0, %scan3A_114#8 : vector<16xf32>
        %swap3A_119 = arith.index_cast %squeeze3A_117 : i32 to index
        %swap3A_120 = arith.constant 0 : index
        %swap3A_121 = tpu.vector_load %arg10[%swap3A_119, %swap3A_120] {strides = array<i32>} : memref<16x128xf32, #tpu.memory_space<vmem>>, vector<1x16xf32>,
        %swap3A_122 = vector.shape_cast %swap3A_121 : vector<1x16xf32> to vector<16xf32>
        %swap3A_123 = vector.shape_cast %add3A_118 : vector<16xf32> to vector<1x16xf32>
        tpu.vector_store %arg10[%swap3A_119, %swap3A_120], %swap3A_123 {add = true, strides = array<i32>} : memref<16x128xf32, #tpu.memory_space<vmem>>, vector<1x16xf32>,
        %add3A_124 = arith.addf %scan3A_114#1, %scan3A_114#9 : vector<16xf32>
        %swap3A_125 = arith.index_cast %squeeze3A_117 : i32 to index
        %swap3A_126 = arith.constant 16 : index
        %swap3A_127 = tpu.vector_load %arg10[%swap3A_125, %swap3A_126] {strides = array<i32>} : memref<16x128xf32, #tpu.memory_space<vmem>>, vector<1x16xf32>,
        %swap3A_128 = vector.shape_cast %swap3A_127 : vector<1x16xf32> to vector<16xf32>
        %swap3A_129 = vector.shape_cast %add3A_124 : vector<16xf32> to vector<1x16xf32>
        tpu.vector_store %arg10[%swap3A_125, %swap3A_126], %swap3A_129 {add = true, strides = array<i32>} : memref<16x128xf32, #tpu.memory_space<vmem>>, vector<1x16xf32>,
        %add3A_130 = arith.addf %scan3A_114#2, %scan3A_114#10 : vector<16xf32>
        %swap3A_131 = arith.index_cast %squeeze3A_117 : i32 to index
        %swap3A_132 = arith.constant 32 : index
        %swap3A_133 = tpu.vector_load %arg10[%swap3A_131, %swap3A_132] {strides = array<i32>} : memref<16x128xf32, #tpu.memory_space<vmem>>, vector<1x16xf32>,
        %swap3A_134 = vector.shape_cast %swap3A_133 : vector<1x16xf32> to vector<16xf32>
        %swap3A_135 = vector.shape_cast %add3A_130 : vector<16xf32> to vector<1x16xf32>
        tpu.vector_store %arg10[%swap3A_131, %swap3A_132], %swap3A_135 {add = true, strides = array<i32>} : memref<16x128xf32, #tpu.memory_space<vmem>>, vector<1x16xf32>,
        %add3A_136 = arith.addf %scan3A_114#3, %scan3A_114#11 : vector<16xf32>
        %swap3A_137 = arith.index_cast %squeeze3A_117 : i32 to index
        %swap3A_138 = arith.constant 48 : index
        %swap3A_139 = tpu.vector_load %arg10[%swap3A_137, %swap3A_138] {strides = array<i32>} : memref<16x128xf32, #tpu.memory_space<vmem>>, vector<1x16xf32>,
        %swap3A_140 = vector.shape_cast %swap3A_139 : vector<1x16xf32> to vector<16xf32>
        %swap3A_141 = vector.shape_cast %add3A_136 : vector<16xf32> to vector<1x16xf32>
        tpu.vector_store %arg10[%swap3A_137, %swap3A_138], %swap3A_141 {add = true, strides = array<i32>} : memref<16x128xf32, #tpu.memory_space<vmem>>, vector<1x16xf32>,
        %add3A_142 = arith.addf %scan3A_114#4, %scan3A_114#12 : vector<16xf32>
        %swap3A_143 = arith.index_cast %squeeze3A_117 : i32 to index
        %swap3A_144 = arith.constant 64 : index
        %swap3A_145 = tpu.vector_load %arg10[%swap3A_143, %swap3A_144] {strides = array<i32>} : memref<16x128xf32, #tpu.memory_space<vmem>>, vector<1x16xf32>,
        %swap3A_146 = vector.shape_cast %swap3A_145 : vector<1x16xf32> to vector<16xf32>
        %swap3A_147 = vector.shape_cast %add3A_142 : vector<16xf32> to vector<1x16xf32>
        tpu.vector_store %arg10[%swap3A_143, %swap3A_144], %swap3A_147 {add = true, strides = array<i32>} : memref<16x128xf32, #tpu.memory_space<vmem>>, vector<1x16xf32>,
        %add3A_148 = arith.addf %scan3A_114#5, %scan3A_114#13 : vector<16xf32>
        %swap3A_149 = arith.index_cast %squeeze3A_117 : i32 to index
        %swap3A_150 = arith.constant 80 : index
        %swap3A_151 = tpu.vector_load %arg10[%swap3A_149, %swap3A_150] {strides = array<i32>} : memref<16x128xf32, #tpu.memory_space<vmem>>, vector<1x16xf32>,
        %swap3A_152 = vector.shape_cast %swap3A_151 : vector<1x16xf32> to vector<16xf32>
        %swap3A_153 = vector.shape_cast %add3A_148 : vector<16xf32> to vector<1x16xf32>
        tpu.vector_store %arg10[%swap3A_149, %swap3A_150], %swap3A_153 {add = true, strides = array<i32>} : memref<16x128xf32, #tpu.memory_space<vmem>>, vector<1x16xf32>,
        %add3A_154 = arith.addf %scan3A_114#6, %scan3A_114#14 : vector<16xf32>
        %swap3A_155 = arith.index_cast %squeeze3A_117 : i32 to index
        %swap3A_156 = arith.constant 96 : index
        %swap3A_157 = tpu.vector_load %arg10[%swap3A_155, %swap3A_156] {strides = array<i32>} : memref<16x128xf32, #tpu.memory_space<vmem>>, vector<1x16xf32>,
        %swap3A_158 = vector.shape_cast %swap3A_157 : vector<1x16xf32> to vector<16xf32>
        %swap3A_159 = vector.shape_cast %add3A_154 : vector<16xf32> to vector<1x16xf32>
        tpu.vector_store %arg10[%swap3A_155, %swap3A_156], %swap3A_159 {add = true, strides = array<i32>} : memref<16x128xf32, #tpu.memory_space<vmem>>, vector<1x16xf32>,
        %add3A_160 = arith.addf %scan3A_114#7, %scan3A_114#15 : vector<16xf32>
        %swap3A_161 = arith.index_cast %squeeze3A_117 : i32 to index
        %swap3A_162 = arith.constant 112 : index
        %swap3A_163 = tpu.vector_load %arg10[%swap3A_161, %swap3A_162] {strides = array<i32>} : memref<16x128xf32, #tpu.memory_space<vmem>>, vector<1x16xf32>,
        %swap3A_164 = vector.shape_cast %swap3A_163 : vector<1x16xf32> to vector<16xf32>
        %swap3A_165 = vector.shape_cast %add3A_160 : vector<16xf32> to vector<1x16xf32>
        tpu.vector_store %arg10[%swap3A_161, %swap3A_162], %swap3A_165 {add = true, strides = array<i32>} : memref<16x128xf32, #tpu.memory_space<vmem>>, vector<1x16xf32>,
      } else {
      }
      %not3A = arith.constant true
      %not3A_100 = arith.xori %eq3A_96, %not3A : i1
      %convert_element_type3A_101 = arith.extui %not3A_100 : i1 to i32
      %cond3A_102 = arith.constant 0 : i32
      %cond3A_103 = arith.cmpi ne, %convert_element_type3A_101, %cond3A_102 : i32
      scf.if %cond3A_103 {
        "tpu.region"() ({
          %run_scoped3A_110 = tpu.sem_alloc : memref<!tpu.dma_semaphore, #tpu.memory_space<semaphore_mem>>
          %dma_start3A_111 = arith.constant 0 : i32
          %dma_start3A_112 = arith.constant 0 : i32
          %dma_start3A_113 = tpu.memref_slice %arg11[%rem3A_67, %dma_start3A_111, %dma_start3A_112] : memref<2x128x128xf32, #tpu.memory_space<vmem>> -> memref<1x128x128xf32, #tpu.memory_space<vmem>>
          %dma_start3A_114 = tpu.memref_squeeze %dma_start3A_113 : memref<1x128x128xf32, #tpu.memory_space<vmem>> -> memref<128x128xf32, #tpu.memory_space<vmem>>
          %dma_start3A_115 = arith.constant 0 : i32
          %dma_start3A_116 = tpu.memref_slice %arg8[%scan3A_66, %dma_start3A_115] : memref<8x128xi32, #tpu.memory_space<vmem>> -> memref<1x128xi32, #tpu.memory_space<vmem>>
          %dma_start3A_117 = tpu.memref_squeeze %dma_start3A_116 : memref<1x128xi32, #tpu.memory_space<vmem>> -> memref<128xi32, #tpu.memory_space<vmem>>
          %dma_start3A_118 = arith.constant 0 : i32
          %dma_start3A_119 = arith.constant 0 : i32
          %dma_start3A_120 = tpu.memref_slice %arg13[%dma_start3A_118, %dma_start3A_119] : memref<17x128xf32, #tpu.memory_space<vmem_shared>> -> memref<17x128xf32, #tpu.memory_space<vmem_shared>>
          tpu.enqueue_indirect_dma source(%dma_start3A_114 : memref<128x128xf32, #tpu.memory_space<vmem>>) target(%dma_start3A_120 : memref<17x128xf32, #tpu.memory_space<vmem_shared>>) offsets(%dma_start3A_117 : memref<128xi32, #tpu.memory_space<vmem>>) semaphore(%run_scoped3A_110 : memref<!tpu.dma_semaphore, #tpu.memory_space<semaphore_mem>>) {add = true}
          %dma_wait3A_121 = arith.constant 0 : i32
          %dma_wait3A_122 = arith.constant 0 : i32
          %dma_wait3A_123 = tpu.memref_slice %arg11[%rem3A_67, %dma_wait3A_121, %dma_wait3A_122] : memref<2x128x128xf32, #tpu.memory_space<vmem>> -> memref<1x128x128xf32, #tpu.memory_space<vmem>>
          %dma_wait3A_124 = tpu.memref_squeeze %dma_wait3A_123 : memref<1x128x128xf32, #tpu.memory_space<vmem>> -> memref<128x128xf32, #tpu.memory_space<vmem>>
          %dma_wait3A_125 = arith.constant 0 : i32
          %dma_wait3A_126 = tpu.memref_slice %arg8[%scan3A_66, %dma_wait3A_125] : memref<8x128xi32, #tpu.memory_space<vmem>> -> memref<1x128xi32, #tpu.memory_space<vmem>>
          %dma_wait3A_127 = tpu.memref_squeeze %dma_wait3A_126 : memref<1x128xi32, #tpu.memory_space<vmem>> -> memref<128xi32, #tpu.memory_space<vmem>>
          %dma_wait3A_128 = arith.constant 0 : i32
          %dma_wait3A_129 = arith.constant 0 : i32
          %dma_wait3A_130 = tpu.memref_slice %arg13[%dma_wait3A_128, %dma_wait3A_129] : memref<17x128xf32, #tpu.memory_space<vmem_shared>> -> memref<17x128xf32, #tpu.memory_space<vmem_shared>>
          tpu.wait_indirect_dma semaphore(%run_scoped3A_110 : memref<!tpu.dma_semaphore, #tpu.memory_space<semaphore_mem>>) src(%dma_wait3A_124 : memref<128x128xf32, #tpu.memory_space<vmem>>) dst(%dma_wait3A_130 : memref<17x128xf32, #tpu.memory_space<vmem_shared>>)
          tpu.yield
        }) : () -> ()
      } else {
      }
      %add3A_104 = arith.constant 2 : i32
      %add3A_105 = arith.addi %scan3A_66, %add3A_104 : i32
      %lt3A = arith.constant 8 : i32
      %lt3A_106 = arith.cmpi slt, %add3A_105, %lt3A : i32
      %convert_element_type3A_107 = arith.extui %lt3A_106 : i1 to i32
      %cond3A_108 = arith.constant 0 : i32
      %cond3A_109 = arith.cmpi ne, %convert_element_type3A_107, %cond3A_108 : i32
      scf.if %cond3A_109 {
        %add3A_110 = arith.constant 2 : i32
        %add3A_111 = arith.addi %scan3A_66, %add3A_110 : i32
        %mul3A_112 = arith.constant 128 : i32
        %mul3A_113 = arith.muli %add3A_111, %mul3A_112 : i32
        %add3A_114 = arith.addi %mul3A_2, %mul3A_113 : i32
        %dma_start3A_115 = arith.constant 0 : i32
        %dma_start3A_116 = arith.constant 0 : i32
        %dma_start3A_117 = tpu.memref_slice %arg11[%rem3A_67, %dma_start3A_115, %dma_start3A_116] : memref<2x128x128xf32, #tpu.memory_space<vmem>> -> memref<1x128x128xf32, #tpu.memory_space<vmem>>
        %dma_start3A_118 = tpu.memref_squeeze %dma_start3A_117 : memref<1x128x128xf32, #tpu.memory_space<vmem>> -> memref<128x128xf32, #tpu.memory_space<vmem>>
        %dma_start3A_119 = arith.constant 0 : i32
        %dma_start3A_120 = tpu.memref_slice %arg2[%add3A_114, %dma_start3A_119] : memref<32768x128xf32, #tpu.memory_space<hbm>> -> memref<128x128xf32, #tpu.memory_space<hbm>>
        %dma_start3A_121 = arith.constant 0 : i32
        %dma_start3A_122 = arith.constant 0 : i32
        %dma_start3A_123 = tpu.memref_slice %arg11[%rem3A_67, %dma_start3A_121, %dma_start3A_122] : memref<2x128x128xf32, #tpu.memory_space<vmem>> -> memref<1x128x128xf32, #tpu.memory_space<vmem>>
        %dma_start3A_124 = tpu.memref_squeeze %dma_start3A_123 : memref<1x128x128xf32, #tpu.memory_space<vmem>> -> memref<128x128xf32, #tpu.memory_space<vmem>>
        %dma_start3A_125 = arith.constant 0 : i32
        %dma_start3A_126 = tpu.memref_slice %arg2[%add3A_114, %dma_start3A_125] : memref<32768x128xf32, #tpu.memory_space<hbm>> -> memref<128x128xf32, #tpu.memory_space<hbm>>
        tpu.enqueue_dma source(%dma_start3A_126 : memref<128x128xf32, #tpu.memory_space<hbm>>) target(%dma_start3A_124 : memref<128x128xf32, #tpu.memory_space<vmem>>) target_semaphore(%arg14 : memref<!tpu.dma_semaphore, #tpu.memory_space<semaphore_mem>>)
      } else {
      }
    }
    %scan3A_59 = arith.constant 8 : i32
    %run_scoped3A = arith.constant 0 : i32
    "tpu.region"() ({
      %run_scoped3A_66 = tpu.sem_alloc : memref<!tpu.dma_semaphore, #tpu.memory_space<semaphore_mem>>
      %dma_start3A_67 = arith.constant 0 : i32
      %dma_start3A_68 = tpu.memref_slice %arg9[%run_scoped3A, %dma_start3A_67] : memref<1x16xi32, #tpu.memory_space<vmem>> -> memref<1x16xi32, #tpu.memory_space<vmem>>
      %dma_start3A_69 = tpu.memref_squeeze %dma_start3A_68 : memref<1x16xi32, #tpu.memory_space<vmem>> -> memref<16xi32, #tpu.memory_space<vmem>>
      %dma_start3A_70 = arith.constant 0 : i32
      %dma_start3A_71 = arith.constant 0 : i32
      %dma_start3A_72 = tpu.memref_slice %arg13[%dma_start3A_70, %dma_start3A_71] : memref<17x128xf32, #tpu.memory_space<vmem_shared>> -> memref<17x128xf32, #tpu.memory_space<vmem_shared>>
      tpu.enqueue_indirect_dma source(%arg10 : memref<16x128xf32, #tpu.memory_space<vmem>>) target(%dma_start3A_72 : memref<17x128xf32, #tpu.memory_space<vmem_shared>>) offsets(%dma_start3A_69 : memref<16xi32, #tpu.memory_space<vmem>>) semaphore(%run_scoped3A_66 : memref<!tpu.dma_semaphore, #tpu.memory_space<semaphore_mem>>) {add = true}
      %dma_wait3A = arith.constant 0 : i32
      %dma_wait3A_73 = tpu.memref_slice %arg9[%run_scoped3A, %dma_wait3A] : memref<1x16xi32, #tpu.memory_space<vmem>> -> memref<1x16xi32, #tpu.memory_space<vmem>>
      %dma_wait3A_74 = tpu.memref_squeeze %dma_wait3A_73 : memref<1x16xi32, #tpu.memory_space<vmem>> -> memref<16xi32, #tpu.memory_space<vmem>>
      %dma_wait3A_75 = arith.constant 0 : i32
      %dma_wait3A_76 = arith.constant 0 : i32
      %dma_wait3A_77 = tpu.memref_slice %arg13[%dma_wait3A_75, %dma_wait3A_76] : memref<17x128xf32, #tpu.memory_space<vmem_shared>> -> memref<17x128xf32, #tpu.memory_space<vmem_shared>>
      tpu.wait_indirect_dma semaphore(%run_scoped3A_66 : memref<!tpu.dma_semaphore, #tpu.memory_space<semaphore_mem>>) src(%arg10 : memref<16x128xf32, #tpu.memory_space<vmem>>) dst(%dma_wait3A_77 : memref<17x128xf32, #tpu.memory_space<vmem_shared>>)
      tpu.yield
    }) : () -> ()
    %barrier3A_60 = arith.constant 0 : index
    tpu.barrier barrier_id(%barrier3A_60)
    %eq3A_61 = arith.constant 0 : i32
    %eq3A_62 = arith.cmpi eq, %arg1, %eq3A_61 : i32
    %convert_element_type3A_63 = arith.extui %eq3A_62 : i1 to i32
    %cond3A_64 = arith.constant 0 : i32
    %cond3A_65 = arith.cmpi ne, %convert_element_type3A_63, %cond3A_64 : i32
    scf.if %cond3A_65 {
      "tpu.region"() ({
        %run_scoped3A_66 = tpu.sem_alloc : memref<!tpu.dma_semaphore, #tpu.memory_space<semaphore_mem>>
        %dma_start3A_67 = arith.constant 0 : i32
        %dma_start3A_68 = arith.constant 0 : i32
        %dma_start3A_69 = tpu.memref_slice %arg5[%arg0, %dma_start3A_67, %dma_start3A_68] : memref<2x17x128xf32, #tpu.memory_space<hbm>> -> memref<1x17x128xf32, #tpu.memory_space<hbm>>
        %dma_start3A_70 = tpu.memref_squeeze %dma_start3A_69 : memref<1x17x128xf32, #tpu.memory_space<hbm>> -> memref<17x128xf32, #tpu.memory_space<hbm>>
        tpu.enqueue_dma source(%arg13 : memref<17x128xf32, #tpu.memory_space<vmem_shared>>) target(%dma_start3A_70 : memref<17x128xf32, #tpu.memory_space<hbm>>) target_semaphore(%run_scoped3A_66 : memref<!tpu.dma_semaphore, #tpu.memory_space<semaphore_mem>>)
        %dma_wait3A = arith.constant 0 : i32
        %dma_wait3A_71 = arith.constant 0 : i32
        %dma_wait3A_72 = tpu.memref_slice %arg5[%arg0, %dma_wait3A, %dma_wait3A_71] : memref<2x17x128xf32, #tpu.memory_space<hbm>> -> memref<1x17x128xf32, #tpu.memory_space<hbm>>
        %dma_wait3A_73 = tpu.memref_squeeze %dma_wait3A_72 : memref<1x17x128xf32, #tpu.memory_space<hbm>> -> memref<17x128xf32, #tpu.memory_space<hbm>>
        tpu.wait_dma2 semaphore(%run_scoped3A_66 : memref<!tpu.dma_semaphore, #tpu.memory_space<semaphore_mem>>) src(%arg13 : memref<17x128xf32, #tpu.memory_space<vmem_shared>>) dst(%dma_wait3A_73 : memref<17x128xf32, #tpu.memory_space<hbm>>)
        tpu.yield
      }) : () -> ()
    } else {
    }
    return
  }
}

module attributes {stable_mosaic.version = 14 : i64} {
  func.func @_combine_body(%arg0: memref<2x17x128xf32, #tpu.memory_space<vmem>>, %arg1: memref<16x2xf32, #tpu.memory_space<vmem>>, %arg2: memref<128x2xf32, #tpu.memory_space<vmem>>, %arg3: memref<16x2xf32, #tpu.memory_space<vmem>>) attributes {dimension_semantics = [], scalar_prefetch = 0 : i64, scratch_operands = 0 : i64, tpu.core_type = #tpu.core_type<tc>} {
    %get3A = arith.constant 0 : index
    %get3A_0 = arith.constant 0 : index
    %get3A_1 = arith.constant 0 : index
    %get3A_2 = vector.load %arg0[%get3A, %get3A_0, %get3A_1] : memref<2x17x128xf32, #tpu.memory_space<vmem>>, vector<1x16x128xf32>
    %get3A_3 = vector.shape_cast %get3A_2 : vector<1x16x128xf32> to vector<16x128xf32>
    %get3A_4 = arith.constant 1 : index
    %get3A_5 = arith.constant 0 : index
    %get3A_6 = arith.constant 0 : index
    %get3A_7 = vector.load %arg0[%get3A_4, %get3A_5, %get3A_6] : memref<2x17x128xf32, #tpu.memory_space<vmem>>, vector<1x16x128xf32>
    %get3A_8 = vector.shape_cast %get3A_7 : vector<1x16x128xf32> to vector<16x128xf32>
    %add3A = arith.addf %get3A_3, %get3A_8 : vector<16x128xf32>
    %get3A_9 = arith.constant 0 : index
    %get3A_10 = arith.constant 0 : index
    %get3A_11 = vector.load %arg1[%get3A_9, %get3A_10] : memref<16x2xf32, #tpu.memory_space<vmem>>, vector<16x2xf32>
    %get3A_12 = arith.constant 0 : index
    %get3A_13 = arith.constant 0 : index
    %get3A_14 = vector.load %arg2[%get3A_12, %get3A_13] : memref<128x2xf32, #tpu.memory_space<vmem>>, vector<128x2xf32>
    %dot_general3A = arith.constant dense<0.000000e+00> : vector<16x2xf32>
    %dot_general3A_15 = tpu.matmul %add3A, %get3A_14, %dot_general3A {dimension_numbers = #tpu.dot_dimension_numbers<[1], [0], [0], [1], [0, 0, 1, 1], [], []>, transpose_lhs_hint = false} : vector<16x128xf32>, vector<128x2xf32>, vector<16x2xf32> -> vector<16x2xf32>
    %add3A_16 = arith.addf %get3A_11, %dot_general3A_15 : vector<16x2xf32>
    %swap3A = arith.constant 0 : index
    %swap3A_17 = arith.constant 0 : index
    %swap3A_18 = vector.load %arg3[%swap3A, %swap3A_17] : memref<16x2xf32, #tpu.memory_space<vmem>>, vector<16x2xf32>
    tpu.vector_store %arg3[%swap3A, %swap3A_17], %add3A_16 {strides = array<i32>} : memref<16x2xf32, #tpu.memory_space<vmem>>, vector<16x2xf32>,
    return
  }
}

module attributes {stable_mosaic.version = 14 : i64} {
  func.func @_stats_body(%arg0: memref<256x128xi32, #tpu.memory_space<vmem>>, %arg1: memref<256x128xi32, #tpu.memory_space<vmem>>, %arg2: memref<256x128xf32, #tpu.memory_space<vmem>>, %arg3: memref<16x32xf32, #tpu.memory_space<vmem>>, %arg4: memref<32x2xf32, #tpu.memory_space<vmem>>, %arg5: memref<3x2xf32, #tpu.memory_space<vmem>>, %arg6: memref<1x2xf32, #tpu.memory_space<vmem>>, %arg7: memref<16x2xf32, #tpu.memory_space<vmem>>) attributes {dimension_semantics = [], scalar_prefetch = 0 : i64, scratch_operands = 0 : i64, tpu.core_type = #tpu.core_type<tc>} {
    %get3A = arith.constant 0 : index
    %get3A_0 = arith.constant 0 : index
    %get3A_1 = vector.load %arg0[%get3A, %get3A_0] : memref<256x128xi32, #tpu.memory_space<vmem>>, vector<256x128xi32>
    %get3A_2 = arith.constant 0 : index
    %get3A_3 = arith.constant 0 : index
    %get3A_4 = vector.load %arg1[%get3A_2, %get3A_3] : memref<256x128xi32, #tpu.memory_space<vmem>>, vector<256x128xi32>
    %get3A_5 = arith.constant 0 : index
    %get3A_6 = arith.constant 0 : index
    %get3A_7 = vector.load %arg2[%get3A_5, %get3A_6] : memref<256x128xf32, #tpu.memory_space<vmem>>, vector<256x128xf32>
    %iota3A = tpu.iota {dimensions = array<i32: 0>} : vector<16x256x128xi32>
    %broadcast_in_dim3A = vector.shape_cast %get3A_1 : vector<256x128xi32> to vector<1x256x128xi32>
    %eq3A = vector.broadcast %broadcast_in_dim3A : vector<1x256x128xi32> to vector<16x256x128xi32>
    %eq3A_8 = arith.cmpi eq, %eq3A, %iota3A : vector<16x256x128xi32>
    %convert_element_type3A = arith.extui %eq3A_8 : vector<16x256x128xi1> to vector<16x256x128xi32>
    %convert_element_type3A_9 = arith.sitofp %convert_element_type3A : vector<16x256x128xi32> to vector<16x256x128xf32>
    %reduce_sum3A = arith.constant dense<0.000000e+00> : vector<16xf32>
    %reduce_sum3A_10 = vector.multi_reduction <add>, %convert_element_type3A_9, %reduce_sum3A [1, 2] : vector<16x256x128xf32> to vector<16xf32>
    %broadcast_in_dim3A_11 = vector.shape_cast %get3A_4 : vector<256x128xi32> to vector<1x256x128xi32>
    %eq3A_12 = arith.constant 1 : i32
    %eq3A_13 = vector.broadcast %eq3A_12 : i32 to vector<1x256x128xi32>
    %eq3A_14 = arith.cmpi eq, %broadcast_in_dim3A_11, %eq3A_13 : vector<1x256x128xi32>
    %and3A = vector.broadcast %eq3A_14 : vector<1x256x128xi1> to vector<16x256x128xi1>
    %and3A_15 = arith.andi %eq3A_8, %and3A : vector<16x256x128xi1>
    %jit3A = arith.constant 1.000000e+00 : f32
    %jit3A_16 = arith.constant 0.000000e+00 : f32
    %broadcast_in_dim3A_17 = vector.broadcast %jit3A : f32 to vector<16x256x128xf32>
    %broadcast_in_dim3A_18 = vector.broadcast %jit3A_16 : f32 to vector<16x256x128xf32>
    %select_n3A = arith.select %and3A_15, %broadcast_in_dim3A_17, %broadcast_in_dim3A_18 : vector<16x256x128xi1>, vector<16x256x128xf32>
    %reduce_sum3A_19 = arith.constant dense<0.000000e+00> : vector<16xf32>
    %reduce_sum3A_20 = vector.multi_reduction <add>, %select_n3A, %reduce_sum3A_19 [1, 2] : vector<16x256x128xf32> to vector<16xf32>
    %broadcast_in_dim3A_21 = vector.shape_cast %get3A_7 : vector<256x128xf32> to vector<1x256x128xf32>
    %jit3A_22 = arith.constant 0xFF800000 : f32
    %broadcast_in_dim3A_23 = vector.shape_cast %broadcast_in_dim3A_21 : vector<1x256x128xf32> to vector<1x256x128xf32>
    %broadcast_in_dim3A_24 = vector.broadcast %broadcast_in_dim3A_23 : vector<1x256x128xf32> to vector<16x256x128xf32>
    %broadcast_in_dim3A_25 = vector.broadcast %jit3A_22 : f32 to vector<16x256x128xf32>
    %select_n3A_26 = arith.select %eq3A_8, %broadcast_in_dim3A_24, %broadcast_in_dim3A_25 : vector<16x256x128xi1>, vector<16x256x128xf32>
    %reduce_max3A = arith.constant dense<0xFF800000> : vector<16xf32>
    %reduce_max3A_27 = vector.multi_reduction <maximumf>, %select_n3A_26, %reduce_max3A [1, 2] : vector<16x256x128xf32> to vector<16xf32>
    %get3A_28 = arith.constant 0 : index
    %get3A_29 = arith.constant 0 : index
    %get3A_30 = vector.load %arg3[%get3A_28, %get3A_29] : memref<16x32xf32, #tpu.memory_space<vmem>>, vector<16x32xf32>
    %get3A_31 = arith.constant 0 : index
    %get3A_32 = arith.constant 0 : index
    %get3A_33 = vector.load %arg4[%get3A_31, %get3A_32] : memref<32x2xf32, #tpu.memory_space<vmem>>, vector<32x2xf32>
    %dot_general3A = arith.constant dense<0.000000e+00> : vector<16x2xf32>
    %dot_general3A_34 = tpu.matmul %get3A_30, %get3A_33, %dot_general3A {dimension_numbers = #tpu.dot_dimension_numbers<[1], [0], [0], [1], [0, 0, 1, 1], [], []>, transpose_lhs_hint = false} : vector<16x32xf32>, vector<32x2xf32>, vector<16x2xf32> -> vector<16x2xf32>
    %broadcast_in_dim3A_35 = vector.shape_cast %reduce_max3A_27 : vector<16xf32> to vector<16x1xf32>
    %get3A_36 = arith.constant 0 : index
    %get3A_37 = arith.constant 0 : index
    %get3A_38 = vector.load %arg5[%get3A_36, %get3A_37] : memref<3x2xf32, #tpu.memory_space<vmem>>, vector<1x2xf32>
    %get3A_39 = vector.shape_cast %get3A_38 : vector<1x2xf32> to vector<2xf32>
    %broadcast_in_dim3A_40 = vector.shape_cast %get3A_39 : vector<2xf32> to vector<1x2xf32>
    %mul3A = vector.broadcast %broadcast_in_dim3A_35 : vector<16x1xf32> to vector<16x2xf32>
    %mul3A_41 = vector.broadcast %broadcast_in_dim3A_40 : vector<1x2xf32> to vector<16x2xf32>
    %mul3A_42 = arith.mulf %mul3A, %mul3A_41 : vector<16x2xf32>
    %add3A = arith.addf %dot_general3A_34, %mul3A_42 : vector<16x2xf32>
    %broadcast_in_dim3A_43 = vector.shape_cast %reduce_sum3A_20 : vector<16xf32> to vector<16x1xf32>
    %get3A_44 = arith.constant 1 : index
    %get3A_45 = arith.constant 0 : index
    %get3A_46 = vector.load %arg5[%get3A_44, %get3A_45] : memref<3x2xf32, #tpu.memory_space<vmem>>, vector<1x2xf32>
    %get3A_47 = vector.shape_cast %get3A_46 : vector<1x2xf32> to vector<2xf32>
    %broadcast_in_dim3A_48 = vector.shape_cast %get3A_47 : vector<2xf32> to vector<1x2xf32>
    %mul3A_49 = vector.broadcast %broadcast_in_dim3A_43 : vector<16x1xf32> to vector<16x2xf32>
    %mul3A_50 = vector.broadcast %broadcast_in_dim3A_48 : vector<1x2xf32> to vector<16x2xf32>
    %mul3A_51 = arith.mulf %mul3A_49, %mul3A_50 : vector<16x2xf32>
    %add3A_52 = arith.addf %add3A, %mul3A_51 : vector<16x2xf32>
    %broadcast_in_dim3A_53 = vector.shape_cast %reduce_sum3A_10 : vector<16xf32> to vector<16x1xf32>
    %get3A_54 = arith.constant 2 : index
    %get3A_55 = arith.constant 0 : index
    %get3A_56 = vector.load %arg5[%get3A_54, %get3A_55] : memref<3x2xf32, #tpu.memory_space<vmem>>, vector<1x2xf32>
    %get3A_57 = vector.shape_cast %get3A_56 : vector<1x2xf32> to vector<2xf32>
    %broadcast_in_dim3A_58 = vector.shape_cast %get3A_57 : vector<2xf32> to vector<1x2xf32>
    %mul3A_59 = vector.broadcast %broadcast_in_dim3A_53 : vector<16x1xf32> to vector<16x2xf32>
    %mul3A_60 = vector.broadcast %broadcast_in_dim3A_58 : vector<1x2xf32> to vector<16x2xf32>
    %mul3A_61 = arith.mulf %mul3A_59, %mul3A_60 : vector<16x2xf32>
    %add3A_62 = arith.addf %add3A_52, %mul3A_61 : vector<16x2xf32>
    %get3A_63 = arith.constant 0 : index
    %get3A_64 = arith.constant 0 : index
    %get3A_65 = vector.load %arg6[%get3A_63, %get3A_64] : memref<1x2xf32, #tpu.memory_space<vmem>>, vector<1x2xf32>
    %get3A_66 = vector.shape_cast %get3A_65 : vector<1x2xf32> to vector<2xf32>
    %broadcast_in_dim3A_67 = vector.shape_cast %get3A_66 : vector<2xf32> to vector<1x2xf32>
    %add3A_68 = vector.broadcast %broadcast_in_dim3A_67 : vector<1x2xf32> to vector<16x2xf32>
    %add3A_69 = arith.addf %add3A_62, %add3A_68 : vector<16x2xf32>
    %swap3A = arith.constant 0 : index
    %swap3A_70 = arith.constant 0 : index
    %swap3A_71 = vector.load %arg7[%swap3A, %swap3A_70] : memref<16x2xf32, #tpu.memory_space<vmem>>, vector<16x2xf32>
    tpu.vector_store %arg7[%swap3A, %swap3A_70], %add3A_69 {strides = array<i32>} : memref<16x2xf32, #tpu.memory_space<vmem>>, vector<16x2xf32>,
    return
  }
}

</mosaic_0001>

<sc_bundles>
// kernel: kernel.5.cloned.1.call-start
scs
__scs_entry_jumppad:
0x0: {  	(pc) =	sbr.rel $0x88, $3  }
0x1: {  	(tag) =	ssettag $0x0;
	lr =	simm.s32 $0x1  }
0x2: {  	[smem:$0x3F9A] =	sst lr;
	_ =	strace $0xD0000000  }
0x3: {  	_ = 	snop  }
0x4: {  	_ = 	snop  }
0x5: {  	_ = 	snop  }
0x6: {  	_ = 	snop  }
0x7: {  	_ = 	snop  }
__scs_overlays_trampoline_lowered:
0x8: {  	[smem:$0x3FA9] =	sst s0  }
0x9: {  	[smem:$0x3FAA] =	sst s1  }
0xa: {  	[smem:$0x3FAB] =	sst s2  }
0xb: {  	[smem:$0x3FAC] =	sst s3  }
0xc: {  	[smem:$0x3FAD] =	sst s4  }
0xd: {  	[smem:$0x3FAE] =	sst s5  }
0xe: {  	[smem:$0x3FAF] =	sst s6  }
0xf: {  	[smem:$0x3FB0] =	sst s7  }
0x10: {  	[smem:$0x3FB1] =	sst s8  }
0x11: {  	[smem:$0x3FB2] =	sst s9;
	s0 =	simm.s32 @!p0 $0x0  }
0x12: {  	s1 =	sld [smem:$0x3F98];
	s0 =	simm.s32 @p0 $0x1  }
0x13: {  	[smem:$0x3FB3] =	sst s0;
	s0 =	simm.s32 @!p1 $0x0  }
0x14: {  	s2 =	sld [smem:$0x3F97];
	s0 =	simm.s32 @p1 $0x1  }
0x15: {  	[smem:$0x3FB4] =	sst s0;
	s0 =	simm.s32 @!p2 $0x0  }
0x16: {  	s3 =	sld [smem:$0x3FDB];
	s0 =	simm.s32 @p2 $0x1  }
0x17: {  	s4 =	simm.s32 $0x1BF5;
	[smem:$0x3FB6] =	sst s0  }
0x18: {  	s0 =	sld [smem:$0x3F99];
	_ =	swait.ge [sflag:s4], $0x0  }
0x19: {  	s7 =	sld [smem:$0x3F9A]  }
0x1a: {  	s8 =	sadd.s32 $0xFFFFE003, lr  }
0x1b: {  	s9 =	sadd.s32 $0xFFFFFEF7, lr;
	s5 =	simm.s32 $0xFFFFFFFF;
	p2 =	slt.u32 s8, $0xFFFFF086  }
0x1c: {  	p1 =	slt.u32 s9, $0xF7A;
	s5 =	simm.s32 @!p2 $0x0  }
0x1d: {  	s5 =	simm.s32 @p1 $0x1;
	p0 =	seq.s32 s7, s2  }
0x1e: {  	s7 =	smul.u32 @!p0 $0xF7A, s2;
	p2 =	seq.s32 @!p0 s5, $0x0  }
0x1f: {  	s9 =	smul.u32 $0xF7A, s1;
	s8 =	simm.s32 @!p0 $0x1BF5;
	p2 =	por !p2, p0  }
0x20: {  	[sflag:s8] =	ssyncset.s32 @!p0 $0xFFFFF086;
	s6 =	sadd.s32 @!p0 s3, s7;
	s7 =	simm.s32 @!p0 $0x108  }
0x21: {  	s3 =	sadd.s32 s3, s9;
	s6 =	sadd.s32 @!p0 $0x88, s6;
	s7 =	simm.s32 @p2 $0x1082  }
0x22: {  	[simem:s7], [sflag:s8] =	dma.local @!p0 [hbm:s6], $0xF7A  }
0x23: {  	s9 =	sor.u32 $0xD0000000, s2;
	s6 =	simm.s32 $0x108;
	_ =	swait.ge @!p0 [sflag:s8], $0x0  }
0x24: {  	s3 =	sadd.s32 $0x88, s3;
	s6 =	simm.s32 @!p1 $0x1082;
	[sflag:s4] =	ssyncset.s32 $0xFFFFF086  }
0x25: {  	[simem:s6], [sflag:s4] =	dma.local [hbm:s3], $0xF7A  }
0x26: {  	[smem:$0x3F9A] =	sst s1;
	(tag) =	ssettag s2;
	_ =	strace s9  }
0x27: {  	s1 =	sld [smem:$0x3FAA]  }
0x28: {  	s2 =	sld [smem:$0x3FAB]  }
0x29: {  	s4 =	sld [smem:$0x3FAD]  }
0x2a: {  	p0 =	seq.s32 s5, $0x0;
	s5 =	sld [smem:$0x3FAE]  }
0x2b: {  	s6 =	sld [smem:$0x3FAF]  }
0x2c: {  	s7 =	sld [smem:$0x3FB0]  }
0x2d: {  	s3 =	simm.s32 $0x108;
	s8 =	sld [smem:$0x3FB1]  }
0x2e: {  	s3 =	simm.s32 @!p0 $0x1082;
	s9 =	sld [smem:$0x3FB2]  }
0x2f: {  	lr =	sadd.s32 s0, s3;
	s0 =	sld [smem:$0x3FA9]  }
0x30: {  	s3 =	sld [smem:$0x3FAC]  }
0x31: {  	[smem:$0x3FB5] =	sst s10  }
0x32: {  	s10 =	sld [smem:$0x3FB3];
	_ =	sdelay $0x3  }
0x33: {  	p0 =	seq.s32 s10, $0x1;
	s10 =	sld [smem:$0x3FB5];
	_ =	sdelay $0x3  }
0x34: {  	[smem:$0x3FB5] =	sst s10  }
0x35: {  	s10 =	sld [smem:$0x3FB4];
	_ =	sdelay $0x3  }
0x36: {  	p1 =	seq.s32 s10, $0x1;
	s10 =	sld [smem:$0x3FB5];
	_ =	sdelay $0x3  }
0x37: {  	[smem:$0x3FB5] =	sst s10  }
0x38: {  	s10 =	sld [smem:$0x3FB6]  }
0x39: {  	_ = 	snop;
	(pc) =	sbr.ind lr, $3  }
0x3a: {  	_ = 	snop  }
0x3b: {  	_ = 	snop  }
0x3c: {  	p2 =	seq.s32 s10, $0x1;
	s10 =	sld [smem:$0x3FB5]  }
0x3d: {  	_ =	shalt  }
0x3e: {  	_ =	shalt  }
0x3f: {  	_ =	shalt  }
0x40: {  	_ =	shalt  }
0x41: {  	_ =	shalt  }
0x42: {  	_ =	shalt  }
0x43: {  	_ =	shalt  }
0x44: {  	_ =	shalt  }
0x45: {  	_ =	shalt  }
0x46: {  	_ =	shalt  }
0x47: {  	_ =	shalt  }
0x48: {  	_ =	shalt  }
0x49: {  	_ =	shalt  }
0x4a: {  	_ =	shalt  }
0x4b: {  	_ =	shalt  }
0x4c: {  	_ =	shalt  }
0x4d: {  	_ =	shalt  }
0x4e: {  	_ =	shalt  }
0x4f: {  	_ =	shalt  }
0x50: {  	_ =	shalt  }
0x51: {  	_ =	shalt  }
0x52: {  	_ =	shalt  }
0x53: {  	_ =	shalt  }
0x54: {  	_ =	shalt  }
0x55: {  	_ =	shalt  }
0x56: {  	_ =	shalt  }
0x57: {  	_ =	shalt  }
0x58: {  	_ =	shalt  }
0x59: {  	_ =	shalt  }
0x5a: {  	_ =	shalt  }
0x5b: {  	_ =	shalt  }
0x5c: {  	_ =	shalt  }
0x5d: {  	_ =	shalt  }
0x5e: {  	_ =	shalt  }
0x5f: {  	_ =	shalt  }
0x60: {  	_ =	shalt  }
0x61: {  	_ =	shalt  }
0x62: {  	_ =	shalt  }
0x63: {  	_ =	shalt  }
0x64: {  	_ =	shalt  }
0x65: {  	_ =	shalt  }
0x66: {  	_ =	shalt  }
0x67: {  	_ =	shalt  }
0x68: {  	_ =	shalt  }
0x69: {  	_ =	shalt  }
0x6a: {  	_ =	shalt  }
0x6b: {  	_ =	shalt  }
0x6c: {  	_ =	shalt  }
0x6d: {  	_ =	shalt  }
0x6e: {  	_ =	shalt  }
0x6f: {  	_ =	shalt  }
0x70: {  	_ =	shalt  }
0x71: {  	_ =	shalt  }
0x72: {  	_ =	shalt  }
0x73: {  	_ =	shalt  }
0x74: {  	_ =	shalt  }
0x75: {  	_ =	shalt  }
0x76: {  	_ =	shalt  }
0x77: {  	_ =	shalt  }
0x78: {  	_ =	shalt  }
0x79: {  	_ =	shalt  }
0x7a: {  	_ =	shalt  }
0x7b: {  	_ =	shalt  }
0x7c: {  	_ =	shalt  }
0x7d: {  	_ =	shalt  }
0x7e: {  	_ =	shalt  }
0x7f: {  	_ =	shalt  }
0x80: {  	_ =	shalt  }
0x81: {  	_ =	shalt  }
0x82: {  	_ =	shalt  }
0x83: {  	_ =	shalt  }
0x84: {  	_ =	shalt  }
0x85: {  	_ =	shalt  }
0x86: {  	_ =	shalt  }
0x87: {  	_ =	shalt  }
.Lfunc_end0:
.L_simem_size_0:
called_computation_lowered:
.L_overlay_start_0:
0x88: {  	s2 =	sld [smem:$0x3FD9]  }
0x89: {  	s3 =	sld [smem:$0x3FFE];
	_ =	sdelay $0x1  }
0x8a: {  	s1 =	srdreg.scid  }
0x8b: {  	s0 =	sand.u32 $0x1, s1  }
0x8c: {  	s17 =	sshll.u32 s0, $0xA;
	s2 =	sadd.s32 s3, s2  }
0x8d: {  	s2 =	sadd.s32 s2, s17  }
0x8e: {  	[smem:$0x3FC1] =	sst s2  }
0x8f: {  	_ = 	snop  }
0x90: {  	s2 =	sld [smem:$0x3FC9]  }
0x91: {  	s18 =	sld [smem:$0x3FC8]  }
0x92: {  	s4 =	sld [smem:$0x3FC7];
	(tm) =	ssettm $0x1  }
0x93: {  	s5 =	sld [smem:$0x3FFB];
	_ =	sdelay $0x3  }
0x94: {  	_ =	strace s5  }
0x95: {  	s5 =	sld [smem:$0x3FFC];
	_ =	sdelay $0x3  }
0x96: {  	_ =	strace s5  }
0x97: {  	s5 =	sld [smem:$0x3FFD];
	_ =	sdelay $0x3  }
0x98: {  	_ =	strace s5  }
0x99: {  	_ =	strace $0x8FFFFFFF  }
0x9a: {  	s19 =	sld [smem:$0x3FDB];
	_ =	sdelay $0x1  }
0x9b: {  	s6 =	simm.s32 $_scs_section_size  }
0x9c: {  	s7 =	simm.s32 $_size__tile_overlayer_lowered;
	s8 =	simm.s32 $_tile_overlayer_lowered  }
0x9d: {  	s22 =	simm.s32 $0x1BFF;
	s21 =	sshll.u32 s8, $0x1;
	s5 =	sadd.s32 s6, s19  }
0x9e: {  	s9 =	simm.s32 $0x0;
	s20 =	sshll.u32 s7, $0x1;
	s7 =	sadd.s32 s21, s5  }
0x9f: {  	[timem:s9], [sflag:s22] =	dma.local [hbm:s7], s20  }
0xa0: {  	_ =	swait.ge [sflag:s22], s20  }
0xa1: {  	s6 =	ssub.s32 $0x0, s20;
	[sflag:s22] =	ssyncset.done $0x0  }
0xa2: {  	[sflag:s22] =	ssyncadd.s32 s6;
	_ =	sdelay $0x1  }
0xa3: {  	s23 =	simm.s32 $0x1B8B  }
0xa4: {  	_ =	swait.ge [sflag:s23], $0x1  }
0xa5: {  	[sflag:s23] =	ssyncset.done $0x0  }
0xa6: {  	s25 =	simm.s32 $0x1B8E;
	s24 =	sld [smem:$0x3FFE];
	[sflag:s23] =	ssyncadd.s32 $0xFFFFFFFF  }
0xa7: {  	s26 =	simm.s32 $execute0_lowered;
	[smem:$0x3FD2] =	sst s25  }
0xa8: {  	s7 =	sshll.u32 s26, $0x1;
	_ =	strace $0x80000046;
	[dreg:$0x1] =	wrdreg $0xFFFFFFFF  }
0xa9: {  	s28 =	simm.s32 $_size_execute0_lowered;
	s5 =	sadd.s32 s5, s7;
	[dreg:$0x0] =	wrdreg $0x0  }
0xaa: {  	s7 =	sshll.u32 s28, $0x1;
	[dreg:$0x2] =	wrdreg s5  }
0xab: {  	[dreg:$0x3] =	wrdreg s7  }
0xac: {  	[dreg:$0x4] =	wrdreg $0xC0  }
0xad: {  	_ =	task [dreg:s9], $0x5FFFF  }
0xae: {  	[dreg:$0x1] =	wrdreg $0xFFFFFFFF  }
0xaf: {  	[dreg:$0x0] =	wrdreg $0x60  }
0xb0: {  	[dreg:$0x2] =	wrdreg s2  }
0xb1: {  	[dreg:$0x3] =	wrdreg s18  }
0xb2: {  	[dreg:$0x4] =	wrdreg s4  }
0xb3: {  	[dreg:$0x5] =	wrdreg s24  }
0xb4: {  	[dreg:$0x6] =	wrdreg $0xA0800  }
0xb5: {  	[dreg:$0x7] =	wrdreg $0x9  }
0xb6: {  	_ =	task.clear_ibuf [dreg:s9], $0x8FFFF;
	_ =	strace $0x90000046  }
0xb7: {  	s29 =	simm.s32 $0x9;
	_ =	strace $0x80000048  }
0xb8: {  	_ =	swait.ge [sflag:s29], $0x1  }
0xb9: {  	[sflag:s29] =	ssyncadd.s32 $0xFFFFFFFF  }
0xba: {  	_ =	strace $0x90000048  }
0xbb: {  	_ =	sfence  }
0xbc: {  	s30 =	sld [smem:$0x0];
	_ =	sdelay $0x2  }
0xbd: {  	s31 =	sshll.u32 s1, $0xD;
	s1 =	sshrl.u32 s1, $0x2  }
0xbe: {  	s3 =	sand.u32 $0x4000, s31;
	s1 =	sadd.s32 s1, s30  }
0xbf: {  	s0 =	sor.u32 s3, s0;
	s1 =	sshll.u32 s1, $0x11  }
0xc0: {  	s0 =	sor.u32 s1, s0  }
0xc1: {  	s0 =	sadd.s32 $0x8F2B, s0  }
0xc2: {  	[sflag:s0] =	ssyncadd.remote.s32 $0x1  }
0xc3: {  	_ =	sfence.sel $0xFFFF  }
0xc4: {  	[dreg:$0x0] =	wrdreg $0xFFFFFFFF;
	(pc) =	sbr.abs _section_cstart, $3  }
0xc5: {  	[dreg:$0x1] =	wrdreg $0xFFFFFFFF  }
0xc6: {  	_ =	task.clear_ibuf [dreg:s9], $0x2FFFF;
	_ =	strace $0x9FFFFFFF  }
0xc7: {  	(tm) =	ssettm $0x7FFFFFFF  }
tec
execute0_lowered:
.L_overlay_start_1:
0x0: {  	(tag) =	ssettag $0x1  }
0x1: {  	s3 =	rddreg [dreg:$0x0]  }
0x2: {  	s4 =	rddreg [dreg:$0x1]  }
0x3: {  	s5 =	rddreg [dreg:$0x2]  }
0x4: {  	s6 =	rddreg [dreg:$0x3]  }
0x5: {  	s1 =	rddreg [dreg:$0x4]  }
0x6: {  	s0 =	rddreg [dreg:$0x5]  }
0x7: {  	s2 =	simm.s32 $0x0;
	s7 =	srdreg.scid;
	s10 =	stileid.u32  }
0x8: {  	s13 =	simm.s32 $0x1480;
	s14 =	simm.s32 $0x5480;
	s15 =	simm.s32 $0x1  }
0x9: {  	s16 =	simm.s32 $0x10;
	s17 =	simm.s32 $0xC00;
	s18 =	simm.s32 $0xC80  }
0xa: {  	s19 =	simm.s32 $0x80;
	s20 =	simm.s32 $0x0;
	[smem:$0x7FF] =	sst s2  }
0xb: {  	s7 =	sand.u32 $0x1, s7;
	s9 =	sshll.u32 s10, $0xB;
	p0 =	sne.s32 s10, $0x0  }
0xc: {  	s10 =	simm.s32 $0x2;
	s8 =	smul.u32 $0x180, s7;
	s11 =	sshll.u32 s7, $0xA  }
0xd: {  	_ =	strace $0x80000047;
	s7 =	ssub.s32 $0x2, s7;
	s9 =	sor.u32 s11, s9  }
.Ltmp0:
0xe: {  	s30 =	sshrl.u32 s7, $0x1;
	s8 =	sadd.s32 s8, s6;
	(pc) =	sbr.rel .LBB2_1-.Ltmp0, $4  }
0xf: {  	s11 =	sshll.u32 s9, $0x4;
	s12 =	ssub.s32 s7, s30;
	s31 =	sshrl.u32 s9, $0x3  }
0x10: {  	s3 =	sadd.s32 s3, s11;
	s4 =	sadd.s32 s4, s31;
	s5 =	sadd.s32 s5, s31  }
0x11: {  	s8 =	sadd.s32 $0x1A00, s8;
	s9 =	smax.u32 s12, $0x1;
	s11 =	simm.s32 $0x400  }
0x12: {  	v0 =	vimm.f32 $0.0e+00;
	s12 =	simm.s32 $0x9480;
	s6 =	sadd.s32 $0x800, s3;
	s7 =	sadd.s32 $0x1000, s3  }
.LBB2_16:
0x13: {  	[spmem:s1] =	stream.indirect.scatter.add.f32 [tilespmem:s18], [sflag:$0x2], $0x80, s17, s16, $0xb8;
	[tilespmem:$0xA108] =	vst v63  }
0x14: {  	_ =	swait.ge [sflag:s10], $0x800  }
0x15: {  	[sflag:s10] =	ssyncset.done $0x0  }
0x16: {  	s21 =	sshrl.u32 @!p0 s1, $0x3;
	s20 =	sadd.s32 $0x1, s20;
	[sflag:s10] =	ssyncadd.s32 $0xFFFFF800  }
0x17: {  	s22 =	simm.s32 @!p0 $0x1C02;
	p1 =	sne.s32 s20, s9;
	[bflag:$0x0] =	sbarrier.arrive $0xFFFF  }
0x18: {  	[hbm:s8], [sflag:s22] =	dma.local @!p0 [spmem:s21], $0x110  }
.Ltmp1:
0x19: {  	_ = 	snop;
	(pc) =	sbr.rel @!p1 .LBB2_17-.Ltmp1, $4  }
0x1a: {  	s21 =	simm.s32 @!p0 $0x2  }
0x1b: {  	_ =	swait.ge @!p0 [sflag:s21], $0x110  }
0x1c: {  	[sflag:s21] =	ssyncset.done @!p0 $0x0  }
0x1d: {  	v0 =	vimm.f32 $0.0e+00;
	[sflag:s21] =	ssyncadd.s32 @!p0 $0xFFFFFEF0  }
.LBB2_1:
0x1e: {  	[tilespmem:s2], [sflag:$0x2] =	stream.linear.gather [hbm4b:s4+s2], $0x400, $0x38;
	[tilespmem:$0xA108] =	vst v63  }
0x1f: {  	_ =	swait.ge [sflag:s10], $0x400  }
0x20: {  	[sflag:s10] =	ssyncset.done $0x0  }
.Ltmp2:
0x21: {  	[sflag:s10] =	ssyncadd.s32 $0xFFFFFC00;
	(pc) =	sbr.rel @p0 .LBB2_5-.Ltmp2, $4  }
0x22: {  	[tilespmem:s11], [sflag:$0x2] =	stream.linear.gather [hbm4b:s5+s2], $0x400, $0x38;
	[tilespmem:$0xA108] =	vst v63  }
0x23: {  	_ =	swait.ge [sflag:s10], $0x400  }
0x24: {  	[sflag:s10] =	ssyncset.done $0x0  }
0x25: {  	[sflag:s10] =	ssyncadd.s32 $0xFFFFFC00  }
0x26: {  	s21 =	sand.u32 $0x3E00, s2  }
0x27: {  	s22 =	sand.u32 $0x70, s2;
	s23 =	sshrl.u32 s21, $0x2  }
0x28: {  	s21 =	simm.s32 $0x40;
	s23 =	sor.u32 s22, s23;
	s22 =	simm.s32 $0x0  }
.LBB2_3:
0x29: {  	p1 =	sne.s32 s21, $0x21C0  }
0x2a: {  	[tilespmem:s23+$0x9480] =	vst v0;
	s22 =	sadd.s32 $0x10, s22;
	s23 =	smov.u32 s21;
	s21 =	sadd.s32 $0x40, s21  }
.Ltmp3:
0x2b: {  	(pc) =	sbr.rel @p1 .LBB2_3-.Ltmp3, $4  }
0x2c: {  	_ = 	snop  }
0x2d: {  	s23 =	sand.u32 $0x3E00, s23  }
0x2e: {  	s24 =	sand.u32 $0x70, s22;
	s23 =	sshrl.u32 s23, $0x2  }
0x2f: {  	s23 =	sor.u32 s24, s23  }
0x30: {  	[tilespmem:s23+$0x9480] =	vst v0  }
0x31: {  	[spmem:s1] =	stream.linear.scatter [tilespmem:s12], [sflag:$0x2], $0x880, $0x38;
	[tilespmem:$0xA108] =	vst v63  }
0x32: {  	_ =	swait.ge [sflag:s10], $0x880  }
0x33: {  	[sflag:s10] =	ssyncset.done $0x0  }
0x34: {  	[sflag:s10] =	ssyncadd.s32 $0xFFFFF780  }
.LBB2_5:
0x35: {  	s21 =	simm.s32 $0x0  }
0x36: {  	v0 =	vld [tilespmem:s21+$0x400]  }
0x37: {  	v1 =	vld [tilespmem:s21+$0x0];
	_ =	sdelay $0x1  }
0x38: {  	s21 =	simm.s32 $0x0  }
0x39: {  	s22 =	sand.u32 $0xE00, s21  }
0x3a: {  	s23 =	sand.u32 $0x70, s21;
	s24 =	sshrl.u32 s22, $0x2;
	vm0 =	veq.s32 v0, $0x1  }
0x3b: {  	s28 =	simm.s32 $0x10;
	s25 =	simm.s32 $0x80;
	s24 =	sor.u32 s23, s24;
	v0 =	vnsel vm0, $0x10, v1  }
0x3c: {  	s26 =	simm.s32 $0x40;
	s22 =	simm.s32 $0x40;
	[tilespmem:s24+$0x800] =	vst v0;
	s24 =	simm.s32 $0x0  }
.LBB2_6:
0x3d: {  	p1 =	sne.s32 s25, $0xFC0;
	v0 =	vld [tilespmem:s28+$0x400]  }
0x3e: {  	v1 =	vld [tilespmem:s28+$0x0];
	_ =	sdelay $0x1  }
.Ltmp4:
0x3f: {  	(pc) =	sbr.rel @p1 .LBB2_6-.Ltmp4, $4  }
0x40: {  	s24 =	sadd.s32 $0x10, s24;
	s28 =	sand.u32 $0xE00, s26;
	s26 =	smov.u32 s25  }
0x41: {  	s29 =	sand.u32 $0x70, s24;
	s28 =	sshrl.u32 s28, $0x2;
	vm0 =	veq.s32 v0, $0x1  }
0x42: {  	s29 =	sor.u32 s29, s28;
	v0 =	vnsel vm0, $0x10, v1  }
0x43: {  	s25 =	sadd.s32 $0x40, s25;
	s28 =	sshra.s32 s26, $0x2;
	[tilespmem:s29+$0x800] =	vst v0  }
0x44: {  	v0 =	vld [tilespmem:s28+$0x400]  }
0x45: {  	v1 =	vld [tilespmem:s28+$0x0];
	_ =	sdelay $0x2  }
0x46: {  	s25 =	sand.u32 $0xE00, s26;
	s24 =	sadd.s32 $0x10, s24  }
0x47: {  	s30 =	sand.u32 $0x1E00, s21;
	s24 =	sand.u32 $0x70, s24;
	s25 =	sshrl.u32 s25, $0x2;
	vm0 =	veq.s32 v0, $0x1  }
0x48: {  	s31 =	sshrl.u32 s30, $0x2;
	s24 =	sor.u32 s24, s25;
	v0 =	vnsel vm0, $0x10, v1  }
0x49: {  	s23 =	sor.u32 s23, s31;
	[tilespmem:s24+$0x800] =	vst v0;
	v0 =	vimm.f32 $0.0e+00  }
.LBB2_8:
0x4a: {  	p1 =	sne.s32 s22, $0x1FC0  }
0x4b: {  	[tilespmem:s23+$0xC80] =	vst v0;
	s21 =	sadd.s32 $0x10, s21;
	s23 =	smov.u32 s22;
	s22 =	sadd.s32 $0x40, s22  }
.Ltmp5:
0x4c: {  	(pc) =	sbr.rel @p1 .LBB2_8-.Ltmp5, $4  }
0x4d: {  	_ = 	snop  }
0x4e: {  	s23 =	sand.u32 $0x1E00, s23  }
0x4f: {  	s24 =	sand.u32 $0x70, s21;
	s23 =	sshrl.u32 s23, $0x2  }
0x50: {  	s23 =	sor.u32 s24, s23  }
0x51: {  	[tilespmem:s23+$0xC80] =	vst v0;
	v63 =	vlaneseq.u32  }
.Ltmp6:
0x52: {  	[tilespmem:$0xC00] =	vst v63;
	(pc) =	sbr.rel .LBB2_10-.Ltmp6, $4  }
0x53: {  	s21 =	simm.s32 $0x0;
	[bflag:$0x0] =	sbarrier.arrive $0xFFFF  }
0x54: {  	[tilespmem:s13], [sflag:$0x1] =	stream.linear.gather [hbm4b:s3+s21], $0x4000, $0x38;
	[tilespmem:$0xA108] =	vst v63  }
0x55: {  	s22 =	simm.s32 $0x400;
	p1 =	por $0x0, $0x0  }
0x56: {  	[tilespmem:s14], [sflag:$0x1] =	stream.linear.gather [hbm4b:s6+s21], $0x4000, $0x38;
	[tilespmem:$0xA108] =	vst v63  }
.LBB2_14:
0x57: {  	s24 =	sadd.s32 $0x800, s25  }
0x58: {  	[spmem:s1] =	stream.indirect.scatter.add.f32 [tilespmem:s23], [sflag:$0x2], $0x80, s24, s19, $0xb8;
	[tilespmem:$0xA108] =	vst v63  }
0x59: {  	_ =	swait.ge [sflag:s10], $0x4000  }
0x5a: {  	[sflag:s10] =	ssyncset.done $0x0  }
0x5b: {  	[sflag:s10] =	ssyncadd.s32 $0xFFFFC000  }
.LBB2_15:
0x5c: {  	p2 =	sgt.u32 s21, $0x5  }
0x5d: {  	s24 =	sshll.u32 @!p2 s21, $0xB  }
0x5e: {  	s25 =	simm.s32 @!p2 $0x0;
	s21 =	sadd.s32 $0x1, s21;
	s24 =	sadd.s32 @!p2 s24, s7  }
0x5f: {  	[tilespmem:s23], [sflag:$0x1] =	stream.linear.gather @!p2 [hbm4b:s24+s25], $0x4000, $0x38;
	[tilespmem:$0xA108] =	vst v63  }
0x60: {  	p2 =	sne.s32 s21, $0x8  }
.Ltmp7:
0x61: {  	_ = 	snop;
	(pc) =	sbr.rel @!p2 .LBB2_16-.Ltmp7, $2  }
0x62: {  	_ =	sdelay $0x2  }
0x63: {  	s22 =	sadd.s32 $0x80, s22;
	p1 =	por !p1, !p1  }
.LBB2_10:
0x64: {  	_ =	swait.ge [sflag:s15], $0x4000  }
0x65: {  	s25 =	sshll.u32 s21, $0x7;
	[sflag:s15] =	ssyncset.done $0x0  }
0x66: {  	s23 =	sand.u32 $0x3FFFFF80, s25;
	[sflag:s15] =	ssyncadd.s32 $0xFFFFC000  }
0x67: {  	v0 =	vld [tilespmem:s23+$0x0]  }
0x68: {  	v1 =	vld [tilespmem:s23+$0x70];
	_ =	sdelay $0x3  }
0x69: {  	(v2sf) =	vpush v0, $0x0  }
0x6a: {  	(v2sf) =	vpush v1, $0xF;
	_ =	sdelay $0xd  }
0x6b: {  	s24 =	spop (v2sf)  }
0x6c: {  	s26 =	spop (v2sf)  }
0x6d: {  	p2 =	sne.s32 s24, s26  }
.Ltmp8:
0x6e: {  	_ = 	snop;
	(pc) =	sbr.rel @p2 .LBB2_14-.Ltmp8, $4  }
0x6f: {  	_ = 	snop  }
0x70: {  	s31 =	sshll.u32 s21, $0xE  }
0x71: {  	s23 =	sand.u32 $0x4000, s31  }
0x72: {  	s23 =	sor.u32 $0x1480, s23  }
0x73: {  	s25 =	simm.s32 $0x1  }
0x74: {  	s25 =	simm.s32 @!p1 $0x0  }
0x75: {  	s25 =	sshll.u32 s25, $0xE  }
0x76: {  	s25 =	sor.u32 $0x1880, s25  }
0x77: {  	v2 =	vld [tilespmem:s25+$0x300]  }
0x78: {  	v3 =	vld [tilespmem:s25+$0x310]  }
0x79: {  	v5 =	vld [tilespmem:s25+$0x320]  }
0x7a: {  	v10 =	vld [tilespmem:s25+$0x330]  }
0x7b: {  	v11 =	vld [tilespmem:s25+$0x340]  }
0x7c: {  	v14 =	vld [tilespmem:s25+$0x350]  }
0x7d: {  	v16 =	vld [tilespmem:s25+$0x360]  }
0x7e: {  	v19 =	vld [tilespmem:s25+$0x370]  }
0x7f: {  	v21 =	vld [tilespmem:s25+$0x380]  }
0x80: {  	v25 =	vld [tilespmem:s25+$0x390]  }
0x81: {  	v13 =	vld [tilespmem:s25+$0x3A0]  }
0x82: {  	v20 =	vld [tilespmem:s25+$0x3B0]  }
0x83: {  	v12 =	vld [tilespmem:s25+$0x3C0]  }
0x84: {  	v18 =	vld [tilespmem:s25+$0x3D0]  }
0x85: {  	v22 =	vld [tilespmem:s25+$0x200]  }
0x86: {  	v23 =	vld [tilespmem:s25+$0x210]  }
0x87: {  	v29 =	vld [tilespmem:s25+$0x220]  }
0x88: {  	v30 =	vld [tilespmem:s25+$0x230]  }
0x89: {  	v31 =	vld [tilespmem:s25+$0x240]  }
0x8a: {  	v32 =	vld [tilespmem:s25+$0x250]  }
0x8b: {  	v33 =	vld [tilespmem:s25+$0x260]  }
0x8c: {  	v36 =	vld [tilespmem:s25+$0x270]  }
0x8d: {  	v28 =	vld [tilespmem:s25+$0x280]  }
0x8e: {  	v4 =	vld [tilespmem:s25+$0x290]  }
0x8f: {  	v1 =	vld [tilespmem:s25+$0x2B0]  }
0x90: {  	v26 =	vld [tilespmem:s25+$0x2C0]  }
0x91: {  	v27 =	vld [tilespmem:s25+$0x2D0]  }
0x92: {  	v0 =	vmov s22;
	v39 =	vld [tilespmem:s25+$0x100]  }
0x93: {  	v40 =	vld [tilespmem:s25+$0x110]  }
0x94: {  	v41 =	vld [tilespmem:s25+$0x120]  }
0x95: {  	v42 =	vld [tilespmem:s25+$0x130]  }
0x96: {  	s26 =	simm.s32 $0x0;
	v43 =	vld [tilespmem:s25+$0x140]  }
0x97: {  	v6 =	vld.idx.msk [tilespmem:v0+s26+$0x0 ss:$0x1], $0xffff  }
0x98: {  	v44 =	vld [tilespmem:s25+$0x150]  }
0x99: {  	v45 =	vld [tilespmem:s25+$0x160]  }
0x9a: {  	v46 =	vld [tilespmem:s25+$0x170]  }
0x9b: {  	v34 =	vld [tilespmem:s25+$0x180]  }
0x9c: {  	v35 =	vld [tilespmem:s25+$0x190];
	v6 =	vcvt.s32.f32 v6  }
0x9d: {  	v37 =	vld [tilespmem:s25+$0x1A0]  }
0x9e: {  	v38 =	vld [tilespmem:s25+$0x1B0];
	v24 =	vbroadcast v6, $0xE  }
0x9f: {  	v50 =	vld [tilespmem:s25+$0x0];
	v47 =	vbroadcast v6, $0xC;
	v49 =	vbroadcast v6, $0xA  }
0xa0: {  	v63 =	vld [tilespmem:s25+$0xFFFFFC10];
	v7 =	vbroadcast v6, $0x4;
	v8 =	vbroadcast v6, $0x2  }
0xa1: {  	v60 =	vld [tilespmem:s25+$0xFFFFFC20];
	v9 =	vbroadcast v6, $0x0;
	v55 =	vmul.f32 v2, v24  }
0xa2: {  	v59 =	vld [tilespmem:s25+$0xFFFFFC30];
	v56 =	vmul.f32 v3, v24;
	v57 =	vmul.f32 v5, v24  }
0xa3: {  	v61 =	vld [tilespmem:s25+$0xFFFFFF20];
	v58 =	vmul.f32 v10, v24;
	v15 =	vmul.f32 v11, v24  }
0xa4: {  	[tilespmem:$0x1FF80] =	vst v0;
	v0 =	vld [tilespmem:s25+$0x2A0];
	v62 =	vmul.f32 v14, v24;
	v2 =	vmul.f32 v16, v24  }
0xa5: {  	v3 =	vld [tilespmem:s25+$0x10];
	v24 =	vmul.f32 v19, v24;
	v14 =	vmul.f32 v22, v47  }
0xa6: {  	v5 =	vld [tilespmem:s25+$0x20];
	v19 =	vmul.f32 v23, v47;
	v23 =	vmul.f32 v29, v47  }
0xa7: {  	v22 =	vld [tilespmem:s25+$0xFFFFFD00];
	v29 =	vmul.f32 v30, v47;
	v52 =	vmul.f32 v31, v47  }
0xa8: {  	v30 =	vld [tilespmem:s25+$0xFFFFFD10];
	v51 =	vmul.f32 v32, v47;
	v33 =	vmul.f32 v33, v47  }
0xa9: {  	v31 =	vld [tilespmem:s25+$0xFFFFFC00];
	v41 =	vmul.f32 v41, v49;
	v42 =	vmul.f32 v42, v49  }
0xaa: {  	v48 =	vmul.f32 v43, v49;
	v43 =	vld [tilespmem:s25+$0xFFFFFD20];
	v54 =	vmul.f32 v45, v49  }
0xab: {  	v17 =	vmul.f32 v46, v49;
	v45 =	vld [tilespmem:s25+$0xFFFFFE00];
	v32 =	vmul.f32 v9, v63  }
0xac: {  	v46 =	vld [tilespmem:s25+$0xFFFFFE10];
	v59 =	vmul.f32 v59, v9;
	[tilespmem:$0x1FFF0] =	vst v2;
	v2 =	vmul.f32 v36, v47  }
0xad: {  	v53 =	vimm.f32 $0.0e+00;
	v36 =	vmul.f32 v39, v49;
	v47 =	vmul.f32 v44, v49;
	v44 =	vld [tilespmem:s25+$0xFFFFFD30]  }
0xae: {  	v39 =	vmul.f32 v40, v49;
	v40 =	vmul.f32 v60, v9;
	v49 =	vld [tilespmem:s25+$0xFFFFFE20];
	v32 =	vadd.f32 v32, v53  }
0xaf: {  	v60 =	vld [tilespmem:s25+$0xFFFFFE30];
	v59 =	vadd.f32 v59, v53;
	v22 =	vmul.f32 v22, v8;
	v31 =	vmul.f32 v9, v31  }
0xb0: {  	v10 =	vld [tilespmem:s25+$0xFFFFFF00];
	v40 =	vadd.f32 v40, v53;
	v30 =	vmul.f32 v30, v8;
	v43 =	vmul.f32 v43, v8  }
0xb1: {  	v11 =	vld [tilespmem:s25+$0xFFFFFF10];
	v45 =	vmul.f32 v45, v7;
	v46 =	vmul.f32 v46, v7;
	v31 =	vadd.f32 v31, v53  }
0xb2: {  	v44 =	vmul.f32 v44, v8;
	v30 =	vadd.f32 v30, v32;
	v32 =	vld [tilespmem:s25+$0xFFFFFF30];
	v40 =	vadd.f32 v43, v40  }
0xb3: {  	v43 =	vld [tilespmem:s25+$0x30];
	v49 =	vmul.f32 v49, v7;
	v22 =	vadd.f32 v22, v31;
	v31 =	vbroadcast v6, $0x6  }
0xb4: {  	v60 =	vmul.f32 v60, v7;
	v44 =	vadd.f32 v44, v59;
	v30 =	vadd.f32 v46, v30;
	v46 =	vld [tilespmem:s25+$0x50]  }
0xb5: {  	v59 =	vbroadcast v6, $0x8;
	v40 =	vadd.f32 v49, v40;
	v49 =	vld [tilespmem:s25+$0x60];
	v10 =	vmul.f32 v10, v31  }
0xb6: {  	v22 =	vadd.f32 v45, v22;
	v45 =	vld [tilespmem:s25+$0x40];
	v11 =	vmul.f32 v11, v31;
	v61 =	vmul.f32 v61, v31  }
0xb7: {  	v44 =	vadd.f32 v60, v44;
	v3 =	vmul.f32 v3, v59;
	v60 =	vld [tilespmem:s25+$0xFFFFFC40];
	v32 =	vmul.f32 v32, v31  }
0xb8: {  	v10 =	vadd.f32 v10, v22;
	v22 =	vld [tilespmem:s25+$0x70];
	v11 =	vadd.f32 v11, v30;
	v30 =	vmul.f32 v50, v59  }
0xb9: {  	v5 =	vmul.f32 v5, v59;
	v43 =	vmul.f32 v43, v59;
	v40 =	vadd.f32 v61, v40;
	v50 =	vld [tilespmem:s25+$0xFFFFFF40]  }
0xba: {  	v61 =	vld [tilespmem:s25+$0xFFFFFC50];
	v32 =	vadd.f32 v32, v44;
	v46 =	vmul.f32 v46, v59;
	v10 =	vadd.f32 v30, v10  }
0xbb: {  	v44 =	vld [tilespmem:s25+$0xFFFFFD40];
	v49 =	vmul.f32 v49, v59;
	v11 =	vadd.f32 v3, v11;
	v5 =	vadd.f32 v5, v40  }
0xbc: {  	v30 =	vld [tilespmem:s25+$0xFFFFFD50];
	v3 =	vbroadcast v6, $0xF;
	v45 =	vmul.f32 v45, v59;
	v10 =	vadd.f32 v36, v10  }
0xbd: {  	v40 =	vld [tilespmem:s25+$0xFFFFFC70];
	v11 =	vadd.f32 v39, v11;
	v63 =	vadd.f32 v41, v5;
	v5 =	vbroadcast v6, $0xD  }
0xbe: {  	v36 =	vld [tilespmem:s25+$0xFFFFFC60];
	v21 =	vmul.f32 v21, v3;
	v16 =	vmul.f32 v22, v59;
	v22 =	vadd.f32 v43, v32  }
0xbf: {  	v41 =	vld [tilespmem:s25+$0xFFFFFD60];
	v14 =	vadd.f32 v14, v10;
	v10 =	vbroadcast v6, $0xB;
	v19 =	vadd.f32 v19, v11  }
0xc0: {  	v39 =	vld [tilespmem:s25+$0xFFFFFE40];
	v23 =	vadd.f32 v23, v63;
	v11 =	vbroadcast v6, $0x9;
	[tilespmem:$0x1FFA0] =	vst v21;
	v21 =	vmul.f32 v25, v3  }
0xc1: {  	v43 =	vld [tilespmem:s25+$0xFFFFFE50];
	v4 =	vmul.f32 v4, v5;
	v22 =	vadd.f32 v42, v22;
	v42 =	vmul.f32 v44, v8  }
0xc2: {  	v25 =	vld [tilespmem:s25+$0xB0];
	v30 =	vmul.f32 v30, v8;
	v59 =	vadd.f32 v55, v14;
	v14 =	vadd.f32 v56, v19  }
0xc3: {  	v19 =	vmul.f32 v61, v9;
	v22 =	vadd.f32 v29, v22;
	v29 =	vld [tilespmem:s25+$0xFFFFFD70];
	v55 =	vmul.f32 v36, v9  }
0xc4: {  	v41 =	vmul.f32 v41, v8;
	[tilespmem:$0x1FF90] =	vst v14;
	v14 =	vmul.f32 v60, v9;
	v60 =	vadd.f32 v57, v23;
	v23 =	vld [tilespmem:s25+$0xFFFFFE60]  }
0xc5: {  	v39 =	vmul.f32 v39, v7;
	v9 =	vmul.f32 v40, v9;
	v58 =	vadd.f32 v58, v22;
	v22 =	vld [tilespmem:s25+$0xFFFFFE70]  }
0xc6: {  	v56 =	vld [tilespmem:s25+$0x80];
	v19 =	vadd.f32 v19, v53;
	v61 =	vmul.f32 v43, v7;
	v32 =	vadd.f32 v55, v53  }
0xc7: {  	v36 =	vld [tilespmem:s25+$0xFFFFFF60];
	v57 =	vadd.f32 v14, v53;
	v14 =	vbroadcast v6, $0x7;
	v9 =	vadd.f32 v9, v53  }
0xc8: {  	v40 =	vld [tilespmem:s25+$0xFFFFFF50];
	v30 =	vadd.f32 v30, v19;
	v19 =	vbroadcast v6, $0x5;
	v8 =	vmul.f32 v29, v8  }
0xc9: {  	v32 =	vadd.f32 v41, v32;
	v29 =	vadd.f32 v42, v57;
	v42 =	vld [tilespmem:s25+$0xFFFFFF70];
	v63 =	vmul.f32 v23, v7  }
0xca: {  	v55 =	vld [tilespmem:s25+$0x1D0];
	v23 =	vbroadcast v6, $0x1;
	v8 =	vadd.f32 v8, v9;
	v7 =	vmul.f32 v22, v7  }
0xcb: {  	v57 =	vld [tilespmem:s25+$0x90];
	v22 =	vbroadcast v6, $0x3;
	v6 =	vadd.f32 v61, v30;
	v30 =	vmul.f32 v50, v31  }
0xcc: {  	v9 =	vld [tilespmem:s25+$0x1C0];
	v29 =	vadd.f32 v39, v29;
	v39 =	vmul.f32 v0, v5;
	v0 =	vmul.f32 v1, v5  }
0xcd: {  	v1 =	vld [tilespmem:s25+$0xFFFFFF90];
	v44 =	vadd.f32 v63, v32;
	v63 =	vmul.f32 v13, v3;
	v13 =	vmul.f32 v20, v3  }
0xce: {  	v20 =	vmul.f32 v34, v10;
	v34 =	vld [tilespmem:s25+$0xFFFFFD80];
	v7 =	vadd.f32 v7, v8;
	v50 =	vmul.f32 v42, v31  }
0xcf: {  	[tilespmem:$0x1FFB0] =	vst v21;
	v43 =	vmul.f32 v38, v10;
	v21 =	vadd.f32 v30, v29;
	v30 =	vmul.f32 v12, v3;
	v12 =	vld [tilespmem:s25+$0xD0]  }
0xd0: {  	[tilespmem:$0x1FFD0] =	vst v4;
	v38 =	vimm.f32 $0.0e+00;
	v40 =	vmul.f32 v40, v31;
	v4 =	vadd.f32 v50, v7;
	v7 =	vld [tilespmem:s25+$0xFFFFFF80]  }
0xd1: {  	v41 =	vmul.f32 v28, v5;
	v29 =	vmul.f32 v18, v3;
	[tilespmem:$0x1FFE0] =	vst v0;
	v18 =	vld [tilespmem:s25+$0xFFFFFE80];
	v0 =	vadd.f32 v45, v21  }
0xd2: {  	v8 =	vmul.f32 v36, v31;
	v6 =	vadd.f32 v40, v6;
	v40 =	vmul.f32 v26, v5;
	v26 =	vld [tilespmem:s25+$0xFFFFFE90]  }
0xd3: {  	v61 =	vmul.f32 v27, v5;
	v36 =	vld [tilespmem:s25+$0xFFFFFC80];
	v42 =	vmul.f32 v9, v10;
	v9 =	vadd.f32 v48, v0  }
0xd4: {  	v55 =	vmul.f32 v55, v10;
	v31 =	vld [tilespmem:s25+$0xA0];
	v8 =	vadd.f32 v8, v44;
	v6 =	vadd.f32 v46, v6  }
0xd5: {  	v45 =	vmul.f32 v35, v10;
	v0 =	vmul.f32 v7, v14;
	v7 =	vadd.f32 v52, v9;
	v9 =	vld [tilespmem:s25+$0xFFFFFCB0]  }
0xd6: {  	[tilespmem:$0x1FFC0] =	vst v13;
	v13 =	vld [tilespmem:s25+$0xC0];
	v21 =	vmul.f32 v37, v10;
	v46 =	vmul.f32 v56, v11;
	v6 =	vadd.f32 v47, v6  }
0xd7: {  	v37 =	vimm.f32 $0.0e+00;
	v50 =	vmul.f32 v57, v11;
	v48 =	vmul.f32 v25, v11;
	v25 =	vld [tilespmem:s25+$0xFFFFFC90]  }
0xd8: {  	v4 =	vadd.f32 v16, v4;
	v44 =	vmul.f32 v12, v11;
	v12 =	vld [tilespmem:s25+$0xFFFFFCA0];
	v6 =	vadd.f32 v51, v6  }
0xd9: {  	v35 =	vld [tilespmem:s25+$0xFFFFFD90];
	v1 =	vmul.f32 v1, v14;
	v8 =	vadd.f32 v49, v8;
	v34 =	vmul.f32 v34, v22  }
0xda: {  	v4 =	vadd.f32 v17, v4;
	v27 =	vadd.f32 v62, v6;
	v6 =	vmul.f32 v9, v23;
	v9 =	vld [tilespmem:$0x1FFF0]  }
0xdb: {  	v26 =	vmul.f32 v26, v19;
	v8 =	vadd.f32 v54, v8;
	v54 =	vmul.f32 v13, v11;
	v13 =	vld [tilespmem:s25+$0xFFFFFDA0]  }
0xdc: {  	v57 =	vld [tilespmem:s25+$0xFFFFFDB0];
	v36 =	vmul.f32 v36, v23;
	v47 =	vmul.f32 v31, v11;
	v2 =	vadd.f32 v2, v4  }
0xdd: {  	v8 =	vadd.f32 v33, v8;
	v25 =	vmul.f32 v25, v23;
	v4 =	vmul.f32 v12, v23;
	v12 =	vld [tilespmem:s25+$0xFFFFFFA0]  }
0xde: {  	v56 =	vld [tilespmem:s25+$0xFFFFFEA0];
	v35 =	vmul.f32 v35, v22;
	v31 =	vadd.f32 v15, v7;
	v28 =	vadd.f32 v24, v2  }
0xdf: {  	v52 =	vmul.f32 v18, v19;
	v7 =	vld [tilespmem:s25+$0xFFFFFEB0];
	v32 =	vadd.f32 v9, v8;
	v9 =	vadd.f32 v25, v53  }
0xe0: {  	v13 =	vmul.f32 v13, v22;
	v2 =	vld [tilespmem:s25+$0xFFFFFFB0];
	v15 =	vadd.f32 v4, v53;
	v8 =	vadd.f32 v36, v53  }
0xe1: {  	v4 =	vld [tilespmem:s25+$0xFFFFFFC0];
	v24 =	vadd.f32 v6, v53;
	v25 =	vmul.f32 v57, v22;
	v62 =	vadd.f32 v35, v9  }
0xe2: {  	v13 =	vadd.f32 v13, v15;
	v6 =	vld [tilespmem:s25+$0xFFFFFFD0];
	v12 =	vmul.f32 v12, v14;
	v57 =	vadd.f32 v34, v8  }
0xe3: {  	v9 =	vmul.f32 v56, v19;
	v15 =	vadd.f32 v25, v24;
	v8 =	vld [tilespmem:s25+$0xFFFFFEC0];
	v34 =	vadd.f32 v26, v62  }
0xe4: {  	s26 =	simm.s32 $0x40;
	v35 =	vmul.f32 v7, v19;
	v7 =	vld [tilespmem:s25+$0xFFFFFED0];
	v33 =	vadd.f32 v52, v57;
	v26 =	vimm.f32 $0.0e+00  }
.LBB2_12:
0xe5: {  	v1 =	vadd.f32 v1, v34  }
0xe6: {  	v16 =	vld [tilespmem:$0x1FFD0]  }
0xe7: {  	v1 =	vadd.f32 v50, v1  }
0xe8: {  	v9 =	vadd.f32 v9, v13;
	v13 =	vadd.f32 v35, v15;
	v2 =	vmul.f32 v2, v14  }
0xe9: {  	v1 =	vadd.f32 v45, v1  }
0xea: {  	v2 =	vadd.f32 v2, v13  }
0xeb: {  	v1 =	vadd.f32 v16, v1;
	v16 =	vld [tilespmem:$0x1FFE0]  }
0xec: {  	v9 =	vadd.f32 v12, v9;
	v2 =	vadd.f32 v48, v2  }
0xed: {  	v0 =	vadd.f32 v0, v33  }
0xee: {  	v9 =	vadd.f32 v47, v9;
	v2 =	vadd.f32 v43, v2  }
0xef: {  	v0 =	vadd.f32 v46, v0  }
0xf0: {  	v9 =	vadd.f32 v21, v9;
	v2 =	vadd.f32 v16, v2;
	v16 =	vld [tilespmem:$0x1FFA0]  }
0xf1: {  	v36 =	vld [tilespmem:s25+$0xFFFFFDC0];
	v0 =	vadd.f32 v20, v0  }
0xf2: {  	v49 =	vld [tilespmem:s25+$0xFFFFFCC0];
	v9 =	vadd.f32 v39, v9  }
0xf3: {  	v52 =	vld [tilespmem:s25+$0xFFFFFDE0];
	v0 =	vadd.f32 v41, v0  }
0xf4: {  	v12 =	vld [tilespmem:s25+$0xFFFFFCD0];
	v9 =	vadd.f32 v63, v9  }
0xf5: {  	v13 =	vld [tilespmem:s25+$0xFFFFFCE0];
	v0 =	vadd.f32 v16, v0  }
0xf6: {  	[tilespmem:$0x1FF30] =	vst v9;
	v9 =	vld [tilespmem:$0x1FFC0]  }
0xf7: {  	[tilespmem:$0x1FF10] =	vst v0;
	v0 =	vld [tilespmem:$0x1FFB0]  }
0xf8: {  	v15 =	vld [tilespmem:s25+$0xFFFFFDD0]  }
0xf9: {  	v50 =	vld [tilespmem:s25+$0xFFFFFCF0];
	v4 =	vmul.f32 v4, v14  }
0xfa: {  	v56 =	vld [tilespmem:s25+$0xFFFFFDF0];
	v8 =	vmul.f32 v8, v19;
	v7 =	vmul.f32 v7, v19  }
0xfb: {  	v57 =	vld [tilespmem:s25+$0xFFFFFEE0];
	v33 =	vmul.f32 v49, v23;
	v12 =	vmul.f32 v12, v23;
	v2 =	vadd.f32 v9, v2  }
0xfc: {  	v51 =	vmul.f32 v36, v22;
	v13 =	vmul.f32 v13, v23;
	v0 =	vadd.f32 v0, v1  }
0xfd: {  	v62 =	vld [tilespmem:s25+$0xFFFFFEF0];
	v15 =	vmul.f32 v15, v22;
	v9 =	vadd.f32 v12, v26;
	[tilespmem:$0x1FF40] =	vst v2;
	v2 =	vadd.f32 v33, v53  }
0xfe: {  	v13 =	vadd.f32 v13, v37;
	v12 =	vmul.f32 v52, v22;
	v1 =	vld [tilespmem:s25+$0xFFFFFFE0];
	[tilespmem:$0x1FF20] =	vst v0;
	v0 =	vmul.f32 v50, v23  }
0xff: {  	v22 =	vmul.f32 v56, v22;
	v9 =	vadd.f32 v15, v9;
	v2 =	vadd.f32 v51, v2;
	v23 =	vld [tilespmem:s25+$0xFFFFFFF0]  }
0x100: {  	v24 =	vld [tilespmem:s25+$0xE0];
	v15 =	vmul.f32 v57, v19;
	v12 =	vadd.f32 v12, v13;
	v0 =	vadd.f32 v0, v38  }
0x101: {  	v25 =	vld [tilespmem:s25+$0xF0];
	v6 =	vmul.f32 v6, v14;
	v7 =	vadd.f32 v7, v9;
	v2 =	vadd.f32 v8, v2  }
0x102: {  	v13 =	vmul.f32 v62, v19;
	v9 =	vadd.f32 v15, v12;
	v0 =	vadd.f32 v22, v0  }
0x103: {  	v8 =	vld [tilespmem:s25+$0x1F0];
	v2 =	vadd.f32 v4, v2;
	v4 =	vadd.f32 v6, v7  }
0x104: {  	v7 =	vld [tilespmem:s25+$0x2F0];
	v1 =	vmul.f32 v1, v14;
	v12 =	vmul.f32 v23, v14;
	v0 =	vadd.f32 v13, v0  }
0x105: {  	v6 =	vmul.f32 v24, v11;
	v13 =	vld [tilespmem:s25+$0x2E0]  }
0x106: {  	v1 =	vadd.f32 v1, v9;
	v9 =	vmul.f32 v25, v11;
	v11 =	vld [tilespmem:s25+$0x3E0];
	v0 =	vadd.f32 v12, v0  }
0x107: {  	v14 =	vld [tilespmem:s25+$0x3F0]  }
0x108: {  	v19 =	vld [tilespmem:s25+$0x1E0];
	s25 =	sadd.s32 $0x800, s25;
	v1 =	vadd.f32 v6, v1;
	v6 =	vmul.f32 v8, v10;
	v0 =	vadd.f32 v9, v0  }
0x109: {  	v15 =	vld [tilespmem:s25+$0x300]  }
0x10a: {  	v8 =	vld [tilespmem:s25+$0x310];
	v9 =	vmul.f32 v13, v5;
	v5 =	vmul.f32 v7, v5;
	v0 =	vadd.f32 v6, v0  }
0x10b: {  	v20 =	vld [tilespmem:s25+$0x380]  }
0x10c: {  	v21 =	vld [tilespmem:s25+$0x390];
	v7 =	vmul.f32 v11, v3;
	v3 =	vmul.f32 v14, v3;
	v0 =	vadd.f32 v5, v0  }
0x10d: {  	[tilespmem:$0x1FE00] =	vst v27;
	v27 =	vld [tilespmem:s25+$0x3A0]  }
0x10e: {  	[tilespmem:$0x1FE20] =	vst v28;
	v28 =	vld [tilespmem:s25+$0x3B0];
	v0 =	vadd.f32 v3, v0  }
0x10f: {  	v33 =	vld [tilespmem:s25+$0x3C0]  }
0x110: {  	[tilespmem:$0x1FE40] =	vst v0;
	v0 =	vld [tilespmem:$0x1FF80]  }
0x111: {  	v34 =	vld [tilespmem:s25+$0x3D0]  }
0x112: {  	v35 =	vld [tilespmem:s25+$0x200]  }
0x113: {  	v2 =	vadd.f32 v54, v2;
	v36 =	vld [tilespmem:s25+$0x210]  }
0x114: {  	v37 =	vld [tilespmem:s25+$0x220]  }
0x115: {  	v2 =	vadd.f32 v42, v2;
	v38 =	vld [tilespmem:s25+$0x230]  }
0x116: {  	v4 =	vadd.f32 v44, v4;
	v39 =	vld [tilespmem:s25+$0x240]  }
0x117: {  	s28 =	sshra.s32 s26, $0x2;
	v2 =	vadd.f32 v40, v2;
	v40 =	vld [tilespmem:s25+$0x250]  }
0x118: {  	v4 =	vadd.f32 v55, v4;
	v0 =	vld.idx.msk [tilespmem:v0+s28+$0x0 ss:$0x1], $0xffff  }
0x119: {  	v41 =	vld [tilespmem:s25+$0x260]  }
0x11a: {  	v4 =	vadd.f32 v61, v4;
	v42 =	vld [tilespmem:s25+$0x270];
	v2 =	vadd.f32 v30, v2  }
0x11b: {  	v43 =	vld [tilespmem:s25+$0x280]  }
0x11c: {  	v44 =	vld [tilespmem:s25+$0x290];
	[tilespmem:$0x1FDA0] =	vst v2;
	v2 =	vadd.f32 v29, v4  }
0x11d: {  	v45 =	vld [tilespmem:s25+$0x2A0];
	v0 =	vcvt.s32.f32 v0  }
0x11e: {  	v46 =	vld [tilespmem:s25+$0x2B0]  }
0x11f: {  	v48 =	vld [tilespmem:s25+$0x2D0];
	v12 =	vmul.f32 v19, v10;
	v29 =	vbroadcast v0, $0xE  }
0x120: {  	v49 =	vld [tilespmem:s25+$0x100];
	[tilespmem:$0x1FF70] =	vst v2;
	v2 =	vmov v58;
	v3 =	vbroadcast v0, $0xF;
	v58 =	vbroadcast v0, $0xC  }
0x121: {  	v50 =	vld [tilespmem:s25+$0x110];
	v5 =	vbroadcast v0, $0xD;
	v18 =	vbroadcast v0, $0xA  }
0x122: {  	v16 =	vld [tilespmem:s25+$0x120];
	v10 =	vbroadcast v0, $0xB;
	v25 =	vbroadcast v0, $0x8  }
0x123: {  	v17 =	vld [tilespmem:s25+$0x130];
	v11 =	vbroadcast v0, $0x9;
	v55 =	vbroadcast v0, $0x6  }
0x124: {  	v24 =	vld [tilespmem:s25+$0x140];
	v14 =	vbroadcast v0, $0x7;
	v56 =	vbroadcast v0, $0x4  }
0x125: {  	v51 =	vld [tilespmem:s25+$0x150];
	v19 =	vbroadcast v0, $0x5;
	v61 =	vbroadcast v0, $0x2  }
0x126: {  	v13 =	vld [tilespmem:s25+$0x320];
	v22 =	vbroadcast v0, $0x3;
	v62 =	vbroadcast v0, $0x0  }
0x127: {  	v52 =	vld [tilespmem:s25+$0x160];
	v23 =	vbroadcast v0, $0x1;
	v0 =	vmul.f32 v15, v29  }
0x128: {  	v6 =	vld [tilespmem:s25+$0x330]  }
0x129: {  	v53 =	vld [tilespmem:s25+$0x170];
	[tilespmem:$0x1FDC0] =	vst v0;
	v0 =	vmul.f32 v8, v29  }
0x12a: {  	v1 =	vadd.f32 v12, v1;
	v12 =	vld [tilespmem:s25+$0x340]  }
0x12b: {  	v54 =	vld [tilespmem:s25+$0x180];
	[tilespmem:$0x1FDD0] =	vst v0;
	v0 =	vmul.f32 v13, v29  }
0x12c: {  	v1 =	vadd.f32 v9, v1;
	v9 =	vld [tilespmem:s25+$0x350]  }
0x12d: {  	v26 =	vld [tilespmem:s25+$0x190];
	[tilespmem:$0x1FDE0] =	vst v0;
	v0 =	vmul.f32 v6, v29  }
0x12e: {  	v4 =	vld [tilespmem:s25+$0x360]  }
0x12f: {  	v63 =	vmov v32;
	v32 =	vld [tilespmem:s25+$0xC0];
	[tilespmem:$0x1FDF0] =	vst v0;
	v0 =	vmul.f32 v12, v29  }
0x130: {  	v1 =	vadd.f32 v7, v1;
	v7 =	vld [tilespmem:s25+$0x370]  }
0x131: {  	v30 =	vld [tilespmem:s25+$0x1A0];
	[tilespmem:$0x1FED0] =	vst v0;
	v0 =	vmul.f32 v9, v29  }
0x132: {  	[tilespmem:$0x1FE30] =	vst v1;
	v15 =	vld [tilespmem:s25+$0x1B0];
	v57 =	vmul.f32 v44, v5;
	v8 =	vmul.f32 v36, v58  }
0x133: {  	v36 =	vmul.f32 v37, v58;
	v37 =	vld [tilespmem:s25+$0x50];
	[tilespmem:$0x1FEE0] =	vst v0;
	v0 =	vmul.f32 v4, v29  }
0x134: {  	v42 =	vmul.f32 v42, v58;
	[tilespmem:$0x1FFD0] =	vst v57;
	v57 =	vld [tilespmem:s25+$0x80]  }
0x135: {  	v13 =	vld [tilespmem:s25+$0x1C0];
	[tilespmem:$0x1FEF0] =	vst v0;
	v0 =	vmul.f32 v7, v29  }
0x136: {  	[tilespmem:$0x1FEC0] =	vst v42;
	v6 =	vmul.f32 v38, v58;
	v38 =	vld [tilespmem:s25+$0x60];
	v4 =	vmul.f32 v46, v5  }
0x137: {  	v12 =	vld [tilespmem:s25+$0x0];
	[tilespmem:$0x1FF00] =	vst v0;
	v0 =	vmul.f32 v20, v3  }
0x138: {  	v9 =	vld [tilespmem:s25+$0x1D0];
	v7 =	vmul.f32 v35, v58;
	v35 =	vmul.f32 v41, v58;
	[tilespmem:$0x1FFE0] =	vst v4  }
0x139: {  	v29 =	vld [tilespmem:s25+$0x70];
	[tilespmem:$0x1FFA0] =	vst v0;
	v0 =	vmul.f32 v21, v3  }
0x13a: {  	v4 =	vmul.f32 v24, v18;
	v24 =	vld [tilespmem:s25+$0xD0];
	[tilespmem:$0x1FEB0] =	vst v35  }
0x13b: {  	v1 =	vmul.f32 v45, v5;
	v20 =	vld [tilespmem:s25+$0x40];
	[tilespmem:$0x1FFB0] =	vst v0;
	v0 =	vmul.f32 v27, v3  }
0x13c: {  	[tilespmem:$0x1FE60] =	vst v4;
	v35 =	vmul.f32 v51, v18;
	v4 =	vmul.f32 v52, v18;
	v51 =	vld [tilespmem:s25+$0xFFFFFE00]  }
0x13d: {  	v16 =	vmul.f32 v16, v18;
	v52 =	vld [tilespmem:s25+$0xFFFFFE10];
	[tilespmem:$0x1FE10] =	vst v0;
	v0 =	vmul.f32 v28, v3  }
0x13e: {  	v42 =	vmul.f32 v13, v10;
	v21 =	vld [tilespmem:s25+$0x10];
	[tilespmem:$0x1FE70] =	vst v4;
	v4 =	vmul.f32 v53, v18  }
0x13f: {  	v45 =	vmul.f32 v12, v25;
	v53 =	vld [tilespmem:s25+$0xFFFFFD10];
	[tilespmem:$0x1FFC0] =	vst v0;
	v0 =	vmul.f32 v33, v3  }
0x140: {  	v12 =	vmul.f32 v29, v25;
	v29 =	vld [tilespmem:s25+$0xFFFFFC20];
	[tilespmem:$0x1FE80] =	vst v4;
	v4 =	vmul.f32 v54, v10  }
0x141: {  	v44 =	vmul.f32 v24, v11;
	v27 =	vld [tilespmem:s25+$0x20];
	[tilespmem:$0x1FDB0] =	vst v0;
	v0 =	vmul.f32 v34, v3  }
0x142: {  	v13 =	vmul.f32 v20, v25;
	v28 =	vld [tilespmem:s25+$0x30];
	[tilespmem:$0x1FF50] =	vst v4;
	v4 =	vmul.f32 v30, v10  }
0x143: {  	v24 =	vld [tilespmem:s25+$0xFFFFFD20];
	v21 =	vmul.f32 v21, v25;
	[tilespmem:$0x1FE50] =	vst v0;
	v0 =	vmul.f32 v39, v58  }
0x144: {  	v20 =	vld [tilespmem:s25+$0xFFFFFC00];
	[tilespmem:$0x1FF60] =	vst v4;
	v4 =	vmul.f32 v15, v10;
	v15 =	vmul.f32 v37, v25  }
0x145: {  	v30 =	vld [tilespmem:s25+$0xFFFFFD00];
	v34 =	vmul.f32 v43, v5;
	[tilespmem:$0x1FE90] =	vst v0;
	v0 =	vmul.f32 v40, v58  }
0x146: {  	v43 =	vmul.f32 v9, v10;
	v9 =	vmul.f32 v38, v25;
	v38 =	vld [tilespmem:s25+$0xFFFFFC30]  }
0x147: {  	v27 =	vmul.f32 v27, v25;
	v28 =	vmul.f32 v28, v25;
	v25 =	vld [tilespmem:s25+$0xFFFFFC10]  }
0x148: {  	v17 =	vmul.f32 v17, v18;
	v46 =	vmul.f32 v57, v11;
	v58 =	vld [tilespmem:s25+$0xB0]  }
0x149: {  	v54 =	vmul.f32 v32, v11;
	v20 =	vmul.f32 v62, v20;
	[tilespmem:$0x1FEA0] =	vst v0;
	v0 =	vmov v59;
	v59 =	vld [tilespmem:s25+$0x90]  }
0x14a: {  	v39 =	vmul.f32 v49, v18;
	v40 =	vmov v31;
	v31 =	vmul.f32 v50, v18;
	v18 =	vld [tilespmem:s25+$0xFFFFFF00]  }
0x14b: {  	v51 =	vmul.f32 v51, v56;
	v30 =	vmul.f32 v30, v61;
	v20 =	vadd.f32 v20, v0;
	v0 =	vld [tilespmem:$0x1FF90]  }
0x14c: {  	v32 =	vld [tilespmem:s25+$0xFFFFFD30];
	v53 =	vmul.f32 v53, v61;
	v29 =	vmul.f32 v29, v62  }
0x14d: {  	v33 =	vmul.f32 v48, v5;
	v37 =	vld [tilespmem:s25+$0xFFFFFF20];
	v24 =	vmul.f32 v24, v61;
	v20 =	vadd.f32 v30, v20  }
0x14e: {  	v29 =	vadd.f32 v29, v60;
	v25 =	vmul.f32 v62, v25;
	v50 =	vmul.f32 v59, v11;
	v59 =	vld [tilespmem:s25+$0xFFFFFE20]  }
0x14f: {  	v48 =	vmul.f32 v58, v11;
	v18 =	vmul.f32 v18, v55;
	v58 =	vld [tilespmem:s25+$0xFFFFFE30];
	v20 =	vadd.f32 v51, v20  }
0x150: {  	v49 =	vmul.f32 v26, v10;
	v26 =	vld [tilespmem:s25+$0xFFFFFF10];
	v57 =	vmul.f32 v38, v62;
	v25 =	vadd.f32 v25, v0  }
0x151: {  	v52 =	vmul.f32 v52, v56;
	v24 =	vadd.f32 v24, v29;
	v38 =	vld [tilespmem:s25+$0xFFFFFF30];
	v18 =	vadd.f32 v18, v20  }
0x152: {  	v32 =	vmul.f32 v32, v61;
	v57 =	vadd.f32 v57, v2;
	v25 =	vadd.f32 v53, v25  }
0x153: {  	v37 =	vmul.f32 v37, v55;
	v18 =	vadd.f32 v45, v18;
	v30 =	vmul.f32 v59, v56  }
0x154: {  	v29 =	vadd.f32 v32, v57;
	v60 =	vmul.f32 v58, v56;
	v25 =	vadd.f32 v52, v25;
	v59 =	vld [tilespmem:s25+$0xFFFFFD40]  }
0x155: {  	v26 =	vmul.f32 v26, v55;
	v18 =	vadd.f32 v39, v18;
	v39 =	vmovc v1;
	v1 =	vld [tilespmem:$0x1FDC0];
	v24 =	vadd.f32 v30, v24  }
0x156: {  	v29 =	vadd.f32 v60, v29;
	v30 =	vmul.f32 v38, v55  }
0x157: {  	v20 =	vadd.f32 v26, v25;
	v24 =	vadd.f32 v37, v24  }
0x158: {  	v7 =	vadd.f32 v7, v18;
	v26 =	vadd.f32 v30, v29  }
0x159: {  	v60 =	vld [tilespmem:s25+$0xFFFFFD50];
	v24 =	vadd.f32 v27, v24  }
0x15a: {  	v26 =	vadd.f32 v28, v26;
	v28 =	vmul.f32 v59, v61;
	v59 =	vadd.f32 v1, v7;
	v7 =	vld [tilespmem:$0x1FDE0]  }
0x15b: {  	v47 =	vld [tilespmem:s25+$0x2C0];
	v16 =	vadd.f32 v16, v24  }
0x15c: {  	v2 =	vld [tilespmem:s25+$0xFFFFFF60]  }
0x15d: {  	v57 =	vld [tilespmem:s25+$0xFFFFFE40];
	v20 =	vadd.f32 v21, v20;
	v16 =	vadd.f32 v36, v16  }
0x15e: {  	v58 =	vld [tilespmem:s25+$0xFFFFFE50]  }
0x15f: {  	v20 =	vadd.f32 v31, v20;
	v31 =	vmul.f32 v60, v61;
	v60 =	vadd.f32 v7, v16;
	v7 =	vld [tilespmem:$0x1FDF0]  }
0x160: {  	v0 =	vld [tilespmem:s25+$0xFFFFFF40];
	v17 =	vadd.f32 v17, v26  }
0x161: {  	v52 =	vld [tilespmem:s25+$0xFFFFFD60]  }
0x162: {  	v30 =	vld [tilespmem:s25+$0xFFFFFC50];
	v6 =	vadd.f32 v6, v17  }
0x163: {  	v25 =	vld [tilespmem:s25+$0xFFFFFC40]  }
0x164: {  	v51 =	vmul.f32 v58, v56;
	v58 =	vadd.f32 v7, v6;
	v7 =	vld [tilespmem:$0x1FE00]  }
0x165: {  	v1 =	vld [tilespmem:$0x1FDD0]  }
0x166: {  	v21 =	vld [tilespmem:s25+$0xFFFFFC60]  }
0x167: {  	v27 =	vld [tilespmem:s25+$0xFFFFFC70];
	v18 =	vmul.f32 v30, v62  }
0x168: {  	v24 =	vmul.f32 v25, v62;
	v25 =	vld [tilespmem:s25+$0xFFFFFD70];
	v8 =	vadd.f32 v8, v20  }
0x169: {  	v7 =	vadd.f32 v18, v7;
	v18 =	vld [tilespmem:$0x1FE20]  }
0x16a: {  	v20 =	vld [tilespmem:s25+$0xFFFFFE60];
	v1 =	vadd.f32 v1, v8  }
0x16b: {  	v41 =	vmul.f32 v47, v5;
	v17 =	vmul.f32 v21, v62;
	v21 =	vld [tilespmem:s25+$0xFFFFFE70]  }
0x16c: {  	v2 =	vmul.f32 v2, v55;
	v53 =	vld [tilespmem:s25+$0xFFFFFF50];
	[tilespmem:$0x1FF90] =	vst v1;
	v1 =	vmul.f32 v27, v62  }
0x16d: {  	v8 =	vmul.f32 v52, v61;
	v16 =	vld [tilespmem:s25+$0xFFFFFF70];
	v17 =	vadd.f32 v17, v63;
	v6 =	vadd.f32 v24, v40  }
0x16e: {  	v47 =	vld [tilespmem:s25+$0xA0];
	v37 =	vmul.f32 v57, v56;
	v1 =	vadd.f32 v1, v18;
	v18 =	vmul.f32 v25, v61  }
0x16f: {  	v20 =	vmul.f32 v20, v56;
	v8 =	vadd.f32 v8, v17;
	v24 =	vld [tilespmem:s25+$0xFFFFFF80];
	v6 =	vadd.f32 v28, v6  }
0x170: {  	v0 =	vmul.f32 v0, v55;
	v38 =	vld [tilespmem:$0x1FE40];
	v17 =	vmul.f32 v21, v56;
	v1 =	vadd.f32 v18, v1  }
0x171: {  	v29 =	vmul.f32 v53, v55;
	v26 =	vld [tilespmem:s25+$0xFFFFFD80];
	v8 =	vadd.f32 v20, v8;
	v6 =	vadd.f32 v37, v6  }
0x172: {  	v16 =	vmul.f32 v16, v55;
	v55 =	vmovc v43;
	v43 =	vmov v4;
	v4 =	vld [tilespmem:$0x1FE60];
	v1 =	vadd.f32 v17, v1  }
0x173: {  	v53 =	vld [tilespmem:$0x1FDA0];
	v2 =	vadd.f32 v2, v8;
	v6 =	vadd.f32 v0, v6  }
0x174: {  	v0 =	vmul.f32 v24, v14;
	v24 =	vld [tilespmem:$0x1FE90];
	v7 =	vadd.f32 v31, v7;
	v8 =	vadd.f32 v16, v1  }
0x175: {  	v30 =	vld [tilespmem:$0x1FDB0];
	v6 =	vadd.f32 v13, v6  }
0x176: {  	v7 =	vadd.f32 v51, v7;
	v8 =	vadd.f32 v12, v8;
	v12 =	vmul.f32 v26, v22;
	v26 =	vld [tilespmem:$0x1FED0]  }
0x177: {  	v63 =	vld [tilespmem:$0x1FE10];
	v6 =	vadd.f32 v4, v6  }
0x178: {  	v25 =	vld [tilespmem:s25+$0xFFFFFF90];
	v7 =	vadd.f32 v29, v7  }
0x179: {  	v6 =	vadd.f32 v24, v6;
	v24 =	vld [tilespmem:$0x1FEA0]  }
0x17a: {  	v21 =	vld [tilespmem:s25+$0xFFFFFE90];
	v7 =	vadd.f32 v15, v7  }
0x17b: {  	v31 =	vadd.f32 v26, v6;
	v6 =	vld [tilespmem:$0x1FEE0]  }
0x17c: {  	v4 =	vld [tilespmem:$0x1FE70];
	v7 =	vadd.f32 v35, v7  }
0x17d: {  	v20 =	vld [tilespmem:s25+$0xFFFFFC80]  }
0x17e: {  	v1 =	vmul.f32 v25, v14;
	v25 =	vld [tilespmem:$0x1FEB0];
	v7 =	vadd.f32 v24, v7  }
0x17f: {  	v2 =	vadd.f32 v9, v2;
	v9 =	vld [tilespmem:s25+$0xFFFFFCB0]  }
0x180: {  	v27 =	vadd.f32 v6, v7;
	v7 =	vld [tilespmem:$0x1FEF0]  }
0x181: {  	v2 =	vadd.f32 v4, v2;
	v4 =	vld [tilespmem:$0x1FE80]  }
0x182: {  	v37 =	vld [tilespmem:$0x1FE30]  }
0x183: {  	v2 =	vadd.f32 v25, v2;
	v25 =	vld [tilespmem:$0x1FEC0]  }
0x184: {  	v13 =	vld [tilespmem:s25+$0xFFFFFCA0]  }
0x185: {  	v32 =	vadd.f32 v7, v2;
	v2 =	vld [tilespmem:$0x1FF00]  }
0x186: {  	v29 =	vld [tilespmem:$0x1FE50];
	v4 =	vadd.f32 v4, v8  }
0x187: {  	v18 =	vld [tilespmem:s25+$0xFFFFFE80]  }
0x188: {  	v17 =	vld [tilespmem:s25+$0xFFFFFD90];
	v4 =	vadd.f32 v25, v4  }
0x189: {  	v16 =	vld [tilespmem:s25+$0xFFFFFC90]  }
0x18a: {  	v28 =	vadd.f32 v2, v4;
	v2 =	vld [tilespmem:$0x1FF10]  }
0x18b: {  	v4 =	vld [tilespmem:$0x1FF30]  }
0x18c: {  	v24 =	vld [tilespmem:s25+$0xFFFFFEA0]  }
0x18d: {  	v15 =	vmul.f32 v17, v22;
	v17 =	vld [tilespmem:s25+$0xFFFFFDA0];
	v8 =	vmul.f32 v20, v23  }
0x18e: {  	v13 =	vmul.f32 v13, v23;
	v20 =	vld [tilespmem:s25+$0xFFFFFDB0]  }
0x18f: {  	v7 =	vadd.f32 v8, v2;
	v2 =	vld [tilespmem:$0x1FF20]  }
0x190: {  	v13 =	vadd.f32 v13, v4;
	v4 =	vld [tilespmem:$0x1FF40]  }
0x191: {  	v18 =	vmul.f32 v18, v19;
	v26 =	vld [tilespmem:s25+$0xFFFFFFA0];
	v7 =	vadd.f32 v12, v7  }
0x192: {  	v16 =	vmul.f32 v16, v23;
	v25 =	vld [tilespmem:s25+$0xFFFFFEB0]  }
0x193: {  	v61 =	vmov v33;
	v6 =	vmul.f32 v9, v23;
	v33 =	vadd.f32 v18, v7;
	v7 =	vld [tilespmem:s25+$0xFFFFFED0]  }
0x194: {  	v8 =	vadd.f32 v16, v2;
	v2 =	vld [tilespmem:s25+$0xFFFFFFB0]  }
0x195: {  	p2 =	sne.s32 s26, $0x1C0;
	v20 =	vmul.f32 v20, v22;
	v16 =	vmul.f32 v17, v22;
	v17 =	vadd.f32 v6, v4;
	v4 =	vld [tilespmem:s25+$0xFFFFFFC0]  }
.Ltmp9:
0x196: {  	v6 =	vld [tilespmem:s25+$0xFFFFFFD0];
	(pc) =	sbr.rel @p2 .LBB2_12-.Ltmp9, $4  }
0x197: {  	v21 =	vmul.f32 v21, v19;
	v12 =	vadd.f32 v15, v8;
	v15 =	vadd.f32 v20, v17;
	v20 =	vld [tilespmem:$0x1FF50]  }
0x198: {  	v47 =	vmul.f32 v47, v11;
	v8 =	vld [tilespmem:s25+$0xFFFFFEC0]  }
0x199: {  	v40 =	vmovc v41;
	v41 =	vmov v34;
	v9 =	vmul.f32 v24, v19;
	v34 =	vadd.f32 v21, v12;
	v21 =	vld [tilespmem:$0x1FF60]  }
0x19a: {  	s26 =	sadd.s32 $0x40, s26;
	v45 =	vmovc v49;
	v35 =	vmul.f32 v25, v19;
	v13 =	vadd.f32 v16, v13;
	v12 =	vmul.f32 v26, v14;
	v26 =	vld [tilespmem:$0x1FF70]  }
0x19b: {  	v16 =	vld [tilespmem:s25+$0xFFFFFDC0]  }
0x19c: {  	v17 =	vld [tilespmem:s25+$0xFFFFFCC0]  }
0x19d: {  	v36 =	vld [tilespmem:s25+$0xFFFFFCD0]  }
0x19e: {  	v0 =	vadd.f32 v0, v33;
	v1 =	vadd.f32 v1, v34;
	v18 =	vld [tilespmem:s25+$0xFFFFFCF0]  }
0x19f: {  	v2 =	vmul.f32 v2, v14;
	v24 =	vld [tilespmem:$0x1FFD0];
	v9 =	vadd.f32 v9, v13;
	v25 =	vadd.f32 v35, v15  }
0x1a0: {  	v51 =	vld [tilespmem:$0x1FFA0];
	v0 =	vadd.f32 v46, v0;
	v1 =	vadd.f32 v50, v1  }
0x1a1: {  	v4 =	vmul.f32 v4, v14;
	v52 =	vld [tilespmem:$0x1FFB0];
	v9 =	vadd.f32 v12, v9;
	v2 =	vadd.f32 v2, v25  }
0x1a2: {  	v6 =	vmul.f32 v6, v14;
	v46 =	vld [tilespmem:s25+$0xFFFFFCE0];
	v0 =	vadd.f32 v20, v0;
	v1 =	vadd.f32 v45, v1  }
0x1a3: {  	v35 =	vld [tilespmem:s25+$0xFFFFFDD0];
	v9 =	vadd.f32 v47, v9;
	v2 =	vadd.f32 v48, v2;
	v17 =	vmul.f32 v17, v23  }
0x1a4: {  	v25 =	vld [tilespmem:$0x1FFE0];
	v12 =	vmul.f32 v36, v23;
	v0 =	vadd.f32 v41, v0;
	v1 =	vadd.f32 v24, v1  }
0x1a5: {  	v57 =	vld [tilespmem:$0x1FFC0];
	v18 =	vmul.f32 v18, v23;
	v9 =	vadd.f32 v21, v9;
	v2 =	vadd.f32 v43, v2  }
0x1a6: {  	v16 =	vmul.f32 v16, v22;
	v47 =	vld [tilespmem:s25+$0xFFFFFDE0];
	v17 =	vadd.f32 v17, v53;
	v12 =	vadd.f32 v12, v26  }
0x1a7: {  	v48 =	vld [tilespmem:s25+$0xFFFFFDF0];
	v13 =	vmul.f32 v46, v23;
	v18 =	vadd.f32 v18, v38;
	v0 =	vadd.f32 v51, v0  }
0x1a8: {  	v56 =	vld [tilespmem:s25+$0xFFFFFFE0];
	v15 =	vmul.f32 v35, v22;
	v1 =	vadd.f32 v52, v1;
	v9 =	vadd.f32 v39, v9  }
0x1a9: {  	v7 =	vmul.f32 v7, v19;
	v49 =	vld [tilespmem:s25+$0xFFFFFEE0];
	v2 =	vadd.f32 v25, v2;
	v13 =	vadd.f32 v13, v37  }
0x1aa: {  	v8 =	vmul.f32 v8, v19;
	v50 =	vld [tilespmem:s25+$0xFFFFFEF0];
	v16 =	vadd.f32 v16, v17;
	v12 =	vadd.f32 v15, v12  }
0x1ab: {  	v62 =	vld [tilespmem:s25+$0xFFFFFFF0];
	v20 =	vmul.f32 v47, v22;
	v0 =	vadd.f32 v0, v59;
	v9 =	vadd.f32 v63, v9  }
0x1ac: {  	v33 =	vld [tilespmem:s25+$0xF0];
	v21 =	vmul.f32 v48, v22;
	v2 =	vadd.f32 v57, v2;
	v8 =	vadd.f32 v8, v16  }
0x1ad: {  	v36 =	vmul.f32 v56, v14;
	v63 =	vld [tilespmem:s25+$0xE0];
	v7 =	vadd.f32 v7, v12;
	v13 =	vadd.f32 v20, v13  }
0x1ae: {  	v45 =	vld [tilespmem:s25+$0x2F0];
	v24 =	vmul.f32 v49, v19;
	v18 =	vadd.f32 v21, v18;
	v4 =	vadd.f32 v4, v8  }
0x1af: {  	v35 =	vld [tilespmem:s25+$0x1E0];
	v34 =	vmul.f32 v50, v19;
	v6 =	vadd.f32 v6, v7;
	v56 =	vadd.f32 v9, v60  }
0x1b0: {  	v37 =	vld [tilespmem:s25+$0x1F0];
	v58 =	vadd.f32 v2, v58;
	v13 =	vadd.f32 v24, v13  }
0x1b1: {  	v41 =	vld [tilespmem:s25+$0x2E0];
	v39 =	vmul.f32 v62, v14;
	v38 =	vadd.f32 v34, v18;
	v4 =	vadd.f32 v54, v4  }
0x1b2: {  	v6 =	vadd.f32 v44, v6;
	v54 =	vld [tilespmem:$0x1FF90];
	v43 =	vmul.f32 v63, v11;
	v12 =	vadd.f32 v36, v13  }
0x1b3: {  	v50 =	vld [tilespmem:s25+$0x3E0];
	v47 =	vmul.f32 v33, v11;
	v46 =	vadd.f32 v39, v38;
	v4 =	vadd.f32 v42, v4  }
0x1b4: {  	v51 =	vld [tilespmem:s25+$0x3F0];
	v48 =	vmul.f32 v35, v10;
	v6 =	vadd.f32 v55, v6;
	v7 =	vadd.f32 v43, v12  }
0x1b5: {  	v49 =	vmul.f32 v37, v10;
	v11 =	vadd.f32 v47, v46;
	v4 =	vadd.f32 v40, v4  }
0x1b6: {  	s24 =	sshll.u32 s24, $0x9;
	v52 =	vmul.f32 v41, v5;
	v6 =	vadd.f32 v61, v6;
	v7 =	vadd.f32 v48, v7  }
0x1b7: {  	s24 =	sshra.s32 s24, $0x2;
	v53 =	vmul.f32 v45, v5;
	v10 =	vadd.f32 v49, v11;
	v1 =	vadd.f32 v1, v54  }
0x1b8: {  	[tilespmem:s24+$0xC80] =	vst.add.f32.msk $0xffff, v0;
	v55 =	vmul.f32 v50, v3;
	v4 =	vadd.f32 v30, v4;
	v7 =	vadd.f32 v52, v7  }
0x1b9: {  	v57 =	vmul.f32 v51, v3;
	[tilespmem:s24+$0xCA0] =	vst.add.f32.msk $0xffff, v56;
	v6 =	vadd.f32 v29, v6;
	v5 =	vadd.f32 v53, v10  }
0x1ba: {  	[tilespmem:s24+$0xCB0] =	vst.add.f32.msk $0xffff, v58;
	v60 =	vadd.f32 v4, v31;
	v59 =	vadd.f32 v55, v7  }
.Ltmp10:
0x1bb: {  	[tilespmem:s24+$0xC90] =	vst.add.f32.msk $0xffff, v1;
	v61 =	vadd.f32 v6, v27;
	v3 =	vadd.f32 v57, v5;
	(pc) =	sbr.rel .LBB2_15-.Ltmp10, $4  }
0x1bc: {  	[tilespmem:s24+$0xCC0] =	vst.add.f32.msk $0xffff, v60;
	v62 =	vadd.f32 v59, v32  }
0x1bd: {  	[tilespmem:s24+$0xCD0] =	vst.add.f32.msk $0xffff, v61;
	v63 =	vadd.f32 v3, v28  }
0x1be: {  	[tilespmem:s24+$0xCE0] =	vst.add.f32.msk $0xffff, v62  }
0x1bf: {  	[tilespmem:s24+$0xCF0] =	vst.add.f32.msk $0xffff, v63  }
.LBB2_17:
0x1c0: {  	_ =	sfence.sel $0x180000  }
0x1c1: {  	[bflag:$0x0] =	sbarrier.arrive $0xFFFF  }
0x1c2: {  	_ =	strace $0x90000047  }
0x1c3: {  	s0 =	sadd.s32 @!p0 $0x100000, s0;
	[bflag:$0x2] =	sbarrier.arrive $0xFFFF  }
0x1c4: {  	[sflag:s0] =	ssyncadd.tile.s32 @!p0 $0x1;
	_ =	shalt  }
.Lfunc_end2:
_tile_overlayer_lowered:
.L_overlay_start_2:
0x1c5: {  	(tag) =	ssettag $0x2  }
0x1c6: {  	s0 =	rddreg [dreg:$0x0];
	s2 =	stileid.u32  }
0x1c7: {  	s1 =	rddreg [dreg:$0x1];
	p0 =	sne.s32 s2, $0x0  }
0x1c8: {  	s3 =	rddreg [dreg:$0x2];
	[bflag:$0x3] =	sbarrier.arrive $0xFFFF;
	s2 =	simm.s32 @!p0 $0x1C02  }
0x1c9: {  	[timem:s3], [sflag:s2] =	dma.local @!p0 [hbm:s0], s1  }
0x1ca: {  	s0 =	simm.s32 @!p0 $0x2  }
0x1cb: {  	_ =	swait.ge @!p0 [sflag:s0], s1  }
0x1cc: {  	s1 =	ssub.s32 @!p0 $0x0, s1;
	[sflag:s0] =	ssyncset.done @!p0 $0x0  }
0x1cd: {  	[sflag:s0] =	ssyncadd.s32 @!p0 s1  }
0x1ce: {  	[bflag:$0x3] =	sbarrier.arrive $0xFFFF  }
0x1cf: {  	_ =	shalt  }

</sc_bundles>
